<compile_context>
chip_gen: v7x
topology: tpu7x:2x2x1
jax: 0.10.2.dev20260603
libtpu: 0.0.44.dev20260713+nightly
codegen_flags: <defaults>
</compile_context>

<pallas_src>
import functools
import math

import jax
import jax.numpy as jnp
from jax import lax
from jax.experimental import pallas as pl
from jax.experimental.pallas import tpu as pltpu
from jax.experimental.pallas import tpu_sc as plsc

B = 16384
S_DIM = 32
T_DIM = 32
PI_REF = 3.1415926235897933
GAMMA = 12.0
EMB_RANGE = GAMMA / float(S_DIM + T_DIM)
INV_2SCALE = PI_REF / (2.0 * EMB_RANGE)

NW = 32
QPW = B // NW
CH = 64
NCHUNK = QPW // CH

_TWO_PI = 6.283185307179586
_INV_2PI = 0.15915494309189535
_C3 = -0.1666666587584901
_C5 = 0.00833332023467762
_C7 = -0.00019840491560017788
_C9 = 2.7535159818767513e-06
_C11 = -2.472396353305536e-08
_C13 = 1.3601221017511822e-10


def _sin(x):
    k = x * _INV_2PI
    k = k + 0.5 * jnp.sign(k)
    kf = lax.convert_element_type(lax.convert_element_type(k, jnp.int32), jnp.float32)
    r = x - kf * _TWO_PI
    r2 = r * r
    p = _C13
    p = p * r2 + _C11
    p = p * r2 + _C9
    p = p * r2 + _C7
    p = p * r2 + _C5
    p = p * r2 + _C3
    return r + r * (r2 * p)


def _sinc(z):
    s = z * math.pi
    return jnp.where(z == 0.0, jnp.float32(1.0), _sin(s) / s)


def _sqrt(a):
    i = lax.bitcast_convert_type(a, jnp.int32)
    i = 0x5F3759DF - lax.shift_right_logical(i, 1)
    y = lax.bitcast_convert_type(i, jnp.float32)
    for _ in range(3):
        y = y * (1.5 - 0.5 * a * y * y)
    return jnp.where(a > 0.0, a * y, jnp.float32(0.0))


def _make_kernel():
    mesh = plsc.VectorSubcoreMesh(core_axis_name="c", subcore_axis_name="s")
    f32 = jnp.float32
    i32 = jnp.int32

    scratch = (
        [pltpu.VMEM((QPW,), i32)] * 3
        + [pltpu.VMEM((QPW,), f32)] * 3
        + [pltpu.VMEM((2 * CH, S_DIM), f32)] * 22
        + [pltpu.VMEM((2 * CH, 2 * S_DIM), f32)] * 3
        + [pltpu.VMEM((CH * 16,), f32)] * 2
        + [pltpu.VMEM((QPW,), f32)]
        + [pltpu.SemaphoreType.DMA]
    )

    @functools.partial(
        pl.kernel,
        out_type=jax.ShapeDtypeStruct((B,), f32),
        mesh=mesh,
        scratch_types=scratch,
        compiler_params=pltpu.CompilerParams(
            needs_layout_passes=False, use_tc_tiling_on_sc=False),
    )
    def sc_kernel(heads, rels, tails, years, months, days,
                  ent_h, ent_t, rel_f, rel_i, rel_j,
                  m_fh, m_ft, m_ph, m_pt, m_ah, m_at,
                  d_fh, d_ft, d_ph, d_pt, d_ah, d_at,
                  y_fh, y_ft, y_ph, y_pt, y_ah, y_at,
                  out,
                  hv, tv, rv, yv, mv, dv,
                  g_eh_h, g_et_h, g_eh_t, g_et_t,
                  g_yfh, g_yph, g_yah, g_mfh, g_mph, g_mah,
                  g_dfh, g_dph, g_dah,
                  g_yft, g_ypt, g_yat, g_mft, g_mpt, g_mat,
                  g_dft, g_dpt, g_dat,
                  g_r1, g_r2, g_r3,
                  psb, msb, outv, sem):
        wid = lax.axis_index("s") * 2 + lax.axis_index("c")
        base = wid * QPW

        pltpu.sync_copy(heads.at[pl.ds(base, QPW)], hv)
        pltpu.sync_copy(tails.at[pl.ds(base, QPW)], tv)
        pltpu.sync_copy(rels.at[pl.ds(base, QPW)], rv)
        pltpu.sync_copy(years.at[pl.ds(base, QPW)], yv)
        pltpu.sync_copy(months.at[pl.ds(base, QPW)], mv)
        pltpu.sync_copy(days.at[pl.ds(base, QPW)], dv)

        def tbody(i, carry):
            s = pl.multiple_of(i * 16, 16)
            sl = pl.ds(s, 16)
            yv[sl] = yv[sl] - 2010.0
            mv[sl] = mv[sl] * (1.0 / 6.0) - 1.0
            dv[sl] = dv[sl] * 0.0625 - 1.0
            return carry
        lax.fori_loop(0, QPW // 16, tbody, 0)

        head_tabs = [(ent_h, g_eh_h), (ent_t, g_et_h),
                     (y_fh, g_yfh), (y_ph, g_yph), (y_ah, g_yah),
                     (m_fh, g_mfh), (m_ph, g_mph), (m_ah, g_mah),
                     (d_fh, g_dfh), (d_ph, g_dph), (d_ah, g_dah)]
        tail_tabs = [(ent_h, g_eh_t), (ent_t, g_et_t),
                     (y_ft, g_yft), (y_pt, g_ypt), (y_at, g_yat),
                     (m_ft, g_mft), (m_pt, g_mpt), (m_at, g_mat),
                     (d_ft, g_dft), (d_pt, g_dpt), (d_at, g_dat)]
        rel_tabs = [(rel_f, g_r1), (rel_i, g_r2), (rel_j, g_r3)]
        all_tabs = (head_tabs, tail_tabs, rel_tabs)

        def issue(c, par):
            co = c * CH
            off = par * CH
            hidx = hv.at[pl.ds(co, CH)]
            tidx = tv.at[pl.ds(co, CH)]
            ridx = rv.at[pl.ds(co, CH)]
            for idx, tabs in zip((hidx, tidx, ridx), all_tabs):
                for tab, buf in tabs:
                    pltpu.async_copy(tab.at[idx], buf.at[pl.ds(off, CH)], sem)

        def drain(par):
            off = par * CH
            for idx_src, tabs in zip((hv, tv, rv), all_tabs):
                for tab, buf in tabs:
                    pltpu.make_async_copy(
                        tab.at[idx_src.at[pl.ds(0, CH)]],
                        buf.at[pl.ds(off, CH)], sem).wait()

        issue(0, 0)

        def cbody(c, carry0):
            co = c * CH
            par = lax.rem(c, 2)
            poff = par * CH

            @pl.when(c + 1 < NCHUNK)
            def _():
                issue(c + 1, 1 - par)

            drain(par)

            def qbody(q, carry):
                gq = jnp.full((16,), co + q, i32)
                row = poff + q
                ty = plsc.load_gather(yv, [gq])
                tm = plsc.load_gather(mv, [gq])
                td = plsc.load_gather(dv, [gq])
                ps = jnp.zeros((16,), f32)
                ms = jnp.zeros((16,), f32)
                for c2 in (0, 16):
                    dsl = pl.ds(c2, 16)
                    dsl2 = pl.ds(32 + c2, 16)
                    th = (g_yah[row, dsl] * _sinc(g_yfh[row, dsl] * ty + g_yph[row, dsl])
                          + g_mah[row, dsl] * _sinc(g_mfh[row, dsl] * tm + g_mph[row, dsl])
                          + g_dah[row, dsl] * _sinc(g_dfh[row, dsl] * td + g_dph[row, dsl]))
                    tt = (g_yat[row, dsl] * _sinc(g_yft[row, dsl] * ty + g_ypt[row, dsl])
                          + g_mat[row, dsl] * _sinc(g_mft[row, dsl] * tm + g_mpt[row, dsl])
                          + g_dat[row, dsl] * _sinc(g_dft[row, dsl] * td + g_dpt[row, dsl]))
                    phase1 = (g_eh_h[row, dsl] + g_r1[row, dsl] - g_et_t[row, dsl]) * INV_2SCALE
                    phase2 = (th + g_r1[row, dsl2] - tt) * INV_2SCALE
                    ps = ps + jnp.abs(_sin(phase1)) + jnp.abs(_sin(phase2))
                    moda = jnp.abs(g_r2[row, dsl])
                    biasa = jnp.maximum(jnp.minimum(g_r3[row, dsl], 1.0), -moda)
                    rsc1 = g_eh_t[row, dsl] * (moda + biasa) - g_et_h[row, dsl] * (1.0 - biasa)
                    modb = jnp.abs(g_r2[row, dsl2])
                    biasb = jnp.maximum(jnp.minimum(g_r3[row, dsl2], 1.0), -modb)
                    rsc2 = th * (modb + biasb) - tt * (1.0 - biasb)
                    ms = ms + rsc1 * rsc1 + rsc2 * rsc2
                qo = pl.multiple_of(q * 16, 16)
                psb[pl.ds(qo, 16)] = ps
                msb[pl.ds(qo, 16)] = ms
                return carry
            lax.fori_loop(0, CH, qbody, 0)

            iota = lax.iota(i32, 16)

            def gbody(g, carry):
                def kbody(k, accs):
                    ap, am = accs
                    idx = (iota + g * 16) * 16 + k
                    ap = ap + plsc.load_gather(psb, [idx])
                    am = am + plsc.load_gather(msb, [idx])
                    return (ap, am)
                ap, am = lax.fori_loop(
                    0, 16, kbody,
                    (jnp.zeros((16,), f32), jnp.zeros((16,), f32)))
                res = GAMMA - (0.5 * ap + _sqrt(am))
                outv[pl.ds(co + g * 16, 16)] = res
                return carry
            lax.fori_loop(0, CH // 16, gbody, 0)
            return carry0

        lax.fori_loop(0, NCHUNK, cbody, 0)

        pltpu.sync_copy(outv, out.at[pl.ds(base, QPW)])

    return sc_kernel


_sc_kernel_cache = []


def _get_sc_kernel():
    if not _sc_kernel_cache:
        _sc_kernel_cache.append(_make_kernel())
    return _sc_kernel_cache[0]


@jax.jit
def kernel(heads, rels, tails, years, months, days,
           ent_embs_h, ent_embs_t, rel_embs_f, rel_embs_i, rel_embs_j,
           m_freq_h, m_freq_t, m_phi_h, m_phi_t, m_amps_h, m_amps_t,
           d_freq_h, d_freq_t, d_phi_h, d_phi_t, d_amps_h, d_amps_t,
           y_freq_h, y_freq_t, y_phi_h, y_phi_t, y_amps_h, y_amps_t):
    return _get_sc_kernel()(
        heads, rels, tails, years, months, days,
        ent_embs_h, ent_embs_t, rel_embs_f, rel_embs_i, rel_embs_j,
        m_freq_h, m_freq_t, m_phi_h, m_phi_t, m_amps_h, m_amps_t,
        d_freq_h, d_freq_t, d_phi_h, d_phi_t, d_amps_h, d_amps_t,
        y_freq_h, y_freq_t, y_phi_h, y_phi_t, y_amps_h, y_amps_t)

# --- scband reference (transcript-rebuilt; emitter-appended) ---
"""Pipeline reference for scband-de-hake-15985868276420 (READ-ONLY COPY).

The authoritative reference and input builder live on the scoring server;
editing this copy changes nothing except your own understanding.
"""

import jax, jax.numpy as jnp
import numpy as np

NUM_ENT = 100000
NUM_REL = 1000
S_DIM = 32
T_DIM = 32
B = 16384
PI = 3.1415926235897933
GAMMA = 12.0
EMB_RANGE = GAMMA / float(S_DIM + T_DIM)
PHASE_W = 0.5
MOD_W = 1.0

TABLE_SPECS = [
    ("ent_embs_h", NUM_ENT, S_DIM), ("ent_embs_t", NUM_ENT, S_DIM),
    ("rel_embs_f", NUM_REL, S_DIM + T_DIM), ("rel_embs_i", NUM_REL, S_DIM + T_DIM), ("rel_embs_j", NUM_REL, S_DIM + T_DIM),
] + [(p + n + s, NUM_ENT, T_DIM) for p in ("m_", "d_", "y_") for n in ("freq_", "phi_", "amps_") for s in ("h", "t")]
TABLE_ORDER = [t[0] for t in TABLE_SPECS]


def setup_inputs(seed: int = 0) -> dict:
    key = jax.random.key(seed)
    inp = {}
    inp["heads"] = jax.random.randint(jax.random.fold_in(key, 1), (B,), 0, NUM_ENT, dtype=jnp.int32)
    inp["rels"] = jax.random.randint(jax.random.fold_in(key, 2), (B,), 0, NUM_REL, dtype=jnp.int32)
    inp["tails"] = jax.random.randint(jax.random.fold_in(key, 3), (B,), 0, NUM_ENT, dtype=jnp.int32)
    inp["years"] = jax.random.uniform(jax.random.fold_in(key, 4), (B,), dtype=jnp.float32) * 10.0 + 2010.0
    inp["months"] = jax.random.uniform(jax.random.fold_in(key, 5), (B,), dtype=jnp.float32) * 12.0
    inp["days"] = jax.random.uniform(jax.random.fold_in(key, 6), (B,), dtype=jnp.float32) * 31.0
    for i, (name, n, d) in enumerate(TABLE_SPECS):
        inp[name] = jax.random.normal(jax.random.fold_in(key, 100 + i), (n, d), dtype=jnp.float32) * 0.05
    return inp


def _forward(heads, rels, tails, years, months, days, p):
    y = years.reshape(-1, 1) - 2010.0
    m = months.reshape(-1, 1) / 6.0 - 1.0
    d = days.reshape(-1, 1) / 16.0 - 1.0

    def temb(e, s):
        return (p["y_amps_" + s][e] * jnp.sinc(p["y_freq_" + s][e] * y + p["y_phi_" + s][e])
                + p["m_amps_" + s][e] * jnp.sinc(p["m_freq_" + s][e] * m + p["m_phi_" + s][e])
                + p["d_amps_" + s][e] * jnp.sinc(p["d_freq_" + s][e] * d + p["d_phi_" + s][e]))

    th = temb(heads, "h")
    tt = temb(tails, "t")
    h1 = jnp.concatenate([p["ent_embs_h"][heads], th], axis=1)
    t1 = jnp.concatenate([p["ent_embs_t"][tails], tt], axis=1)
    h2 = jnp.concatenate([p["ent_embs_h"][tails], th], axis=1)
    t2 = jnp.concatenate([p["ent_embs_t"][heads], tt], axis=1)
    r1 = p["rel_embs_f"][rels]
    r2 = p["rel_embs_i"][rels]
    r3 = p["rel_embs_j"][rels]
    scale = EMB_RANGE / PI
    phase = (h1 + r1 - t1) / scale
    mod_rel = jnp.abs(r2)
    bias = jnp.minimum(r3, 1.0)
    bias = jnp.where(bias < -mod_rel, -mod_rel, bias)
    r_sc = h2 * (mod_rel + bias) - t2 * (1.0 - bias)
    phase_score = jnp.sum(jnp.abs(jnp.sin(phase / 2.0)), axis=1) * PHASE_W
    mod_score = jnp.linalg.norm(r_sc, axis=1) * MOD_W
    # dropout is identity in eval / p=0
    return GAMMA - (phase_score + mod_score)


def reference(heads, rels, tails, years, months, days,
              ent_embs_h, ent_embs_t, rel_embs_f, rel_embs_i, rel_embs_j,
              m_freq_h, m_freq_t, m_phi_h, m_phi_t, m_amps_h, m_amps_t,
              d_freq_h, d_freq_t, d_phi_h, d_phi_t, d_amps_h, d_amps_t,
              y_freq_h, y_freq_t, y_phi_h, y_phi_t, y_amps_h, y_amps_t):
    kw = dict(locals())
    tabs = {n: kw[n] for n in TABLE_ORDER}
    return _forward(kw["heads"], kw["rels"], kw["tails"], kw["years"], kw["months"], kw["days"], tabs)

if __name__ == "__main__":
    import jax
    _d = setup_inputs()
    print(jax.jit(kernel)(*tuple(_d.values())))

</pallas_src>

<mosaic_0001>
#map = affine_map<(d0, d1) -> (0)>
#map1 = affine_map<(d0, d1) -> (0, 0)>
module attributes {stable_mosaic.version = 14 : i64} {
  func.func @sc_kernel(%arg0: i32, %arg1: i32, %arg2: memref<16384xi32, #tpu.memory_space<hbm>>, %arg3: memref<16384xi32, #tpu.memory_space<hbm>>, %arg4: memref<16384xi32, #tpu.memory_space<hbm>>, %arg5: memref<16384xf32, #tpu.memory_space<hbm>>, %arg6: memref<16384xf32, #tpu.memory_space<hbm>>, %arg7: memref<16384xf32, #tpu.memory_space<hbm>>, %arg8: memref<100000x32xf32, #tpu.memory_space<hbm>>, %arg9: memref<100000x32xf32, #tpu.memory_space<hbm>>, %arg10: memref<1000x64xf32, #tpu.memory_space<hbm>>, %arg11: memref<1000x64xf32, #tpu.memory_space<hbm>>, %arg12: memref<1000x64xf32, #tpu.memory_space<hbm>>, %arg13: memref<100000x32xf32, #tpu.memory_space<hbm>>, %arg14: memref<100000x32xf32, #tpu.memory_space<hbm>>, %arg15: memref<100000x32xf32, #tpu.memory_space<hbm>>, %arg16: memref<100000x32xf32, #tpu.memory_space<hbm>>, %arg17: memref<100000x32xf32, #tpu.memory_space<hbm>>, %arg18: memref<100000x32xf32, #tpu.memory_space<hbm>>, %arg19: memref<100000x32xf32, #tpu.memory_space<hbm>>, %arg20: memref<100000x32xf32, #tpu.memory_space<hbm>>, %arg21: memref<100000x32xf32, #tpu.memory_space<hbm>>, %arg22: memref<100000x32xf32, #tpu.memory_space<hbm>>, %arg23: memref<100000x32xf32, #tpu.memory_space<hbm>>, %arg24: memref<100000x32xf32, #tpu.memory_space<hbm>>, %arg25: memref<100000x32xf32, #tpu.memory_space<hbm>>, %arg26: memref<100000x32xf32, #tpu.memory_space<hbm>>, %arg27: memref<100000x32xf32, #tpu.memory_space<hbm>>, %arg28: memref<100000x32xf32, #tpu.memory_space<hbm>>, %arg29: memref<100000x32xf32, #tpu.memory_space<hbm>>, %arg30: memref<100000x32xf32, #tpu.memory_space<hbm>>, %arg31: memref<16384xf32, #tpu.memory_space<hbm>>, %arg32: memref<512xi32, #tpu.memory_space<vmem>>, %arg33: memref<512xi32, #tpu.memory_space<vmem>>, %arg34: memref<512xi32, #tpu.memory_space<vmem>>, %arg35: memref<512xf32, #tpu.memory_space<vmem>>, %arg36: memref<512xf32, #tpu.memory_space<vmem>>, %arg37: memref<512xf32, #tpu.memory_space<vmem>>, %arg38: memref<128x32xf32, #tpu.memory_space<vmem>>, %arg39: memref<128x32xf32, #tpu.memory_space<vmem>>, %arg40: memref<128x32xf32, #tpu.memory_space<vmem>>, %arg41: memref<128x32xf32, #tpu.memory_space<vmem>>, %arg42: memref<128x32xf32, #tpu.memory_space<vmem>>, %arg43: memref<128x32xf32, #tpu.memory_space<vmem>>, %arg44: memref<128x32xf32, #tpu.memory_space<vmem>>, %arg45: memref<128x32xf32, #tpu.memory_space<vmem>>, %arg46: memref<128x32xf32, #tpu.memory_space<vmem>>, %arg47: memref<128x32xf32, #tpu.memory_space<vmem>>, %arg48: memref<128x32xf32, #tpu.memory_space<vmem>>, %arg49: memref<128x32xf32, #tpu.memory_space<vmem>>, %arg50: memref<128x32xf32, #tpu.memory_space<vmem>>, %arg51: memref<128x32xf32, #tpu.memory_space<vmem>>, %arg52: memref<128x32xf32, #tpu.memory_space<vmem>>, %arg53: memref<128x32xf32, #tpu.memory_space<vmem>>, %arg54: memref<128x32xf32, #tpu.memory_space<vmem>>, %arg55: memref<128x32xf32, #tpu.memory_space<vmem>>, %arg56: memref<128x32xf32, #tpu.memory_space<vmem>>, %arg57: memref<128x32xf32, #tpu.memory_space<vmem>>, %arg58: memref<128x32xf32, #tpu.memory_space<vmem>>, %arg59: memref<128x32xf32, #tpu.memory_space<vmem>>, %arg60: memref<128x64xf32, #tpu.memory_space<vmem>>, %arg61: memref<128x64xf32, #tpu.memory_space<vmem>>, %arg62: memref<128x64xf32, #tpu.memory_space<vmem>>, %arg63: memref<1024xf32, #tpu.memory_space<vmem>>, %arg64: memref<1024xf32, #tpu.memory_space<vmem>>, %arg65: memref<512xf32, #tpu.memory_space<vmem>>, %arg66: memref<!tpu.dma_semaphore, #tpu.memory_space<semaphore_mem>>) attributes {dimension_semantics = [#tpu.dimension_semantics<core_parallel>, #tpu.dimension_semantics<subcore_parallel>], iteration_bounds = array<i64: 2, 16>, scalar_prefetch = 0 : i64, scratch_operands = 35 : i64, tpu.core_type = #tpu.core_type<sc_vector_subcore>, window_params = [{transform_indices = #map}, {transform_indices = #map}, {transform_indices = #map}, {transform_indices = #map}, {transform_indices = #map}, {transform_indices = #map}, {transform_indices = #map1}, {transform_indices = #map1}, {transform_indices = #map1}, {transform_indices = #map1}, {transform_indices = #map1}, {transform_indices = #map1}, {transform_indices = #map1}, {transform_indices = #map1}, {transform_indices = #map1}, {transform_indices = #map1}, {transform_indices = #map1}, {transform_indices = #map1}, {transform_indices = #map1}, {transform_indices = #map1}, {transform_indices = #map1}, {transform_indices = #map1}, {transform_indices = #map1}, {transform_indices = #map1}, {transform_indices = #map1}, {transform_indices = #map1}, {transform_indices = #map1}, {transform_indices = #map1}, {transform_indices = #map1}, {transform_indices = #map}]} {
    %mul3A = arith.constant 2 : i32
    %mul3A_0 = arith.muli %arg1, %mul3A : i32
    %add3A = arith.addi %mul3A_0, %arg0 : i32
    %mul3A_1 = arith.constant 512 : i32
    %mul3A_2 = arith.muli %add3A, %mul3A_1 : i32
    "tpu.region"() ({
      %run_scoped3A = tpu.sem_alloc : memref<!tpu.dma_semaphore, #tpu.memory_space<semaphore_mem>>
      %dma_start3A_213 = tpu.memref_slice %arg2[%mul3A_2] : memref<16384xi32, #tpu.memory_space<hbm>> -> memref<512xi32, #tpu.memory_space<hbm>>
      %dma_start3A_214 = tpu.memref_slice %arg2[%mul3A_2] : memref<16384xi32, #tpu.memory_space<hbm>> -> memref<512xi32, #tpu.memory_space<hbm>>
      tpu.enqueue_dma source(%dma_start3A_214 : memref<512xi32, #tpu.memory_space<hbm>>) target(%arg32 : memref<512xi32, #tpu.memory_space<vmem>>) target_semaphore(%run_scoped3A : memref<!tpu.dma_semaphore, #tpu.memory_space<semaphore_mem>>)
      %dma_wait3A = tpu.memref_slice %arg2[%mul3A_2] : memref<16384xi32, #tpu.memory_space<hbm>> -> memref<512xi32, #tpu.memory_space<hbm>>
      %dma_wait3A_215 = tpu.memref_slice %arg2[%mul3A_2] : memref<16384xi32, #tpu.memory_space<hbm>> -> memref<512xi32, #tpu.memory_space<hbm>>
      tpu.wait_dma2 semaphore(%run_scoped3A : memref<!tpu.dma_semaphore, #tpu.memory_space<semaphore_mem>>) src(%dma_wait3A_215 : memref<512xi32, #tpu.memory_space<hbm>>) dst(%arg32 : memref<512xi32, #tpu.memory_space<vmem>>)
      tpu.yield
    }) : () -> ()
    "tpu.region"() ({
      %run_scoped3A = tpu.sem_alloc : memref<!tpu.dma_semaphore, #tpu.memory_space<semaphore_mem>>
      %dma_start3A_213 = tpu.memref_slice %arg4[%mul3A_2] : memref<16384xi32, #tpu.memory_space<hbm>> -> memref<512xi32, #tpu.memory_space<hbm>>
      %dma_start3A_214 = tpu.memref_slice %arg4[%mul3A_2] : memref<16384xi32, #tpu.memory_space<hbm>> -> memref<512xi32, #tpu.memory_space<hbm>>
      tpu.enqueue_dma source(%dma_start3A_214 : memref<512xi32, #tpu.memory_space<hbm>>) target(%arg33 : memref<512xi32, #tpu.memory_space<vmem>>) target_semaphore(%run_scoped3A : memref<!tpu.dma_semaphore, #tpu.memory_space<semaphore_mem>>)
      %dma_wait3A = tpu.memref_slice %arg4[%mul3A_2] : memref<16384xi32, #tpu.memory_space<hbm>> -> memref<512xi32, #tpu.memory_space<hbm>>
      %dma_wait3A_215 = tpu.memref_slice %arg4[%mul3A_2] : memref<16384xi32, #tpu.memory_space<hbm>> -> memref<512xi32, #tpu.memory_space<hbm>>
      tpu.wait_dma2 semaphore(%run_scoped3A : memref<!tpu.dma_semaphore, #tpu.memory_space<semaphore_mem>>) src(%dma_wait3A_215 : memref<512xi32, #tpu.memory_space<hbm>>) dst(%arg33 : memref<512xi32, #tpu.memory_space<vmem>>)
      tpu.yield
    }) : () -> ()
    "tpu.region"() ({
      %run_scoped3A = tpu.sem_alloc : memref<!tpu.dma_semaphore, #tpu.memory_space<semaphore_mem>>
      %dma_start3A_213 = tpu.memref_slice %arg3[%mul3A_2] : memref<16384xi32, #tpu.memory_space<hbm>> -> memref<512xi32, #tpu.memory_space<hbm>>
      %dma_start3A_214 = tpu.memref_slice %arg3[%mul3A_2] : memref<16384xi32, #tpu.memory_space<hbm>> -> memref<512xi32, #tpu.memory_space<hbm>>
      tpu.enqueue_dma source(%dma_start3A_214 : memref<512xi32, #tpu.memory_space<hbm>>) target(%arg34 : memref<512xi32, #tpu.memory_space<vmem>>) target_semaphore(%run_scoped3A : memref<!tpu.dma_semaphore, #tpu.memory_space<semaphore_mem>>)
      %dma_wait3A = tpu.memref_slice %arg3[%mul3A_2] : memref<16384xi32, #tpu.memory_space<hbm>> -> memref<512xi32, #tpu.memory_space<hbm>>
      %dma_wait3A_215 = tpu.memref_slice %arg3[%mul3A_2] : memref<16384xi32, #tpu.memory_space<hbm>> -> memref<512xi32, #tpu.memory_space<hbm>>
      tpu.wait_dma2 semaphore(%run_scoped3A : memref<!tpu.dma_semaphore, #tpu.memory_space<semaphore_mem>>) src(%dma_wait3A_215 : memref<512xi32, #tpu.memory_space<hbm>>) dst(%arg34 : memref<512xi32, #tpu.memory_space<vmem>>)
      tpu.yield
    }) : () -> ()
    "tpu.region"() ({
      %run_scoped3A = tpu.sem_alloc : memref<!tpu.dma_semaphore, #tpu.memory_space<semaphore_mem>>
      %dma_start3A_213 = tpu.memref_slice %arg5[%mul3A_2] : memref<16384xf32, #tpu.memory_space<hbm>> -> memref<512xf32, #tpu.memory_space<hbm>>
      %dma_start3A_214 = tpu.memref_slice %arg5[%mul3A_2] : memref<16384xf32, #tpu.memory_space<hbm>> -> memref<512xf32, #tpu.memory_space<hbm>>
      tpu.enqueue_dma source(%dma_start3A_214 : memref<512xf32, #tpu.memory_space<hbm>>) target(%arg35 : memref<512xf32, #tpu.memory_space<vmem>>) target_semaphore(%run_scoped3A : memref<!tpu.dma_semaphore, #tpu.memory_space<semaphore_mem>>)
      %dma_wait3A = tpu.memref_slice %arg5[%mul3A_2] : memref<16384xf32, #tpu.memory_space<hbm>> -> memref<512xf32, #tpu.memory_space<hbm>>
      %dma_wait3A_215 = tpu.memref_slice %arg5[%mul3A_2] : memref<16384xf32, #tpu.memory_space<hbm>> -> memref<512xf32, #tpu.memory_space<hbm>>
      tpu.wait_dma2 semaphore(%run_scoped3A : memref<!tpu.dma_semaphore, #tpu.memory_space<semaphore_mem>>) src(%dma_wait3A_215 : memref<512xf32, #tpu.memory_space<hbm>>) dst(%arg35 : memref<512xf32, #tpu.memory_space<vmem>>)
      tpu.yield
    }) : () -> ()
    "tpu.region"() ({
      %run_scoped3A = tpu.sem_alloc : memref<!tpu.dma_semaphore, #tpu.memory_space<semaphore_mem>>
      %dma_start3A_213 = tpu.memref_slice %arg6[%mul3A_2] : memref<16384xf32, #tpu.memory_space<hbm>> -> memref<512xf32, #tpu.memory_space<hbm>>
      %dma_start3A_214 = tpu.memref_slice %arg6[%mul3A_2] : memref<16384xf32, #tpu.memory_space<hbm>> -> memref<512xf32, #tpu.memory_space<hbm>>
      tpu.enqueue_dma source(%dma_start3A_214 : memref<512xf32, #tpu.memory_space<hbm>>) target(%arg36 : memref<512xf32, #tpu.memory_space<vmem>>) target_semaphore(%run_scoped3A : memref<!tpu.dma_semaphore, #tpu.memory_space<semaphore_mem>>)
      %dma_wait3A = tpu.memref_slice %arg6[%mul3A_2] : memref<16384xf32, #tpu.memory_space<hbm>> -> memref<512xf32, #tpu.memory_space<hbm>>
      %dma_wait3A_215 = tpu.memref_slice %arg6[%mul3A_2] : memref<16384xf32, #tpu.memory_space<hbm>> -> memref<512xf32, #tpu.memory_space<hbm>>
      tpu.wait_dma2 semaphore(%run_scoped3A : memref<!tpu.dma_semaphore, #tpu.memory_space<semaphore_mem>>) src(%dma_wait3A_215 : memref<512xf32, #tpu.memory_space<hbm>>) dst(%arg36 : memref<512xf32, #tpu.memory_space<vmem>>)
      tpu.yield
    }) : () -> ()
    "tpu.region"() ({
      %run_scoped3A = tpu.sem_alloc : memref<!tpu.dma_semaphore, #tpu.memory_space<semaphore_mem>>
      %dma_start3A_213 = tpu.memref_slice %arg7[%mul3A_2] : memref<16384xf32, #tpu.memory_space<hbm>> -> memref<512xf32, #tpu.memory_space<hbm>>
      %dma_start3A_214 = tpu.memref_slice %arg7[%mul3A_2] : memref<16384xf32, #tpu.memory_space<hbm>> -> memref<512xf32, #tpu.memory_space<hbm>>
      tpu.enqueue_dma source(%dma_start3A_214 : memref<512xf32, #tpu.memory_space<hbm>>) target(%arg37 : memref<512xf32, #tpu.memory_space<vmem>>) target_semaphore(%run_scoped3A : memref<!tpu.dma_semaphore, #tpu.memory_space<semaphore_mem>>)
      %dma_wait3A = tpu.memref_slice %arg7[%mul3A_2] : memref<16384xf32, #tpu.memory_space<hbm>> -> memref<512xf32, #tpu.memory_space<hbm>>
      %dma_wait3A_215 = tpu.memref_slice %arg7[%mul3A_2] : memref<16384xf32, #tpu.memory_space<hbm>> -> memref<512xf32, #tpu.memory_space<hbm>>
      tpu.wait_dma2 semaphore(%run_scoped3A : memref<!tpu.dma_semaphore, #tpu.memory_space<semaphore_mem>>) src(%dma_wait3A_215 : memref<512xf32, #tpu.memory_space<hbm>>) dst(%arg37 : memref<512xf32, #tpu.memory_space<vmem>>)
      tpu.yield
    }) : () -> ()
    %scan3A = arith.constant 0 : i32
    %scan3A_3 = arith.constant 0 : i32
    %scan3A_4 = arith.constant 32 : i32
    %scan3A_5 = arith.addi %scan3A_3, %scan3A_4 : i32
    %scan3A_6 = arith.constant 1 : i32
    scf.for %scan3A_213 = %scan3A_3 to %scan3A_5 step %scan3A_6  : i32 {
      %mul3A_214 = arith.constant 16 : i32
      %mul3A_215 = arith.muli %scan3A_213, %mul3A_214 : i32
      %multiple_of3A = tpu.assume_multiple %mul3A_215, 16 : i32
      %get3A = arith.index_cast %multiple_of3A : i32 to index
      %get3A_216 = tpu.vector_load %arg35[%get3A] {strides = array<i32>} : memref<512xf32, #tpu.memory_space<vmem>>, vector<16xf32>,
      %sub3A = arith.constant 2.010000e+03 : f32
      %sub3A_217 = vector.broadcast %sub3A : f32 to vector<16xf32>
      %sub3A_218 = arith.subf %get3A_216, %sub3A_217 : vector<16xf32>
      %swap3A = arith.index_cast %multiple_of3A : i32 to index
      %swap3A_219 = tpu.vector_load %arg35[%swap3A] {strides = array<i32>} : memref<512xf32, #tpu.memory_space<vmem>>, vector<16xf32>,
      tpu.vector_store %arg35[%swap3A], %sub3A_218 {strides = array<i32>} : memref<512xf32, #tpu.memory_space<vmem>>, vector<16xf32>,
      %get3A_220 = arith.index_cast %multiple_of3A : i32 to index
      %get3A_221 = tpu.vector_load %arg36[%get3A_220] {strides = array<i32>} : memref<512xf32, #tpu.memory_space<vmem>>, vector<16xf32>,
      %mul3A_222 = arith.constant 0.166666672 : f32
      %mul3A_223 = vector.broadcast %mul3A_222 : f32 to vector<16xf32>
      %mul3A_224 = arith.mulf %get3A_221, %mul3A_223 : vector<16xf32>
      %sub3A_225 = arith.constant 1.000000e+00 : f32
      %sub3A_226 = vector.broadcast %sub3A_225 : f32 to vector<16xf32>
      %sub3A_227 = arith.subf %mul3A_224, %sub3A_226 : vector<16xf32>
      %swap3A_228 = arith.index_cast %multiple_of3A : i32 to index
      %swap3A_229 = tpu.vector_load %arg36[%swap3A_228] {strides = array<i32>} : memref<512xf32, #tpu.memory_space<vmem>>, vector<16xf32>,
      tpu.vector_store %arg36[%swap3A_228], %sub3A_227 {strides = array<i32>} : memref<512xf32, #tpu.memory_space<vmem>>, vector<16xf32>,
      %get3A_230 = arith.index_cast %multiple_of3A : i32 to index
      %get3A_231 = tpu.vector_load %arg37[%get3A_230] {strides = array<i32>} : memref<512xf32, #tpu.memory_space<vmem>>, vector<16xf32>,
      %mul3A_232 = arith.constant 6.250000e-02 : f32
      %mul3A_233 = vector.broadcast %mul3A_232 : f32 to vector<16xf32>
      %mul3A_234 = arith.mulf %get3A_231, %mul3A_233 : vector<16xf32>
      %sub3A_235 = arith.constant 1.000000e+00 : f32
      %sub3A_236 = vector.broadcast %sub3A_235 : f32 to vector<16xf32>
      %sub3A_237 = arith.subf %mul3A_234, %sub3A_236 : vector<16xf32>
      %swap3A_238 = arith.index_cast %multiple_of3A : i32 to index
      %swap3A_239 = tpu.vector_load %arg37[%swap3A_238] {strides = array<i32>} : memref<512xf32, #tpu.memory_space<vmem>>, vector<16xf32>,
      tpu.vector_store %arg37[%swap3A_238], %sub3A_237 {strides = array<i32>} : memref<512xf32, #tpu.memory_space<vmem>>, vector<16xf32>,
    }
    %scan3A_7 = arith.constant 32 : i32
    %dma_start3A = arith.constant 0 : i32
    %dma_start3A_8 = arith.constant 0 : i32
    %dma_start3A_9 = tpu.memref_slice %arg38[%dma_start3A, %dma_start3A_8] : memref<128x32xf32, #tpu.memory_space<vmem>> -> memref<64x32xf32, #tpu.memory_space<vmem>>
    %dma_start3A_10 = arith.constant 0 : i32
    %dma_start3A_11 = tpu.memref_slice %arg32[%dma_start3A_10] : memref<512xi32, #tpu.memory_space<vmem>> -> memref<64xi32, #tpu.memory_space<vmem>>
    %dma_start3A_12 = arith.constant 0 : i32
    %dma_start3A_13 = arith.constant 0 : i32
    %dma_start3A_14 = tpu.memref_slice %arg8[%dma_start3A_12, %dma_start3A_13] : memref<100000x32xf32, #tpu.memory_space<hbm>> -> memref<100000x32xf32, #tpu.memory_space<hbm>>
    tpu.enqueue_indirect_dma source(%dma_start3A_14 : memref<100000x32xf32, #tpu.memory_space<hbm>>) target(%dma_start3A_9 : memref<64x32xf32, #tpu.memory_space<vmem>>) offsets(%dma_start3A_11 : memref<64xi32, #tpu.memory_space<vmem>>) semaphore(%arg66 : memref<!tpu.dma_semaphore, #tpu.memory_space<semaphore_mem>>)
    %dma_start3A_15 = arith.constant 0 : i32
    %dma_start3A_16 = arith.constant 0 : i32
    %dma_start3A_17 = tpu.memref_slice %arg39[%dma_start3A_15, %dma_start3A_16] : memref<128x32xf32, #tpu.memory_space<vmem>> -> memref<64x32xf32, #tpu.memory_space<vmem>>
    %dma_start3A_18 = arith.constant 0 : i32
    %dma_start3A_19 = tpu.memref_slice %arg32[%dma_start3A_18] : memref<512xi32, #tpu.memory_space<vmem>> -> memref<64xi32, #tpu.memory_space<vmem>>
    %dma_start3A_20 = arith.constant 0 : i32
    %dma_start3A_21 = arith.constant 0 : i32
    %dma_start3A_22 = tpu.memref_slice %arg9[%dma_start3A_20, %dma_start3A_21] : memref<100000x32xf32, #tpu.memory_space<hbm>> -> memref<100000x32xf32, #tpu.memory_space<hbm>>
    tpu.enqueue_indirect_dma source(%dma_start3A_22 : memref<100000x32xf32, #tpu.memory_space<hbm>>) target(%dma_start3A_17 : memref<64x32xf32, #tpu.memory_space<vmem>>) offsets(%dma_start3A_19 : memref<64xi32, #tpu.memory_space<vmem>>) semaphore(%arg66 : memref<!tpu.dma_semaphore, #tpu.memory_space<semaphore_mem>>)
    %dma_start3A_23 = arith.constant 0 : i32
    %dma_start3A_24 = arith.constant 0 : i32
    %dma_start3A_25 = tpu.memref_slice %arg42[%dma_start3A_23, %dma_start3A_24] : memref<128x32xf32, #tpu.memory_space<vmem>> -> memref<64x32xf32, #tpu.memory_space<vmem>>
    %dma_start3A_26 = arith.constant 0 : i32
    %dma_start3A_27 = tpu.memref_slice %arg32[%dma_start3A_26] : memref<512xi32, #tpu.memory_space<vmem>> -> memref<64xi32, #tpu.memory_space<vmem>>
    %dma_start3A_28 = arith.constant 0 : i32
    %dma_start3A_29 = arith.constant 0 : i32
    %dma_start3A_30 = tpu.memref_slice %arg25[%dma_start3A_28, %dma_start3A_29] : memref<100000x32xf32, #tpu.memory_space<hbm>> -> memref<100000x32xf32, #tpu.memory_space<hbm>>
    tpu.enqueue_indirect_dma source(%dma_start3A_30 : memref<100000x32xf32, #tpu.memory_space<hbm>>) target(%dma_start3A_25 : memref<64x32xf32, #tpu.memory_space<vmem>>) offsets(%dma_start3A_27 : memref<64xi32, #tpu.memory_space<vmem>>) semaphore(%arg66 : memref<!tpu.dma_semaphore, #tpu.memory_space<semaphore_mem>>)
    %dma_start3A_31 = arith.constant 0 : i32
    %dma_start3A_32 = arith.constant 0 : i32
    %dma_start3A_33 = tpu.memref_slice %arg43[%dma_start3A_31, %dma_start3A_32] : memref<128x32xf32, #tpu.memory_space<vmem>> -> memref<64x32xf32, #tpu.memory_space<vmem>>
    %dma_start3A_34 = arith.constant 0 : i32
    %dma_start3A_35 = tpu.memref_slice %arg32[%dma_start3A_34] : memref<512xi32, #tpu.memory_space<vmem>> -> memref<64xi32, #tpu.memory_space<vmem>>
    %dma_start3A_36 = arith.constant 0 : i32
    %dma_start3A_37 = arith.constant 0 : i32
    %dma_start3A_38 = tpu.memref_slice %arg27[%dma_start3A_36, %dma_start3A_37] : memref<100000x32xf32, #tpu.memory_space<hbm>> -> memref<100000x32xf32, #tpu.memory_space<hbm>>
    tpu.enqueue_indirect_dma source(%dma_start3A_38 : memref<100000x32xf32, #tpu.memory_space<hbm>>) target(%dma_start3A_33 : memref<64x32xf32, #tpu.memory_space<vmem>>) offsets(%dma_start3A_35 : memref<64xi32, #tpu.memory_space<vmem>>) semaphore(%arg66 : memref<!tpu.dma_semaphore, #tpu.memory_space<semaphore_mem>>)
    %dma_start3A_39 = arith.constant 0 : i32
    %dma_start3A_40 = arith.constant 0 : i32
    %dma_start3A_41 = tpu.memref_slice %arg44[%dma_start3A_39, %dma_start3A_40] : memref<128x32xf32, #tpu.memory_space<vmem>> -> memref<64x32xf32, #tpu.memory_space<vmem>>
    %dma_start3A_42 = arith.constant 0 : i32
    %dma_start3A_43 = tpu.memref_slice %arg32[%dma_start3A_42] : memref<512xi32, #tpu.memory_space<vmem>> -> memref<64xi32, #tpu.memory_space<vmem>>
    %dma_start3A_44 = arith.constant 0 : i32
    %dma_start3A_45 = arith.constant 0 : i32
    %dma_start3A_46 = tpu.memref_slice %arg29[%dma_start3A_44, %dma_start3A_45] : memref<100000x32xf32, #tpu.memory_space<hbm>> -> memref<100000x32xf32, #tpu.memory_space<hbm>>
    tpu.enqueue_indirect_dma source(%dma_start3A_46 : memref<100000x32xf32, #tpu.memory_space<hbm>>) target(%dma_start3A_41 : memref<64x32xf32, #tpu.memory_space<vmem>>) offsets(%dma_start3A_43 : memref<64xi32, #tpu.memory_space<vmem>>) semaphore(%arg66 : memref<!tpu.dma_semaphore, #tpu.memory_space<semaphore_mem>>)
    %dma_start3A_47 = arith.constant 0 : i32
    %dma_start3A_48 = arith.constant 0 : i32
    %dma_start3A_49 = tpu.memref_slice %arg45[%dma_start3A_47, %dma_start3A_48] : memref<128x32xf32, #tpu.memory_space<vmem>> -> memref<64x32xf32, #tpu.memory_space<vmem>>
    %dma_start3A_50 = arith.constant 0 : i32
    %dma_start3A_51 = tpu.memref_slice %arg32[%dma_start3A_50] : memref<512xi32, #tpu.memory_space<vmem>> -> memref<64xi32, #tpu.memory_space<vmem>>
    %dma_start3A_52 = arith.constant 0 : i32
    %dma_start3A_53 = arith.constant 0 : i32
    %dma_start3A_54 = tpu.memref_slice %arg13[%dma_start3A_52, %dma_start3A_53] : memref<100000x32xf32, #tpu.memory_space<hbm>> -> memref<100000x32xf32, #tpu.memory_space<hbm>>
    tpu.enqueue_indirect_dma source(%dma_start3A_54 : memref<100000x32xf32, #tpu.memory_space<hbm>>) target(%dma_start3A_49 : memref<64x32xf32, #tpu.memory_space<vmem>>) offsets(%dma_start3A_51 : memref<64xi32, #tpu.memory_space<vmem>>) semaphore(%arg66 : memref<!tpu.dma_semaphore, #tpu.memory_space<semaphore_mem>>)
    %dma_start3A_55 = arith.constant 0 : i32
    %dma_start3A_56 = arith.constant 0 : i32
    %dma_start3A_57 = tpu.memref_slice %arg46[%dma_start3A_55, %dma_start3A_56] : memref<128x32xf32, #tpu.memory_space<vmem>> -> memref<64x32xf32, #tpu.memory_space<vmem>>
    %dma_start3A_58 = arith.constant 0 : i32
    %dma_start3A_59 = tpu.memref_slice %arg32[%dma_start3A_58] : memref<512xi32, #tpu.memory_space<vmem>> -> memref<64xi32, #tpu.memory_space<vmem>>
    %dma_start3A_60 = arith.constant 0 : i32
    %dma_start3A_61 = arith.constant 0 : i32
    %dma_start3A_62 = tpu.memref_slice %arg15[%dma_start3A_60, %dma_start3A_61] : memref<100000x32xf32, #tpu.memory_space<hbm>> -> memref<100000x32xf32, #tpu.memory_space<hbm>>
    tpu.enqueue_indirect_dma source(%dma_start3A_62 : memref<100000x32xf32, #tpu.memory_space<hbm>>) target(%dma_start3A_57 : memref<64x32xf32, #tpu.memory_space<vmem>>) offsets(%dma_start3A_59 : memref<64xi32, #tpu.memory_space<vmem>>) semaphore(%arg66 : memref<!tpu.dma_semaphore, #tpu.memory_space<semaphore_mem>>)
    %dma_start3A_63 = arith.constant 0 : i32
    %dma_start3A_64 = arith.constant 0 : i32
    %dma_start3A_65 = tpu.memref_slice %arg47[%dma_start3A_63, %dma_start3A_64] : memref<128x32xf32, #tpu.memory_space<vmem>> -> memref<64x32xf32, #tpu.memory_space<vmem>>
    %dma_start3A_66 = arith.constant 0 : i32
    %dma_start3A_67 = tpu.memref_slice %arg32[%dma_start3A_66] : memref<512xi32, #tpu.memory_space<vmem>> -> memref<64xi32, #tpu.memory_space<vmem>>
    %dma_start3A_68 = arith.constant 0 : i32
    %dma_start3A_69 = arith.constant 0 : i32
    %dma_start3A_70 = tpu.memref_slice %arg17[%dma_start3A_68, %dma_start3A_69] : memref<100000x32xf32, #tpu.memory_space<hbm>> -> memref<100000x32xf32, #tpu.memory_space<hbm>>
    tpu.enqueue_indirect_dma source(%dma_start3A_70 : memref<100000x32xf32, #tpu.memory_space<hbm>>) target(%dma_start3A_65 : memref<64x32xf32, #tpu.memory_space<vmem>>) offsets(%dma_start3A_67 : memref<64xi32, #tpu.memory_space<vmem>>) semaphore(%arg66 : memref<!tpu.dma_semaphore, #tpu.memory_space<semaphore_mem>>)
    %dma_start3A_71 = arith.constant 0 : i32
    %dma_start3A_72 = arith.constant 0 : i32
    %dma_start3A_73 = tpu.memref_slice %arg48[%dma_start3A_71, %dma_start3A_72] : memref<128x32xf32, #tpu.memory_space<vmem>> -> memref<64x32xf32, #tpu.memory_space<vmem>>
    %dma_start3A_74 = arith.constant 0 : i32
    %dma_start3A_75 = tpu.memref_slice %arg32[%dma_start3A_74] : memref<512xi32, #tpu.memory_space<vmem>> -> memref<64xi32, #tpu.memory_space<vmem>>
    %dma_start3A_76 = arith.constant 0 : i32
    %dma_start3A_77 = arith.constant 0 : i32
    %dma_start3A_78 = tpu.memref_slice %arg19[%dma_start3A_76, %dma_start3A_77] : memref<100000x32xf32, #tpu.memory_space<hbm>> -> memref<100000x32xf32, #tpu.memory_space<hbm>>
    tpu.enqueue_indirect_dma source(%dma_start3A_78 : memref<100000x32xf32, #tpu.memory_space<hbm>>) target(%dma_start3A_73 : memref<64x32xf32, #tpu.memory_space<vmem>>) offsets(%dma_start3A_75 : memref<64xi32, #tpu.memory_space<vmem>>) semaphore(%arg66 : memref<!tpu.dma_semaphore, #tpu.memory_space<semaphore_mem>>)
    %dma_start3A_79 = arith.constant 0 : i32
    %dma_start3A_80 = arith.constant 0 : i32
    %dma_start3A_81 = tpu.memref_slice %arg49[%dma_start3A_79, %dma_start3A_80] : memref<128x32xf32, #tpu.memory_space<vmem>> -> memref<64x32xf32, #tpu.memory_space<vmem>>
    %dma_start3A_82 = arith.constant 0 : i32
    %dma_start3A_83 = tpu.memref_slice %arg32[%dma_start3A_82] : memref<512xi32, #tpu.memory_space<vmem>> -> memref<64xi32, #tpu.memory_space<vmem>>
    %dma_start3A_84 = arith.constant 0 : i32
    %dma_start3A_85 = arith.constant 0 : i32
    %dma_start3A_86 = tpu.memref_slice %arg21[%dma_start3A_84, %dma_start3A_85] : memref<100000x32xf32, #tpu.memory_space<hbm>> -> memref<100000x32xf32, #tpu.memory_space<hbm>>
    tpu.enqueue_indirect_dma source(%dma_start3A_86 : memref<100000x32xf32, #tpu.memory_space<hbm>>) target(%dma_start3A_81 : memref<64x32xf32, #tpu.memory_space<vmem>>) offsets(%dma_start3A_83 : memref<64xi32, #tpu.memory_space<vmem>>) semaphore(%arg66 : memref<!tpu.dma_semaphore, #tpu.memory_space<semaphore_mem>>)
    %dma_start3A_87 = arith.constant 0 : i32
    %dma_start3A_88 = arith.constant 0 : i32
    %dma_start3A_89 = tpu.memref_slice %arg50[%dma_start3A_87, %dma_start3A_88] : memref<128x32xf32, #tpu.memory_space<vmem>> -> memref<64x32xf32, #tpu.memory_space<vmem>>
    %dma_start3A_90 = arith.constant 0 : i32
    %dma_start3A_91 = tpu.memref_slice %arg32[%dma_start3A_90] : memref<512xi32, #tpu.memory_space<vmem>> -> memref<64xi32, #tpu.memory_space<vmem>>
    %dma_start3A_92 = arith.constant 0 : i32
    %dma_start3A_93 = arith.constant 0 : i32
    %dma_start3A_94 = tpu.memref_slice %arg23[%dma_start3A_92, %dma_start3A_93] : memref<100000x32xf32, #tpu.memory_space<hbm>> -> memref<100000x32xf32, #tpu.memory_space<hbm>>
    tpu.enqueue_indirect_dma source(%dma_start3A_94 : memref<100000x32xf32, #tpu.memory_space<hbm>>) target(%dma_start3A_89 : memref<64x32xf32, #tpu.memory_space<vmem>>) offsets(%dma_start3A_91 : memref<64xi32, #tpu.memory_space<vmem>>) semaphore(%arg66 : memref<!tpu.dma_semaphore, #tpu.memory_space<semaphore_mem>>)
    %dma_start3A_95 = arith.constant 0 : i32
    %dma_start3A_96 = arith.constant 0 : i32
    %dma_start3A_97 = tpu.memref_slice %arg40[%dma_start3A_95, %dma_start3A_96] : memref<128x32xf32, #tpu.memory_space<vmem>> -> memref<64x32xf32, #tpu.memory_space<vmem>>
    %dma_start3A_98 = arith.constant 0 : i32
    %dma_start3A_99 = tpu.memref_slice %arg33[%dma_start3A_98] : memref<512xi32, #tpu.memory_space<vmem>> -> memref<64xi32, #tpu.memory_space<vmem>>
    %dma_start3A_100 = arith.constant 0 : i32
    %dma_start3A_101 = arith.constant 0 : i32
    %dma_start3A_102 = tpu.memref_slice %arg8[%dma_start3A_100, %dma_start3A_101] : memref<100000x32xf32, #tpu.memory_space<hbm>> -> memref<100000x32xf32, #tpu.memory_space<hbm>>
    tpu.enqueue_indirect_dma source(%dma_start3A_102 : memref<100000x32xf32, #tpu.memory_space<hbm>>) target(%dma_start3A_97 : memref<64x32xf32, #tpu.memory_space<vmem>>) offsets(%dma_start3A_99 : memref<64xi32, #tpu.memory_space<vmem>>) semaphore(%arg66 : memref<!tpu.dma_semaphore, #tpu.memory_space<semaphore_mem>>)
    %dma_start3A_103 = arith.constant 0 : i32
    %dma_start3A_104 = arith.constant 0 : i32
    %dma_start3A_105 = tpu.memref_slice %arg41[%dma_start3A_103, %dma_start3A_104] : memref<128x32xf32, #tpu.memory_space<vmem>> -> memref<64x32xf32, #tpu.memory_space<vmem>>
    %dma_start3A_106 = arith.constant 0 : i32
    %dma_start3A_107 = tpu.memref_slice %arg33[%dma_start3A_106] : memref<512xi32, #tpu.memory_space<vmem>> -> memref<64xi32, #tpu.memory_space<vmem>>
    %dma_start3A_108 = arith.constant 0 : i32
    %dma_start3A_109 = arith.constant 0 : i32
    %dma_start3A_110 = tpu.memref_slice %arg9[%dma_start3A_108, %dma_start3A_109] : memref<100000x32xf32, #tpu.memory_space<hbm>> -> memref<100000x32xf32, #tpu.memory_space<hbm>>
    tpu.enqueue_indirect_dma source(%dma_start3A_110 : memref<100000x32xf32, #tpu.memory_space<hbm>>) target(%dma_start3A_105 : memref<64x32xf32, #tpu.memory_space<vmem>>) offsets(%dma_start3A_107 : memref<64xi32, #tpu.memory_space<vmem>>) semaphore(%arg66 : memref<!tpu.dma_semaphore, #tpu.memory_space<semaphore_mem>>)
    %dma_start3A_111 = arith.constant 0 : i32
    %dma_start3A_112 = arith.constant 0 : i32
    %dma_start3A_113 = tpu.memref_slice %arg51[%dma_start3A_111, %dma_start3A_112] : memref<128x32xf32, #tpu.memory_space<vmem>> -> memref<64x32xf32, #tpu.memory_space<vmem>>
    %dma_start3A_114 = arith.constant 0 : i32
    %dma_start3A_115 = tpu.memref_slice %arg33[%dma_start3A_114] : memref<512xi32, #tpu.memory_space<vmem>> -> memref<64xi32, #tpu.memory_space<vmem>>
    %dma_start3A_116 = arith.constant 0 : i32
    %dma_start3A_117 = arith.constant 0 : i32
    %dma_start3A_118 = tpu.memref_slice %arg26[%dma_start3A_116, %dma_start3A_117] : memref<100000x32xf32, #tpu.memory_space<hbm>> -> memref<100000x32xf32, #tpu.memory_space<hbm>>
    tpu.enqueue_indirect_dma source(%dma_start3A_118 : memref<100000x32xf32, #tpu.memory_space<hbm>>) target(%dma_start3A_113 : memref<64x32xf32, #tpu.memory_space<vmem>>) offsets(%dma_start3A_115 : memref<64xi32, #tpu.memory_space<vmem>>) semaphore(%arg66 : memref<!tpu.dma_semaphore, #tpu.memory_space<semaphore_mem>>)
    %dma_start3A_119 = arith.constant 0 : i32
    %dma_start3A_120 = arith.constant 0 : i32
    %dma_start3A_121 = tpu.memref_slice %arg52[%dma_start3A_119, %dma_start3A_120] : memref<128x32xf32, #tpu.memory_space<vmem>> -> memref<64x32xf32, #tpu.memory_space<vmem>>
    %dma_start3A_122 = arith.constant 0 : i32
    %dma_start3A_123 = tpu.memref_slice %arg33[%dma_start3A_122] : memref<512xi32, #tpu.memory_space<vmem>> -> memref<64xi32, #tpu.memory_space<vmem>>
    %dma_start3A_124 = arith.constant 0 : i32
    %dma_start3A_125 = arith.constant 0 : i32
    %dma_start3A_126 = tpu.memref_slice %arg28[%dma_start3A_124, %dma_start3A_125] : memref<100000x32xf32, #tpu.memory_space<hbm>> -> memref<100000x32xf32, #tpu.memory_space<hbm>>
    tpu.enqueue_indirect_dma source(%dma_start3A_126 : memref<100000x32xf32, #tpu.memory_space<hbm>>) target(%dma_start3A_121 : memref<64x32xf32, #tpu.memory_space<vmem>>) offsets(%dma_start3A_123 : memref<64xi32, #tpu.memory_space<vmem>>) semaphore(%arg66 : memref<!tpu.dma_semaphore, #tpu.memory_space<semaphore_mem>>)
    %dma_start3A_127 = arith.constant 0 : i32
    %dma_start3A_128 = arith.constant 0 : i32
    %dma_start3A_129 = tpu.memref_slice %arg53[%dma_start3A_127, %dma_start3A_128] : memref<128x32xf32, #tpu.memory_space<vmem>> -> memref<64x32xf32, #tpu.memory_space<vmem>>
    %dma_start3A_130 = arith.constant 0 : i32
    %dma_start3A_131 = tpu.memref_slice %arg33[%dma_start3A_130] : memref<512xi32, #tpu.memory_space<vmem>> -> memref<64xi32, #tpu.memory_space<vmem>>
    %dma_start3A_132 = arith.constant 0 : i32
    %dma_start3A_133 = arith.constant 0 : i32
    %dma_start3A_134 = tpu.memref_slice %arg30[%dma_start3A_132, %dma_start3A_133] : memref<100000x32xf32, #tpu.memory_space<hbm>> -> memref<100000x32xf32, #tpu.memory_space<hbm>>
    tpu.enqueue_indirect_dma source(%dma_start3A_134 : memref<100000x32xf32, #tpu.memory_space<hbm>>) target(%dma_start3A_129 : memref<64x32xf32, #tpu.memory_space<vmem>>) offsets(%dma_start3A_131 : memref<64xi32, #tpu.memory_space<vmem>>) semaphore(%arg66 : memref<!tpu.dma_semaphore, #tpu.memory_space<semaphore_mem>>)
    %dma_start3A_135 = arith.constant 0 : i32
    %dma_start3A_136 = arith.constant 0 : i32
    %dma_start3A_137 = tpu.memref_slice %arg54[%dma_start3A_135, %dma_start3A_136] : memref<128x32xf32, #tpu.memory_space<vmem>> -> memref<64x32xf32, #tpu.memory_space<vmem>>
    %dma_start3A_138 = arith.constant 0 : i32
    %dma_start3A_139 = tpu.memref_slice %arg33[%dma_start3A_138] : memref<512xi32, #tpu.memory_space<vmem>> -> memref<64xi32, #tpu.memory_space<vmem>>
    %dma_start3A_140 = arith.constant 0 : i32
    %dma_start3A_141 = arith.constant 0 : i32
    %dma_start3A_142 = tpu.memref_slice %arg14[%dma_start3A_140, %dma_start3A_141] : memref<100000x32xf32, #tpu.memory_space<hbm>> -> memref<100000x32xf32, #tpu.memory_space<hbm>>
    tpu.enqueue_indirect_dma source(%dma_start3A_142 : memref<100000x32xf32, #tpu.memory_space<hbm>>) target(%dma_start3A_137 : memref<64x32xf32, #tpu.memory_space<vmem>>) offsets(%dma_start3A_139 : memref<64xi32, #tpu.memory_space<vmem>>) semaphore(%arg66 : memref<!tpu.dma_semaphore, #tpu.memory_space<semaphore_mem>>)
    %dma_start3A_143 = arith.constant 0 : i32
    %dma_start3A_144 = arith.constant 0 : i32
    %dma_start3A_145 = tpu.memref_slice %arg55[%dma_start3A_143, %dma_start3A_144] : memref<128x32xf32, #tpu.memory_space<vmem>> -> memref<64x32xf32, #tpu.memory_space<vmem>>
    %dma_start3A_146 = arith.constant 0 : i32
    %dma_start3A_147 = tpu.memref_slice %arg33[%dma_start3A_146] : memref<512xi32, #tpu.memory_space<vmem>> -> memref<64xi32, #tpu.memory_space<vmem>>
    %dma_start3A_148 = arith.constant 0 : i32
    %dma_start3A_149 = arith.constant 0 : i32
    %dma_start3A_150 = tpu.memref_slice %arg16[%dma_start3A_148, %dma_start3A_149] : memref<100000x32xf32, #tpu.memory_space<hbm>> -> memref<100000x32xf32, #tpu.memory_space<hbm>>
    tpu.enqueue_indirect_dma source(%dma_start3A_150 : memref<100000x32xf32, #tpu.memory_space<hbm>>) target(%dma_start3A_145 : memref<64x32xf32, #tpu.memory_space<vmem>>) offsets(%dma_start3A_147 : memref<64xi32, #tpu.memory_space<vmem>>) semaphore(%arg66 : memref<!tpu.dma_semaphore, #tpu.memory_space<semaphore_mem>>)
    %dma_start3A_151 = arith.constant 0 : i32
    %dma_start3A_152 = arith.constant 0 : i32
    %dma_start3A_153 = tpu.memref_slice %arg56[%dma_start3A_151, %dma_start3A_152] : memref<128x32xf32, #tpu.memory_space<vmem>> -> memref<64x32xf32, #tpu.memory_space<vmem>>
    %dma_start3A_154 = arith.constant 0 : i32
    %dma_start3A_155 = tpu.memref_slice %arg33[%dma_start3A_154] : memref<512xi32, #tpu.memory_space<vmem>> -> memref<64xi32, #tpu.memory_space<vmem>>
    %dma_start3A_156 = arith.constant 0 : i32
    %dma_start3A_157 = arith.constant 0 : i32
    %dma_start3A_158 = tpu.memref_slice %arg18[%dma_start3A_156, %dma_start3A_157] : memref<100000x32xf32, #tpu.memory_space<hbm>> -> memref<100000x32xf32, #tpu.memory_space<hbm>>
    tpu.enqueue_indirect_dma source(%dma_start3A_158 : memref<100000x32xf32, #tpu.memory_space<hbm>>) target(%dma_start3A_153 : memref<64x32xf32, #tpu.memory_space<vmem>>) offsets(%dma_start3A_155 : memref<64xi32, #tpu.memory_space<vmem>>) semaphore(%arg66 : memref<!tpu.dma_semaphore, #tpu.memory_space<semaphore_mem>>)
    %dma_start3A_159 = arith.constant 0 : i32
    %dma_start3A_160 = arith.constant 0 : i32
    %dma_start3A_161 = tpu.memref_slice %arg57[%dma_start3A_159, %dma_start3A_160] : memref<128x32xf32, #tpu.memory_space<vmem>> -> memref<64x32xf32, #tpu.memory_space<vmem>>
    %dma_start3A_162 = arith.constant 0 : i32
    %dma_start3A_163 = tpu.memref_slice %arg33[%dma_start3A_162] : memref<512xi32, #tpu.memory_space<vmem>> -> memref<64xi32, #tpu.memory_space<vmem>>
    %dma_start3A_164 = arith.constant 0 : i32
    %dma_start3A_165 = arith.constant 0 : i32
    %dma_start3A_166 = tpu.memref_slice %arg20[%dma_start3A_164, %dma_start3A_165] : memref<100000x32xf32, #tpu.memory_space<hbm>> -> memref<100000x32xf32, #tpu.memory_space<hbm>>
    tpu.enqueue_indirect_dma source(%dma_start3A_166 : memref<100000x32xf32, #tpu.memory_space<hbm>>) target(%dma_start3A_161 : memref<64x32xf32, #tpu.memory_space<vmem>>) offsets(%dma_start3A_163 : memref<64xi32, #tpu.memory_space<vmem>>) semaphore(%arg66 : memref<!tpu.dma_semaphore, #tpu.memory_space<semaphore_mem>>)
    %dma_start3A_167 = arith.constant 0 : i32
    %dma_start3A_168 = arith.constant 0 : i32
    %dma_start3A_169 = tpu.memref_slice %arg58[%dma_start3A_167, %dma_start3A_168] : memref<128x32xf32, #tpu.memory_space<vmem>> -> memref<64x32xf32, #tpu.memory_space<vmem>>
    %dma_start3A_170 = arith.constant 0 : i32
    %dma_start3A_171 = tpu.memref_slice %arg33[%dma_start3A_170] : memref<512xi32, #tpu.memory_space<vmem>> -> memref<64xi32, #tpu.memory_space<vmem>>
    %dma_start3A_172 = arith.constant 0 : i32
    %dma_start3A_173 = arith.constant 0 : i32
    %dma_start3A_174 = tpu.memref_slice %arg22[%dma_start3A_172, %dma_start3A_173] : memref<100000x32xf32, #tpu.memory_space<hbm>> -> memref<100000x32xf32, #tpu.memory_space<hbm>>
    tpu.enqueue_indirect_dma source(%dma_start3A_174 : memref<100000x32xf32, #tpu.memory_space<hbm>>) target(%dma_start3A_169 : memref<64x32xf32, #tpu.memory_space<vmem>>) offsets(%dma_start3A_171 : memref<64xi32, #tpu.memory_space<vmem>>) semaphore(%arg66 : memref<!tpu.dma_semaphore, #tpu.memory_space<semaphore_mem>>)
    %dma_start3A_175 = arith.constant 0 : i32
    %dma_start3A_176 = arith.constant 0 : i32
    %dma_start3A_177 = tpu.memref_slice %arg59[%dma_start3A_175, %dma_start3A_176] : memref<128x32xf32, #tpu.memory_space<vmem>> -> memref<64x32xf32, #tpu.memory_space<vmem>>
    %dma_start3A_178 = arith.constant 0 : i32
    %dma_start3A_179 = tpu.memref_slice %arg33[%dma_start3A_178] : memref<512xi32, #tpu.memory_space<vmem>> -> memref<64xi32, #tpu.memory_space<vmem>>
    %dma_start3A_180 = arith.constant 0 : i32
    %dma_start3A_181 = arith.constant 0 : i32
    %dma_start3A_182 = tpu.memref_slice %arg24[%dma_start3A_180, %dma_start3A_181] : memref<100000x32xf32, #tpu.memory_space<hbm>> -> memref<100000x32xf32, #tpu.memory_space<hbm>>
    tpu.enqueue_indirect_dma source(%dma_start3A_182 : memref<100000x32xf32, #tpu.memory_space<hbm>>) target(%dma_start3A_177 : memref<64x32xf32, #tpu.memory_space<vmem>>) offsets(%dma_start3A_179 : memref<64xi32, #tpu.memory_space<vmem>>) semaphore(%arg66 : memref<!tpu.dma_semaphore, #tpu.memory_space<semaphore_mem>>)
    %dma_start3A_183 = arith.constant 0 : i32
    %dma_start3A_184 = arith.constant 0 : i32
    %dma_start3A_185 = tpu.memref_slice %arg60[%dma_start3A_183, %dma_start3A_184] : memref<128x64xf32, #tpu.memory_space<vmem>> -> memref<64x64xf32, #tpu.memory_space<vmem>>
    %dma_start3A_186 = arith.constant 0 : i32
    %dma_start3A_187 = tpu.memref_slice %arg34[%dma_start3A_186] : memref<512xi32, #tpu.memory_space<vmem>> -> memref<64xi32, #tpu.memory_space<vmem>>
    %dma_start3A_188 = arith.constant 0 : i32
    %dma_start3A_189 = arith.constant 0 : i32
    %dma_start3A_190 = tpu.memref_slice %arg10[%dma_start3A_188, %dma_start3A_189] : memref<1000x64xf32, #tpu.memory_space<hbm>> -> memref<1000x64xf32, #tpu.memory_space<hbm>>
    tpu.enqueue_indirect_dma source(%dma_start3A_190 : memref<1000x64xf32, #tpu.memory_space<hbm>>) target(%dma_start3A_185 : memref<64x64xf32, #tpu.memory_space<vmem>>) offsets(%dma_start3A_187 : memref<64xi32, #tpu.memory_space<vmem>>) semaphore(%arg66 : memref<!tpu.dma_semaphore, #tpu.memory_space<semaphore_mem>>)
    %dma_start3A_191 = arith.constant 0 : i32
    %dma_start3A_192 = arith.constant 0 : i32
    %dma_start3A_193 = tpu.memref_slice %arg61[%dma_start3A_191, %dma_start3A_192] : memref<128x64xf32, #tpu.memory_space<vmem>> -> memref<64x64xf32, #tpu.memory_space<vmem>>
    %dma_start3A_194 = arith.constant 0 : i32
    %dma_start3A_195 = tpu.memref_slice %arg34[%dma_start3A_194] : memref<512xi32, #tpu.memory_space<vmem>> -> memref<64xi32, #tpu.memory_space<vmem>>
    %dma_start3A_196 = arith.constant 0 : i32
    %dma_start3A_197 = arith.constant 0 : i32
    %dma_start3A_198 = tpu.memref_slice %arg11[%dma_start3A_196, %dma_start3A_197] : memref<1000x64xf32, #tpu.memory_space<hbm>> -> memref<1000x64xf32, #tpu.memory_space<hbm>>
    tpu.enqueue_indirect_dma source(%dma_start3A_198 : memref<1000x64xf32, #tpu.memory_space<hbm>>) target(%dma_start3A_193 : memref<64x64xf32, #tpu.memory_space<vmem>>) offsets(%dma_start3A_195 : memref<64xi32, #tpu.memory_space<vmem>>) semaphore(%arg66 : memref<!tpu.dma_semaphore, #tpu.memory_space<semaphore_mem>>)
    %dma_start3A_199 = arith.constant 0 : i32
    %dma_start3A_200 = arith.constant 0 : i32
    %dma_start3A_201 = tpu.memref_slice %arg62[%dma_start3A_199, %dma_start3A_200] : memref<128x64xf32, #tpu.memory_space<vmem>> -> memref<64x64xf32, #tpu.memory_space<vmem>>
    %dma_start3A_202 = arith.constant 0 : i32
    %dma_start3A_203 = tpu.memref_slice %arg34[%dma_start3A_202] : memref<512xi32, #tpu.memory_space<vmem>> -> memref<64xi32, #tpu.memory_space<vmem>>
    %dma_start3A_204 = arith.constant 0 : i32
    %dma_start3A_205 = arith.constant 0 : i32
    %dma_start3A_206 = tpu.memref_slice %arg12[%dma_start3A_204, %dma_start3A_205] : memref<1000x64xf32, #tpu.memory_space<hbm>> -> memref<1000x64xf32, #tpu.memory_space<hbm>>
    tpu.enqueue_indirect_dma source(%dma_start3A_206 : memref<1000x64xf32, #tpu.memory_space<hbm>>) target(%dma_start3A_201 : memref<64x64xf32, #tpu.memory_space<vmem>>) offsets(%dma_start3A_203 : memref<64xi32, #tpu.memory_space<vmem>>) semaphore(%arg66 : memref<!tpu.dma_semaphore, #tpu.memory_space<semaphore_mem>>)
    %scan3A_207 = arith.constant 0 : i32
    %scan3A_208 = arith.constant 0 : i32
    %scan3A_209 = arith.constant 8 : i32
    %scan3A_210 = arith.addi %scan3A_208, %scan3A_209 : i32
    %scan3A_211 = arith.constant 1 : i32
    scf.for %scan3A_213 = %scan3A_208 to %scan3A_210 step %scan3A_211  : i32 {
      %mul3A_214 = arith.constant 64 : i32
      %mul3A_215 = arith.muli %scan3A_213, %mul3A_214 : i32
      %rem3A = arith.constant 2 : i32
      %rem3A_216 = arith.remsi %scan3A_213, %rem3A : i32
      %mul3A_217 = arith.constant 64 : i32
      %mul3A_218 = arith.muli %rem3A_216, %mul3A_217 : i32
      %add3A_219 = arith.constant 1 : i32
      %add3A_220 = arith.addi %scan3A_213, %add3A_219 : i32
      %lt3A = arith.constant 8 : i32
      %lt3A_221 = arith.cmpi slt, %add3A_220, %lt3A : i32
      %convert_element_type3A = arith.extui %lt3A_221 : i1 to i32
      %cond3A = arith.constant 0 : i32
      %cond3A_222 = arith.cmpi ne, %convert_element_type3A, %cond3A : i32
      scf.if %cond3A_222 {
        %add3A_411 = arith.constant 1 : i32
        %add3A_412 = arith.addi %scan3A_213, %add3A_411 : i32
        %sub3A = arith.constant 1 : i32
        %sub3A_413 = arith.subi %sub3A, %rem3A_216 : i32
        %mul3A_414 = arith.constant 64 : i32
        %mul3A_415 = arith.muli %add3A_412, %mul3A_414 : i32
        %mul3A_416 = arith.constant 64 : i32
        %mul3A_417 = arith.muli %sub3A_413, %mul3A_416 : i32
        %dma_start3A_418 = arith.constant 0 : i32
        %dma_start3A_419 = tpu.memref_slice %arg38[%mul3A_417, %dma_start3A_418] : memref<128x32xf32, #tpu.memory_space<vmem>> -> memref<64x32xf32, #tpu.memory_space<vmem>>
        %dma_start3A_420 = tpu.memref_slice %arg32[%mul3A_415] : memref<512xi32, #tpu.memory_space<vmem>> -> memref<64xi32, #tpu.memory_space<vmem>>
        %dma_start3A_421 = arith.constant 0 : i32
        %dma_start3A_422 = arith.constant 0 : i32
        %dma_start3A_423 = tpu.memref_slice %arg8[%dma_start3A_421, %dma_start3A_422] : memref<100000x32xf32, #tpu.memory_space<hbm>> -> memref<100000x32xf32, #tpu.memory_space<hbm>>
        tpu.enqueue_indirect_dma source(%dma_start3A_423 : memref<100000x32xf32, #tpu.memory_space<hbm>>) target(%dma_start3A_419 : memref<64x32xf32, #tpu.memory_space<vmem>>) offsets(%dma_start3A_420 : memref<64xi32, #tpu.memory_space<vmem>>) semaphore(%arg66 : memref<!tpu.dma_semaphore, #tpu.memory_space<semaphore_mem>>)
        %dma_start3A_424 = arith.constant 0 : i32
        %dma_start3A_425 = tpu.memref_slice %arg39[%mul3A_417, %dma_start3A_424] : memref<128x32xf32, #tpu.memory_space<vmem>> -> memref<64x32xf32, #tpu.memory_space<vmem>>
        %dma_start3A_426 = tpu.memref_slice %arg32[%mul3A_415] : memref<512xi32, #tpu.memory_space<vmem>> -> memref<64xi32, #tpu.memory_space<vmem>>
        %dma_start3A_427 = arith.constant 0 : i32
        %dma_start3A_428 = arith.constant 0 : i32
        %dma_start3A_429 = tpu.memref_slice %arg9[%dma_start3A_427, %dma_start3A_428] : memref<100000x32xf32, #tpu.memory_space<hbm>> -> memref<100000x32xf32, #tpu.memory_space<hbm>>
        tpu.enqueue_indirect_dma source(%dma_start3A_429 : memref<100000x32xf32, #tpu.memory_space<hbm>>) target(%dma_start3A_425 : memref<64x32xf32, #tpu.memory_space<vmem>>) offsets(%dma_start3A_426 : memref<64xi32, #tpu.memory_space<vmem>>) semaphore(%arg66 : memref<!tpu.dma_semaphore, #tpu.memory_space<semaphore_mem>>)
        %dma_start3A_430 = arith.constant 0 : i32
        %dma_start3A_431 = tpu.memref_slice %arg42[%mul3A_417, %dma_start3A_430] : memref<128x32xf32, #tpu.memory_space<vmem>> -> memref<64x32xf32, #tpu.memory_space<vmem>>
        %dma_start3A_432 = tpu.memref_slice %arg32[%mul3A_415] : memref<512xi32, #tpu.memory_space<vmem>> -> memref<64xi32, #tpu.memory_space<vmem>>
        %dma_start3A_433 = arith.constant 0 : i32
        %dma_start3A_434 = arith.constant 0 : i32
        %dma_start3A_435 = tpu.memref_slice %arg25[%dma_start3A_433, %dma_start3A_434] : memref<100000x32xf32, #tpu.memory_space<hbm>> -> memref<100000x32xf32, #tpu.memory_space<hbm>>
        tpu.enqueue_indirect_dma source(%dma_start3A_435 : memref<100000x32xf32, #tpu.memory_space<hbm>>) target(%dma_start3A_431 : memref<64x32xf32, #tpu.memory_space<vmem>>) offsets(%dma_start3A_432 : memref<64xi32, #tpu.memory_space<vmem>>) semaphore(%arg66 : memref<!tpu.dma_semaphore, #tpu.memory_space<semaphore_mem>>)
        %dma_start3A_436 = arith.constant 0 : i32
        %dma_start3A_437 = tpu.memref_slice %arg43[%mul3A_417, %dma_start3A_436] : memref<128x32xf32, #tpu.memory_space<vmem>> -> memref<64x32xf32, #tpu.memory_space<vmem>>
        %dma_start3A_438 = tpu.memref_slice %arg32[%mul3A_415] : memref<512xi32, #tpu.memory_space<vmem>> -> memref<64xi32, #tpu.memory_space<vmem>>
        %dma_start3A_439 = arith.constant 0 : i32
        %dma_start3A_440 = arith.constant 0 : i32
        %dma_start3A_441 = tpu.memref_slice %arg27[%dma_start3A_439, %dma_start3A_440] : memref<100000x32xf32, #tpu.memory_space<hbm>> -> memref<100000x32xf32, #tpu.memory_space<hbm>>
        tpu.enqueue_indirect_dma source(%dma_start3A_441 : memref<100000x32xf32, #tpu.memory_space<hbm>>) target(%dma_start3A_437 : memref<64x32xf32, #tpu.memory_space<vmem>>) offsets(%dma_start3A_438 : memref<64xi32, #tpu.memory_space<vmem>>) semaphore(%arg66 : memref<!tpu.dma_semaphore, #tpu.memory_space<semaphore_mem>>)
        %dma_start3A_442 = arith.constant 0 : i32
        %dma_start3A_443 = tpu.memref_slice %arg44[%mul3A_417, %dma_start3A_442] : memref<128x32xf32, #tpu.memory_space<vmem>> -> memref<64x32xf32, #tpu.memory_space<vmem>>
        %dma_start3A_444 = tpu.memref_slice %arg32[%mul3A_415] : memref<512xi32, #tpu.memory_space<vmem>> -> memref<64xi32, #tpu.memory_space<vmem>>
        %dma_start3A_445 = arith.constant 0 : i32
        %dma_start3A_446 = arith.constant 0 : i32
        %dma_start3A_447 = tpu.memref_slice %arg29[%dma_start3A_445, %dma_start3A_446] : memref<100000x32xf32, #tpu.memory_space<hbm>> -> memref<100000x32xf32, #tpu.memory_space<hbm>>
        tpu.enqueue_indirect_dma source(%dma_start3A_447 : memref<100000x32xf32, #tpu.memory_space<hbm>>) target(%dma_start3A_443 : memref<64x32xf32, #tpu.memory_space<vmem>>) offsets(%dma_start3A_444 : memref<64xi32, #tpu.memory_space<vmem>>) semaphore(%arg66 : memref<!tpu.dma_semaphore, #tpu.memory_space<semaphore_mem>>)
        %dma_start3A_448 = arith.constant 0 : i32
        %dma_start3A_449 = tpu.memref_slice %arg45[%mul3A_417, %dma_start3A_448] : memref<128x32xf32, #tpu.memory_space<vmem>> -> memref<64x32xf32, #tpu.memory_space<vmem>>
        %dma_start3A_450 = tpu.memref_slice %arg32[%mul3A_415] : memref<512xi32, #tpu.memory_space<vmem>> -> memref<64xi32, #tpu.memory_space<vmem>>
        %dma_start3A_451 = arith.constant 0 : i32
        %dma_start3A_452 = arith.constant 0 : i32
        %dma_start3A_453 = tpu.memref_slice %arg13[%dma_start3A_451, %dma_start3A_452] : memref<100000x32xf32, #tpu.memory_space<hbm>> -> memref<100000x32xf32, #tpu.memory_space<hbm>>
        tpu.enqueue_indirect_dma source(%dma_start3A_453 : memref<100000x32xf32, #tpu.memory_space<hbm>>) target(%dma_start3A_449 : memref<64x32xf32, #tpu.memory_space<vmem>>) offsets(%dma_start3A_450 : memref<64xi32, #tpu.memory_space<vmem>>) semaphore(%arg66 : memref<!tpu.dma_semaphore, #tpu.memory_space<semaphore_mem>>)
        %dma_start3A_454 = arith.constant 0 : i32
        %dma_start3A_455 = tpu.memref_slice %arg46[%mul3A_417, %dma_start3A_454] : memref<128x32xf32, #tpu.memory_space<vmem>> -> memref<64x32xf32, #tpu.memory_space<vmem>>
        %dma_start3A_456 = tpu.memref_slice %arg32[%mul3A_415] : memref<512xi32, #tpu.memory_space<vmem>> -> memref<64xi32, #tpu.memory_space<vmem>>
        %dma_start3A_457 = arith.constant 0 : i32
        %dma_start3A_458 = arith.constant 0 : i32
        %dma_start3A_459 = tpu.memref_slice %arg15[%dma_start3A_457, %dma_start3A_458] : memref<100000x32xf32, #tpu.memory_space<hbm>> -> memref<100000x32xf32, #tpu.memory_space<hbm>>
        tpu.enqueue_indirect_dma source(%dma_start3A_459 : memref<100000x32xf32, #tpu.memory_space<hbm>>) target(%dma_start3A_455 : memref<64x32xf32, #tpu.memory_space<vmem>>) offsets(%dma_start3A_456 : memref<64xi32, #tpu.memory_space<vmem>>) semaphore(%arg66 : memref<!tpu.dma_semaphore, #tpu.memory_space<semaphore_mem>>)
        %dma_start3A_460 = arith.constant 0 : i32
        %dma_start3A_461 = tpu.memref_slice %arg47[%mul3A_417, %dma_start3A_460] : memref<128x32xf32, #tpu.memory_space<vmem>> -> memref<64x32xf32, #tpu.memory_space<vmem>>
        %dma_start3A_462 = tpu.memref_slice %arg32[%mul3A_415] : memref<512xi32, #tpu.memory_space<vmem>> -> memref<64xi32, #tpu.memory_space<vmem>>
        %dma_start3A_463 = arith.constant 0 : i32
        %dma_start3A_464 = arith.constant 0 : i32
        %dma_start3A_465 = tpu.memref_slice %arg17[%dma_start3A_463, %dma_start3A_464] : memref<100000x32xf32, #tpu.memory_space<hbm>> -> memref<100000x32xf32, #tpu.memory_space<hbm>>
        tpu.enqueue_indirect_dma source(%dma_start3A_465 : memref<100000x32xf32, #tpu.memory_space<hbm>>) target(%dma_start3A_461 : memref<64x32xf32, #tpu.memory_space<vmem>>) offsets(%dma_start3A_462 : memref<64xi32, #tpu.memory_space<vmem>>) semaphore(%arg66 : memref<!tpu.dma_semaphore, #tpu.memory_space<semaphore_mem>>)
        %dma_start3A_466 = arith.constant 0 : i32
        %dma_start3A_467 = tpu.memref_slice %arg48[%mul3A_417, %dma_start3A_466] : memref<128x32xf32, #tpu.memory_space<vmem>> -> memref<64x32xf32, #tpu.memory_space<vmem>>
        %dma_start3A_468 = tpu.memref_slice %arg32[%mul3A_415] : memref<512xi32, #tpu.memory_space<vmem>> -> memref<64xi32, #tpu.memory_space<vmem>>
        %dma_start3A_469 = arith.constant 0 : i32
        %dma_start3A_470 = arith.constant 0 : i32
        %dma_start3A_471 = tpu.memref_slice %arg19[%dma_start3A_469, %dma_start3A_470] : memref<100000x32xf32, #tpu.memory_space<hbm>> -> memref<100000x32xf32, #tpu.memory_space<hbm>>
        tpu.enqueue_indirect_dma source(%dma_start3A_471 : memref<100000x32xf32, #tpu.memory_space<hbm>>) target(%dma_start3A_467 : memref<64x32xf32, #tpu.memory_space<vmem>>) offsets(%dma_start3A_468 : memref<64xi32, #tpu.memory_space<vmem>>) semaphore(%arg66 : memref<!tpu.dma_semaphore, #tpu.memory_space<semaphore_mem>>)
        %dma_start3A_472 = arith.constant 0 : i32
        %dma_start3A_473 = tpu.memref_slice %arg49[%mul3A_417, %dma_start3A_472] : memref<128x32xf32, #tpu.memory_space<vmem>> -> memref<64x32xf32, #tpu.memory_space<vmem>>
        %dma_start3A_474 = tpu.memref_slice %arg32[%mul3A_415] : memref<512xi32, #tpu.memory_space<vmem>> -> memref<64xi32, #tpu.memory_space<vmem>>
        %dma_start3A_475 = arith.constant 0 : i32
        %dma_start3A_476 = arith.constant 0 : i32
        %dma_start3A_477 = tpu.memref_slice %arg21[%dma_start3A_475, %dma_start3A_476] : memref<100000x32xf32, #tpu.memory_space<hbm>> -> memref<100000x32xf32, #tpu.memory_space<hbm>>
        tpu.enqueue_indirect_dma source(%dma_start3A_477 : memref<100000x32xf32, #tpu.memory_space<hbm>>) target(%dma_start3A_473 : memref<64x32xf32, #tpu.memory_space<vmem>>) offsets(%dma_start3A_474 : memref<64xi32, #tpu.memory_space<vmem>>) semaphore(%arg66 : memref<!tpu.dma_semaphore, #tpu.memory_space<semaphore_mem>>)
        %dma_start3A_478 = arith.constant 0 : i32
        %dma_start3A_479 = tpu.memref_slice %arg50[%mul3A_417, %dma_start3A_478] : memref<128x32xf32, #tpu.memory_space<vmem>> -> memref<64x32xf32, #tpu.memory_space<vmem>>
        %dma_start3A_480 = tpu.memref_slice %arg32[%mul3A_415] : memref<512xi32, #tpu.memory_space<vmem>> -> memref<64xi32, #tpu.memory_space<vmem>>
        %dma_start3A_481 = arith.constant 0 : i32
        %dma_start3A_482 = arith.constant 0 : i32
        %dma_start3A_483 = tpu.memref_slice %arg23[%dma_start3A_481, %dma_start3A_482] : memref<100000x32xf32, #tpu.memory_space<hbm>> -> memref<100000x32xf32, #tpu.memory_space<hbm>>
        tpu.enqueue_indirect_dma source(%dma_start3A_483 : memref<100000x32xf32, #tpu.memory_space<hbm>>) target(%dma_start3A_479 : memref<64x32xf32, #tpu.memory_space<vmem>>) offsets(%dma_start3A_480 : memref<64xi32, #tpu.memory_space<vmem>>) semaphore(%arg66 : memref<!tpu.dma_semaphore, #tpu.memory_space<semaphore_mem>>)
        %dma_start3A_484 = arith.constant 0 : i32
        %dma_start3A_485 = tpu.memref_slice %arg40[%mul3A_417, %dma_start3A_484] : memref<128x32xf32, #tpu.memory_space<vmem>> -> memref<64x32xf32, #tpu.memory_space<vmem>>
        %dma_start3A_486 = tpu.memref_slice %arg33[%mul3A_415] : memref<512xi32, #tpu.memory_space<vmem>> -> memref<64xi32, #tpu.memory_space<vmem>>
        %dma_start3A_487 = arith.constant 0 : i32
        %dma_start3A_488 = arith.constant 0 : i32
        %dma_start3A_489 = tpu.memref_slice %arg8[%dma_start3A_487, %dma_start3A_488] : memref<100000x32xf32, #tpu.memory_space<hbm>> -> memref<100000x32xf32, #tpu.memory_space<hbm>>
        tpu.enqueue_indirect_dma source(%dma_start3A_489 : memref<100000x32xf32, #tpu.memory_space<hbm>>) target(%dma_start3A_485 : memref<64x32xf32, #tpu.memory_space<vmem>>) offsets(%dma_start3A_486 : memref<64xi32, #tpu.memory_space<vmem>>) semaphore(%arg66 : memref<!tpu.dma_semaphore, #tpu.memory_space<semaphore_mem>>)
        %dma_start3A_490 = arith.constant 0 : i32
        %dma_start3A_491 = tpu.memref_slice %arg41[%mul3A_417, %dma_start3A_490] : memref<128x32xf32, #tpu.memory_space<vmem>> -> memref<64x32xf32, #tpu.memory_space<vmem>>
        %dma_start3A_492 = tpu.memref_slice %arg33[%mul3A_415] : memref<512xi32, #tpu.memory_space<vmem>> -> memref<64xi32, #tpu.memory_space<vmem>>
        %dma_start3A_493 = arith.constant 0 : i32
        %dma_start3A_494 = arith.constant 0 : i32
        %dma_start3A_495 = tpu.memref_slice %arg9[%dma_start3A_493, %dma_start3A_494] : memref<100000x32xf32, #tpu.memory_space<hbm>> -> memref<100000x32xf32, #tpu.memory_space<hbm>>
        tpu.enqueue_indirect_dma source(%dma_start3A_495 : memref<100000x32xf32, #tpu.memory_space<hbm>>) target(%dma_start3A_491 : memref<64x32xf32, #tpu.memory_space<vmem>>) offsets(%dma_start3A_492 : memref<64xi32, #tpu.memory_space<vmem>>) semaphore(%arg66 : memref<!tpu.dma_semaphore, #tpu.memory_space<semaphore_mem>>)
        %dma_start3A_496 = arith.constant 0 : i32
        %dma_start3A_497 = tpu.memref_slice %arg51[%mul3A_417, %dma_start3A_496] : memref<128x32xf32, #tpu.memory_space<vmem>> -> memref<64x32xf32, #tpu.memory_space<vmem>>
        %dma_start3A_498 = tpu.memref_slice %arg33[%mul3A_415] : memref<512xi32, #tpu.memory_space<vmem>> -> memref<64xi32, #tpu.memory_space<vmem>>
        %dma_start3A_499 = arith.constant 0 : i32
        %dma_start3A_500 = arith.constant 0 : i32
        %dma_start3A_501 = tpu.memref_slice %arg26[%dma_start3A_499, %dma_start3A_500] : memref<100000x32xf32, #tpu.memory_space<hbm>> -> memref<100000x32xf32, #tpu.memory_space<hbm>>
        tpu.enqueue_indirect_dma source(%dma_start3A_501 : memref<100000x32xf32, #tpu.memory_space<hbm>>) target(%dma_start3A_497 : memref<64x32xf32, #tpu.memory_space<vmem>>) offsets(%dma_start3A_498 : memref<64xi32, #tpu.memory_space<vmem>>) semaphore(%arg66 : memref<!tpu.dma_semaphore, #tpu.memory_space<semaphore_mem>>)
        %dma_start3A_502 = arith.constant 0 : i32
        %dma_start3A_503 = tpu.memref_slice %arg52[%mul3A_417, %dma_start3A_502] : memref<128x32xf32, #tpu.memory_space<vmem>> -> memref<64x32xf32, #tpu.memory_space<vmem>>
        %dma_start3A_504 = tpu.memref_slice %arg33[%mul3A_415] : memref<512xi32, #tpu.memory_space<vmem>> -> memref<64xi32, #tpu.memory_space<vmem>>
        %dma_start3A_505 = arith.constant 0 : i32
        %dma_start3A_506 = arith.constant 0 : i32
        %dma_start3A_507 = tpu.memref_slice %arg28[%dma_start3A_505, %dma_start3A_506] : memref<100000x32xf32, #tpu.memory_space<hbm>> -> memref<100000x32xf32, #tpu.memory_space<hbm>>
        tpu.enqueue_indirect_dma source(%dma_start3A_507 : memref<100000x32xf32, #tpu.memory_space<hbm>>) target(%dma_start3A_503 : memref<64x32xf32, #tpu.memory_space<vmem>>) offsets(%dma_start3A_504 : memref<64xi32, #tpu.memory_space<vmem>>) semaphore(%arg66 : memref<!tpu.dma_semaphore, #tpu.memory_space<semaphore_mem>>)
        %dma_start3A_508 = arith.constant 0 : i32
        %dma_start3A_509 = tpu.memref_slice %arg53[%mul3A_417, %dma_start3A_508] : memref<128x32xf32, #tpu.memory_space<vmem>> -> memref<64x32xf32, #tpu.memory_space<vmem>>
        %dma_start3A_510 = tpu.memref_slice %arg33[%mul3A_415] : memref<512xi32, #tpu.memory_space<vmem>> -> memref<64xi32, #tpu.memory_space<vmem>>
        %dma_start3A_511 = arith.constant 0 : i32
        %dma_start3A_512 = arith.constant 0 : i32
        %dma_start3A_513 = tpu.memref_slice %arg30[%dma_start3A_511, %dma_start3A_512] : memref<100000x32xf32, #tpu.memory_space<hbm>> -> memref<100000x32xf32, #tpu.memory_space<hbm>>
        tpu.enqueue_indirect_dma source(%dma_start3A_513 : memref<100000x32xf32, #tpu.memory_space<hbm>>) target(%dma_start3A_509 : memref<64x32xf32, #tpu.memory_space<vmem>>) offsets(%dma_start3A_510 : memref<64xi32, #tpu.memory_space<vmem>>) semaphore(%arg66 : memref<!tpu.dma_semaphore, #tpu.memory_space<semaphore_mem>>)
        %dma_start3A_514 = arith.constant 0 : i32
        %dma_start3A_515 = tpu.memref_slice %arg54[%mul3A_417, %dma_start3A_514] : memref<128x32xf32, #tpu.memory_space<vmem>> -> memref<64x32xf32, #tpu.memory_space<vmem>>
        %dma_start3A_516 = tpu.memref_slice %arg33[%mul3A_415] : memref<512xi32, #tpu.memory_space<vmem>> -> memref<64xi32, #tpu.memory_space<vmem>>
        %dma_start3A_517 = arith.constant 0 : i32
        %dma_start3A_518 = arith.constant 0 : i32
        %dma_start3A_519 = tpu.memref_slice %arg14[%dma_start3A_517, %dma_start3A_518] : memref<100000x32xf32, #tpu.memory_space<hbm>> -> memref<100000x32xf32, #tpu.memory_space<hbm>>
        tpu.enqueue_indirect_dma source(%dma_start3A_519 : memref<100000x32xf32, #tpu.memory_space<hbm>>) target(%dma_start3A_515 : memref<64x32xf32, #tpu.memory_space<vmem>>) offsets(%dma_start3A_516 : memref<64xi32, #tpu.memory_space<vmem>>) semaphore(%arg66 : memref<!tpu.dma_semaphore, #tpu.memory_space<semaphore_mem>>)
        %dma_start3A_520 = arith.constant 0 : i32
        %dma_start3A_521 = tpu.memref_slice %arg55[%mul3A_417, %dma_start3A_520] : memref<128x32xf32, #tpu.memory_space<vmem>> -> memref<64x32xf32, #tpu.memory_space<vmem>>
        %dma_start3A_522 = tpu.memref_slice %arg33[%mul3A_415] : memref<512xi32, #tpu.memory_space<vmem>> -> memref<64xi32, #tpu.memory_space<vmem>>
        %dma_start3A_523 = arith.constant 0 : i32
        %dma_start3A_524 = arith.constant 0 : i32
        %dma_start3A_525 = tpu.memref_slice %arg16[%dma_start3A_523, %dma_start3A_524] : memref<100000x32xf32, #tpu.memory_space<hbm>> -> memref<100000x32xf32, #tpu.memory_space<hbm>>
        tpu.enqueue_indirect_dma source(%dma_start3A_525 : memref<100000x32xf32, #tpu.memory_space<hbm>>) target(%dma_start3A_521 : memref<64x32xf32, #tpu.memory_space<vmem>>) offsets(%dma_start3A_522 : memref<64xi32, #tpu.memory_space<vmem>>) semaphore(%arg66 : memref<!tpu.dma_semaphore, #tpu.memory_space<semaphore_mem>>)
        %dma_start3A_526 = arith.constant 0 : i32
        %dma_start3A_527 = tpu.memref_slice %arg56[%mul3A_417, %dma_start3A_526] : memref<128x32xf32, #tpu.memory_space<vmem>> -> memref<64x32xf32, #tpu.memory_space<vmem>>
        %dma_start3A_528 = tpu.memref_slice %arg33[%mul3A_415] : memref<512xi32, #tpu.memory_space<vmem>> -> memref<64xi32, #tpu.memory_space<vmem>>
        %dma_start3A_529 = arith.constant 0 : i32
        %dma_start3A_530 = arith.constant 0 : i32
        %dma_start3A_531 = tpu.memref_slice %arg18[%dma_start3A_529, %dma_start3A_530] : memref<100000x32xf32, #tpu.memory_space<hbm>> -> memref<100000x32xf32, #tpu.memory_space<hbm>>
        tpu.enqueue_indirect_dma source(%dma_start3A_531 : memref<100000x32xf32, #tpu.memory_space<hbm>>) target(%dma_start3A_527 : memref<64x32xf32, #tpu.memory_space<vmem>>) offsets(%dma_start3A_528 : memref<64xi32, #tpu.memory_space<vmem>>) semaphore(%arg66 : memref<!tpu.dma_semaphore, #tpu.memory_space<semaphore_mem>>)
        %dma_start3A_532 = arith.constant 0 : i32
        %dma_start3A_533 = tpu.memref_slice %arg57[%mul3A_417, %dma_start3A_532] : memref<128x32xf32, #tpu.memory_space<vmem>> -> memref<64x32xf32, #tpu.memory_space<vmem>>
        %dma_start3A_534 = tpu.memref_slice %arg33[%mul3A_415] : memref<512xi32, #tpu.memory_space<vmem>> -> memref<64xi32, #tpu.memory_space<vmem>>
        %dma_start3A_535 = arith.constant 0 : i32
        %dma_start3A_536 = arith.constant 0 : i32
        %dma_start3A_537 = tpu.memref_slice %arg20[%dma_start3A_535, %dma_start3A_536] : memref<100000x32xf32, #tpu.memory_space<hbm>> -> memref<100000x32xf32, #tpu.memory_space<hbm>>
        tpu.enqueue_indirect_dma source(%dma_start3A_537 : memref<100000x32xf32, #tpu.memory_space<hbm>>) target(%dma_start3A_533 : memref<64x32xf32, #tpu.memory_space<vmem>>) offsets(%dma_start3A_534 : memref<64xi32, #tpu.memory_space<vmem>>) semaphore(%arg66 : memref<!tpu.dma_semaphore, #tpu.memory_space<semaphore_mem>>)
        %dma_start3A_538 = arith.constant 0 : i32
        %dma_start3A_539 = tpu.memref_slice %arg58[%mul3A_417, %dma_start3A_538] : memref<128x32xf32, #tpu.memory_space<vmem>> -> memref<64x32xf32, #tpu.memory_space<vmem>>
        %dma_start3A_540 = tpu.memref_slice %arg33[%mul3A_415] : memref<512xi32, #tpu.memory_space<vmem>> -> memref<64xi32, #tpu.memory_space<vmem>>
        %dma_start3A_541 = arith.constant 0 : i32
        %dma_start3A_542 = arith.constant 0 : i32
        %dma_start3A_543 = tpu.memref_slice %arg22[%dma_start3A_541, %dma_start3A_542] : memref<100000x32xf32, #tpu.memory_space<hbm>> -> memref<100000x32xf32, #tpu.memory_space<hbm>>
        tpu.enqueue_indirect_dma source(%dma_start3A_543 : memref<100000x32xf32, #tpu.memory_space<hbm>>) target(%dma_start3A_539 : memref<64x32xf32, #tpu.memory_space<vmem>>) offsets(%dma_start3A_540 : memref<64xi32, #tpu.memory_space<vmem>>) semaphore(%arg66 : memref<!tpu.dma_semaphore, #tpu.memory_space<semaphore_mem>>)
        %dma_start3A_544 = arith.constant 0 : i32
        %dma_start3A_545 = tpu.memref_slice %arg59[%mul3A_417, %dma_start3A_544] : memref<128x32xf32, #tpu.memory_space<vmem>> -> memref<64x32xf32, #tpu.memory_space<vmem>>
        %dma_start3A_546 = tpu.memref_slice %arg33[%mul3A_415] : memref<512xi32, #tpu.memory_space<vmem>> -> memref<64xi32, #tpu.memory_space<vmem>>
        %dma_start3A_547 = arith.constant 0 : i32
        %dma_start3A_548 = arith.constant 0 : i32
        %dma_start3A_549 = tpu.memref_slice %arg24[%dma_start3A_547, %dma_start3A_548] : memref<100000x32xf32, #tpu.memory_space<hbm>> -> memref<100000x32xf32, #tpu.memory_space<hbm>>
        tpu.enqueue_indirect_dma source(%dma_start3A_549 : memref<100000x32xf32, #tpu.memory_space<hbm>>) target(%dma_start3A_545 : memref<64x32xf32, #tpu.memory_space<vmem>>) offsets(%dma_start3A_546 : memref<64xi32, #tpu.memory_space<vmem>>) semaphore(%arg66 : memref<!tpu.dma_semaphore, #tpu.memory_space<semaphore_mem>>)
        %dma_start3A_550 = arith.constant 0 : i32
        %dma_start3A_551 = tpu.memref_slice %arg60[%mul3A_417, %dma_start3A_550] : memref<128x64xf32, #tpu.memory_space<vmem>> -> memref<64x64xf32, #tpu.memory_space<vmem>>
        %dma_start3A_552 = tpu.memref_slice %arg34[%mul3A_415] : memref<512xi32, #tpu.memory_space<vmem>> -> memref<64xi32, #tpu.memory_space<vmem>>
        %dma_start3A_553 = arith.constant 0 : i32
        %dma_start3A_554 = arith.constant 0 : i32
        %dma_start3A_555 = tpu.memref_slice %arg10[%dma_start3A_553, %dma_start3A_554] : memref<1000x64xf32, #tpu.memory_space<hbm>> -> memref<1000x64xf32, #tpu.memory_space<hbm>>
        tpu.enqueue_indirect_dma source(%dma_start3A_555 : memref<1000x64xf32, #tpu.memory_space<hbm>>) target(%dma_start3A_551 : memref<64x64xf32, #tpu.memory_space<vmem>>) offsets(%dma_start3A_552 : memref<64xi32, #tpu.memory_space<vmem>>) semaphore(%arg66 : memref<!tpu.dma_semaphore, #tpu.memory_space<semaphore_mem>>)
        %dma_start3A_556 = arith.constant 0 : i32
        %dma_start3A_557 = tpu.memref_slice %arg61[%mul3A_417, %dma_start3A_556] : memref<128x64xf32, #tpu.memory_space<vmem>> -> memref<64x64xf32, #tpu.memory_space<vmem>>
        %dma_start3A_558 = tpu.memref_slice %arg34[%mul3A_415] : memref<512xi32, #tpu.memory_space<vmem>> -> memref<64xi32, #tpu.memory_space<vmem>>
        %dma_start3A_559 = arith.constant 0 : i32
        %dma_start3A_560 = arith.constant 0 : i32
        %dma_start3A_561 = tpu.memref_slice %arg11[%dma_start3A_559, %dma_start3A_560] : memref<1000x64xf32, #tpu.memory_space<hbm>> -> memref<1000x64xf32, #tpu.memory_space<hbm>>
        tpu.enqueue_indirect_dma source(%dma_start3A_561 : memref<1000x64xf32, #tpu.memory_space<hbm>>) target(%dma_start3A_557 : memref<64x64xf32, #tpu.memory_space<vmem>>) offsets(%dma_start3A_558 : memref<64xi32, #tpu.memory_space<vmem>>) semaphore(%arg66 : memref<!tpu.dma_semaphore, #tpu.memory_space<semaphore_mem>>)
        %dma_start3A_562 = arith.constant 0 : i32
        %dma_start3A_563 = tpu.memref_slice %arg62[%mul3A_417, %dma_start3A_562] : memref<128x64xf32, #tpu.memory_space<vmem>> -> memref<64x64xf32, #tpu.memory_space<vmem>>
        %dma_start3A_564 = tpu.memref_slice %arg34[%mul3A_415] : memref<512xi32, #tpu.memory_space<vmem>> -> memref<64xi32, #tpu.memory_space<vmem>>
        %dma_start3A_565 = arith.constant 0 : i32
        %dma_start3A_566 = arith.constant 0 : i32
        %dma_start3A_567 = tpu.memref_slice %arg12[%dma_start3A_565, %dma_start3A_566] : memref<1000x64xf32, #tpu.memory_space<hbm>> -> memref<1000x64xf32, #tpu.memory_space<hbm>>
        tpu.enqueue_indirect_dma source(%dma_start3A_567 : memref<1000x64xf32, #tpu.memory_space<hbm>>) target(%dma_start3A_563 : memref<64x64xf32, #tpu.memory_space<vmem>>) offsets(%dma_start3A_564 : memref<64xi32, #tpu.memory_space<vmem>>) semaphore(%arg66 : memref<!tpu.dma_semaphore, #tpu.memory_space<semaphore_mem>>)
      } else {
      }
      %mul3A_223 = arith.constant 64 : i32
      %mul3A_224 = arith.muli %rem3A_216, %mul3A_223 : i32
      %dma_wait3A = arith.constant 0 : i32
      %dma_wait3A_225 = tpu.memref_slice %arg38[%mul3A_224, %dma_wait3A] : memref<128x32xf32, #tpu.memory_space<vmem>> -> memref<64x32xf32, #tpu.memory_space<vmem>>
      %dma_wait3A_226 = arith.constant 0 : i32
      %dma_wait3A_227 = tpu.memref_slice %arg32[%dma_wait3A_226] : memref<512xi32, #tpu.memory_space<vmem>> -> memref<64xi32, #tpu.memory_space<vmem>>
      %dma_wait3A_228 = arith.constant 0 : i32
      %dma_wait3A_229 = arith.constant 0 : i32
      %dma_wait3A_230 = tpu.memref_slice %arg8[%dma_wait3A_228, %dma_wait3A_229] : memref<100000x32xf32, #tpu.memory_space<hbm>> -> memref<100000x32xf32, #tpu.memory_space<hbm>>
      tpu.wait_indirect_dma semaphore(%arg66 : memref<!tpu.dma_semaphore, #tpu.memory_space<semaphore_mem>>) src(%dma_wait3A_230 : memref<100000x32xf32, #tpu.memory_space<hbm>>) dst(%dma_wait3A_225 : memref<64x32xf32, #tpu.memory_space<vmem>>)
      %dma_wait3A_231 = arith.constant 0 : i32
      %dma_wait3A_232 = tpu.memref_slice %arg39[%mul3A_224, %dma_wait3A_231] : memref<128x32xf32, #tpu.memory_space<vmem>> -> memref<64x32xf32, #tpu.memory_space<vmem>>
      %dma_wait3A_233 = arith.constant 0 : i32
      %dma_wait3A_234 = tpu.memref_slice %arg32[%dma_wait3A_233] : memref<512xi32, #tpu.memory_space<vmem>> -> memref<64xi32, #tpu.memory_space<vmem>>
      %dma_wait3A_235 = arith.constant 0 : i32
      %dma_wait3A_236 = arith.constant 0 : i32
      %dma_wait3A_237 = tpu.memref_slice %arg9[%dma_wait3A_235, %dma_wait3A_236] : memref<100000x32xf32, #tpu.memory_space<hbm>> -> memref<100000x32xf32, #tpu.memory_space<hbm>>
      tpu.wait_indirect_dma semaphore(%arg66 : memref<!tpu.dma_semaphore, #tpu.memory_space<semaphore_mem>>) src(%dma_wait3A_237 : memref<100000x32xf32, #tpu.memory_space<hbm>>) dst(%dma_wait3A_232 : memref<64x32xf32, #tpu.memory_space<vmem>>)
      %dma_wait3A_238 = arith.constant 0 : i32
      %dma_wait3A_239 = tpu.memref_slice %arg42[%mul3A_224, %dma_wait3A_238] : memref<128x32xf32, #tpu.memory_space<vmem>> -> memref<64x32xf32, #tpu.memory_space<vmem>>
      %dma_wait3A_240 = arith.constant 0 : i32
      %dma_wait3A_241 = tpu.memref_slice %arg32[%dma_wait3A_240] : memref<512xi32, #tpu.memory_space<vmem>> -> memref<64xi32, #tpu.memory_space<vmem>>
      %dma_wait3A_242 = arith.constant 0 : i32
      %dma_wait3A_243 = arith.constant 0 : i32
      %dma_wait3A_244 = tpu.memref_slice %arg25[%dma_wait3A_242, %dma_wait3A_243] : memref<100000x32xf32, #tpu.memory_space<hbm>> -> memref<100000x32xf32, #tpu.memory_space<hbm>>
      tpu.wait_indirect_dma semaphore(%arg66 : memref<!tpu.dma_semaphore, #tpu.memory_space<semaphore_mem>>) src(%dma_wait3A_244 : memref<100000x32xf32, #tpu.memory_space<hbm>>) dst(%dma_wait3A_239 : memref<64x32xf32, #tpu.memory_space<vmem>>)
      %dma_wait3A_245 = arith.constant 0 : i32
      %dma_wait3A_246 = tpu.memref_slice %arg43[%mul3A_224, %dma_wait3A_245] : memref<128x32xf32, #tpu.memory_space<vmem>> -> memref<64x32xf32, #tpu.memory_space<vmem>>
      %dma_wait3A_247 = arith.constant 0 : i32
      %dma_wait3A_248 = tpu.memref_slice %arg32[%dma_wait3A_247] : memref<512xi32, #tpu.memory_space<vmem>> -> memref<64xi32, #tpu.memory_space<vmem>>
      %dma_wait3A_249 = arith.constant 0 : i32
      %dma_wait3A_250 = arith.constant 0 : i32
      %dma_wait3A_251 = tpu.memref_slice %arg27[%dma_wait3A_249, %dma_wait3A_250] : memref<100000x32xf32, #tpu.memory_space<hbm>> -> memref<100000x32xf32, #tpu.memory_space<hbm>>
      tpu.wait_indirect_dma semaphore(%arg66 : memref<!tpu.dma_semaphore, #tpu.memory_space<semaphore_mem>>) src(%dma_wait3A_251 : memref<100000x32xf32, #tpu.memory_space<hbm>>) dst(%dma_wait3A_246 : memref<64x32xf32, #tpu.memory_space<vmem>>)
      %dma_wait3A_252 = arith.constant 0 : i32
      %dma_wait3A_253 = tpu.memref_slice %arg44[%mul3A_224, %dma_wait3A_252] : memref<128x32xf32, #tpu.memory_space<vmem>> -> memref<64x32xf32, #tpu.memory_space<vmem>>
      %dma_wait3A_254 = arith.constant 0 : i32
      %dma_wait3A_255 = tpu.memref_slice %arg32[%dma_wait3A_254] : memref<512xi32, #tpu.memory_space<vmem>> -> memref<64xi32, #tpu.memory_space<vmem>>
      %dma_wait3A_256 = arith.constant 0 : i32
      %dma_wait3A_257 = arith.constant 0 : i32
      %dma_wait3A_258 = tpu.memref_slice %arg29[%dma_wait3A_256, %dma_wait3A_257] : memref<100000x32xf32, #tpu.memory_space<hbm>> -> memref<100000x32xf32, #tpu.memory_space<hbm>>
      tpu.wait_indirect_dma semaphore(%arg66 : memref<!tpu.dma_semaphore, #tpu.memory_space<semaphore_mem>>) src(%dma_wait3A_258 : memref<100000x32xf32, #tpu.memory_space<hbm>>) dst(%dma_wait3A_253 : memref<64x32xf32, #tpu.memory_space<vmem>>)
      %dma_wait3A_259 = arith.constant 0 : i32
      %dma_wait3A_260 = tpu.memref_slice %arg45[%mul3A_224, %dma_wait3A_259] : memref<128x32xf32, #tpu.memory_space<vmem>> -> memref<64x32xf32, #tpu.memory_space<vmem>>
      %dma_wait3A_261 = arith.constant 0 : i32
      %dma_wait3A_262 = tpu.memref_slice %arg32[%dma_wait3A_261] : memref<512xi32, #tpu.memory_space<vmem>> -> memref<64xi32, #tpu.memory_space<vmem>>
      %dma_wait3A_263 = arith.constant 0 : i32
      %dma_wait3A_264 = arith.constant 0 : i32
      %dma_wait3A_265 = tpu.memref_slice %arg13[%dma_wait3A_263, %dma_wait3A_264] : memref<100000x32xf32, #tpu.memory_space<hbm>> -> memref<100000x32xf32, #tpu.memory_space<hbm>>
      tpu.wait_indirect_dma semaphore(%arg66 : memref<!tpu.dma_semaphore, #tpu.memory_space<semaphore_mem>>) src(%dma_wait3A_265 : memref<100000x32xf32, #tpu.memory_space<hbm>>) dst(%dma_wait3A_260 : memref<64x32xf32, #tpu.memory_space<vmem>>)
      %dma_wait3A_266 = arith.constant 0 : i32
      %dma_wait3A_267 = tpu.memref_slice %arg46[%mul3A_224, %dma_wait3A_266] : memref<128x32xf32, #tpu.memory_space<vmem>> -> memref<64x32xf32, #tpu.memory_space<vmem>>
      %dma_wait3A_268 = arith.constant 0 : i32
      %dma_wait3A_269 = tpu.memref_slice %arg32[%dma_wait3A_268] : memref<512xi32, #tpu.memory_space<vmem>> -> memref<64xi32, #tpu.memory_space<vmem>>
      %dma_wait3A_270 = arith.constant 0 : i32
      %dma_wait3A_271 = arith.constant 0 : i32
      %dma_wait3A_272 = tpu.memref_slice %arg15[%dma_wait3A_270, %dma_wait3A_271] : memref<100000x32xf32, #tpu.memory_space<hbm>> -> memref<100000x32xf32, #tpu.memory_space<hbm>>
      tpu.wait_indirect_dma semaphore(%arg66 : memref<!tpu.dma_semaphore, #tpu.memory_space<semaphore_mem>>) src(%dma_wait3A_272 : memref<100000x32xf32, #tpu.memory_space<hbm>>) dst(%dma_wait3A_267 : memref<64x32xf32, #tpu.memory_space<vmem>>)
      %dma_wait3A_273 = arith.constant 0 : i32
      %dma_wait3A_274 = tpu.memref_slice %arg47[%mul3A_224, %dma_wait3A_273] : memref<128x32xf32, #tpu.memory_space<vmem>> -> memref<64x32xf32, #tpu.memory_space<vmem>>
      %dma_wait3A_275 = arith.constant 0 : i32
      %dma_wait3A_276 = tpu.memref_slice %arg32[%dma_wait3A_275] : memref<512xi32, #tpu.memory_space<vmem>> -> memref<64xi32, #tpu.memory_space<vmem>>
      %dma_wait3A_277 = arith.constant 0 : i32
      %dma_wait3A_278 = arith.constant 0 : i32
      %dma_wait3A_279 = tpu.memref_slice %arg17[%dma_wait3A_277, %dma_wait3A_278] : memref<100000x32xf32, #tpu.memory_space<hbm>> -> memref<100000x32xf32, #tpu.memory_space<hbm>>
      tpu.wait_indirect_dma semaphore(%arg66 : memref<!tpu.dma_semaphore, #tpu.memory_space<semaphore_mem>>) src(%dma_wait3A_279 : memref<100000x32xf32, #tpu.memory_space<hbm>>) dst(%dma_wait3A_274 : memref<64x32xf32, #tpu.memory_space<vmem>>)
      %dma_wait3A_280 = arith.constant 0 : i32
      %dma_wait3A_281 = tpu.memref_slice %arg48[%mul3A_224, %dma_wait3A_280] : memref<128x32xf32, #tpu.memory_space<vmem>> -> memref<64x32xf32, #tpu.memory_space<vmem>>
      %dma_wait3A_282 = arith.constant 0 : i32
      %dma_wait3A_283 = tpu.memref_slice %arg32[%dma_wait3A_282] : memref<512xi32, #tpu.memory_space<vmem>> -> memref<64xi32, #tpu.memory_space<vmem>>
      %dma_wait3A_284 = arith.constant 0 : i32
      %dma_wait3A_285 = arith.constant 0 : i32
      %dma_wait3A_286 = tpu.memref_slice %arg19[%dma_wait3A_284, %dma_wait3A_285] : memref<100000x32xf32, #tpu.memory_space<hbm>> -> memref<100000x32xf32, #tpu.memory_space<hbm>>
      tpu.wait_indirect_dma semaphore(%arg66 : memref<!tpu.dma_semaphore, #tpu.memory_space<semaphore_mem>>) src(%dma_wait3A_286 : memref<100000x32xf32, #tpu.memory_space<hbm>>) dst(%dma_wait3A_281 : memref<64x32xf32, #tpu.memory_space<vmem>>)
      %dma_wait3A_287 = arith.constant 0 : i32
      %dma_wait3A_288 = tpu.memref_slice %arg49[%mul3A_224, %dma_wait3A_287] : memref<128x32xf32, #tpu.memory_space<vmem>> -> memref<64x32xf32, #tpu.memory_space<vmem>>
      %dma_wait3A_289 = arith.constant 0 : i32
      %dma_wait3A_290 = tpu.memref_slice %arg32[%dma_wait3A_289] : memref<512xi32, #tpu.memory_space<vmem>> -> memref<64xi32, #tpu.memory_space<vmem>>
      %dma_wait3A_291 = arith.constant 0 : i32
      %dma_wait3A_292 = arith.constant 0 : i32
      %dma_wait3A_293 = tpu.memref_slice %arg21[%dma_wait3A_291, %dma_wait3A_292] : memref<100000x32xf32, #tpu.memory_space<hbm>> -> memref<100000x32xf32, #tpu.memory_space<hbm>>
      tpu.wait_indirect_dma semaphore(%arg66 : memref<!tpu.dma_semaphore, #tpu.memory_space<semaphore_mem>>) src(%dma_wait3A_293 : memref<100000x32xf32, #tpu.memory_space<hbm>>) dst(%dma_wait3A_288 : memref<64x32xf32, #tpu.memory_space<vmem>>)
      %dma_wait3A_294 = arith.constant 0 : i32
      %dma_wait3A_295 = tpu.memref_slice %arg50[%mul3A_224, %dma_wait3A_294] : memref<128x32xf32, #tpu.memory_space<vmem>> -> memref<64x32xf32, #tpu.memory_space<vmem>>
      %dma_wait3A_296 = arith.constant 0 : i32
      %dma_wait3A_297 = tpu.memref_slice %arg32[%dma_wait3A_296] : memref<512xi32, #tpu.memory_space<vmem>> -> memref<64xi32, #tpu.memory_space<vmem>>
      %dma_wait3A_298 = arith.constant 0 : i32
      %dma_wait3A_299 = arith.constant 0 : i32
      %dma_wait3A_300 = tpu.memref_slice %arg23[%dma_wait3A_298, %dma_wait3A_299] : memref<100000x32xf32, #tpu.memory_space<hbm>> -> memref<100000x32xf32, #tpu.memory_space<hbm>>
      tpu.wait_indirect_dma semaphore(%arg66 : memref<!tpu.dma_semaphore, #tpu.memory_space<semaphore_mem>>) src(%dma_wait3A_300 : memref<100000x32xf32, #tpu.memory_space<hbm>>) dst(%dma_wait3A_295 : memref<64x32xf32, #tpu.memory_space<vmem>>)
      %dma_wait3A_301 = arith.constant 0 : i32
      %dma_wait3A_302 = tpu.memref_slice %arg40[%mul3A_224, %dma_wait3A_301] : memref<128x32xf32, #tpu.memory_space<vmem>> -> memref<64x32xf32, #tpu.memory_space<vmem>>
      %dma_wait3A_303 = arith.constant 0 : i32
      %dma_wait3A_304 = tpu.memref_slice %arg33[%dma_wait3A_303] : memref<512xi32, #tpu.memory_space<vmem>> -> memref<64xi32, #tpu.memory_space<vmem>>
      %dma_wait3A_305 = arith.constant 0 : i32
      %dma_wait3A_306 = arith.constant 0 : i32
      %dma_wait3A_307 = tpu.memref_slice %arg8[%dma_wait3A_305, %dma_wait3A_306] : memref<100000x32xf32, #tpu.memory_space<hbm>> -> memref<100000x32xf32, #tpu.memory_space<hbm>>
      tpu.wait_indirect_dma semaphore(%arg66 : memref<!tpu.dma_semaphore, #tpu.memory_space<semaphore_mem>>) src(%dma_wait3A_307 : memref<100000x32xf32, #tpu.memory_space<hbm>>) dst(%dma_wait3A_302 : memref<64x32xf32, #tpu.memory_space<vmem>>)
      %dma_wait3A_308 = arith.constant 0 : i32
      %dma_wait3A_309 = tpu.memref_slice %arg41[%mul3A_224, %dma_wait3A_308] : memref<128x32xf32, #tpu.memory_space<vmem>> -> memref<64x32xf32, #tpu.memory_space<vmem>>
      %dma_wait3A_310 = arith.constant 0 : i32
      %dma_wait3A_311 = tpu.memref_slice %arg33[%dma_wait3A_310] : memref<512xi32, #tpu.memory_space<vmem>> -> memref<64xi32, #tpu.memory_space<vmem>>
      %dma_wait3A_312 = arith.constant 0 : i32
      %dma_wait3A_313 = arith.constant 0 : i32
      %dma_wait3A_314 = tpu.memref_slice %arg9[%dma_wait3A_312, %dma_wait3A_313] : memref<100000x32xf32, #tpu.memory_space<hbm>> -> memref<100000x32xf32, #tpu.memory_space<hbm>>
      tpu.wait_indirect_dma semaphore(%arg66 : memref<!tpu.dma_semaphore, #tpu.memory_space<semaphore_mem>>) src(%dma_wait3A_314 : memref<100000x32xf32, #tpu.memory_space<hbm>>) dst(%dma_wait3A_309 : memref<64x32xf32, #tpu.memory_space<vmem>>)
      %dma_wait3A_315 = arith.constant 0 : i32
      %dma_wait3A_316 = tpu.memref_slice %arg51[%mul3A_224, %dma_wait3A_315] : memref<128x32xf32, #tpu.memory_space<vmem>> -> memref<64x32xf32, #tpu.memory_space<vmem>>
      %dma_wait3A_317 = arith.constant 0 : i32
      %dma_wait3A_318 = tpu.memref_slice %arg33[%dma_wait3A_317] : memref<512xi32, #tpu.memory_space<vmem>> -> memref<64xi32, #tpu.memory_space<vmem>>
      %dma_wait3A_319 = arith.constant 0 : i32
      %dma_wait3A_320 = arith.constant 0 : i32
      %dma_wait3A_321 = tpu.memref_slice %arg26[%dma_wait3A_319, %dma_wait3A_320] : memref<100000x32xf32, #tpu.memory_space<hbm>> -> memref<100000x32xf32, #tpu.memory_space<hbm>>
      tpu.wait_indirect_dma semaphore(%arg66 : memref<!tpu.dma_semaphore, #tpu.memory_space<semaphore_mem>>) src(%dma_wait3A_321 : memref<100000x32xf32, #tpu.memory_space<hbm>>) dst(%dma_wait3A_316 : memref<64x32xf32, #tpu.memory_space<vmem>>)
      %dma_wait3A_322 = arith.constant 0 : i32
      %dma_wait3A_323 = tpu.memref_slice %arg52[%mul3A_224, %dma_wait3A_322] : memref<128x32xf32, #tpu.memory_space<vmem>> -> memref<64x32xf32, #tpu.memory_space<vmem>>
      %dma_wait3A_324 = arith.constant 0 : i32
      %dma_wait3A_325 = tpu.memref_slice %arg33[%dma_wait3A_324] : memref<512xi32, #tpu.memory_space<vmem>> -> memref<64xi32, #tpu.memory_space<vmem>>
      %dma_wait3A_326 = arith.constant 0 : i32
      %dma_wait3A_327 = arith.constant 0 : i32
      %dma_wait3A_328 = tpu.memref_slice %arg28[%dma_wait3A_326, %dma_wait3A_327] : memref<100000x32xf32, #tpu.memory_space<hbm>> -> memref<100000x32xf32, #tpu.memory_space<hbm>>
      tpu.wait_indirect_dma semaphore(%arg66 : memref<!tpu.dma_semaphore, #tpu.memory_space<semaphore_mem>>) src(%dma_wait3A_328 : memref<100000x32xf32, #tpu.memory_space<hbm>>) dst(%dma_wait3A_323 : memref<64x32xf32, #tpu.memory_space<vmem>>)
      %dma_wait3A_329 = arith.constant 0 : i32
      %dma_wait3A_330 = tpu.memref_slice %arg53[%mul3A_224, %dma_wait3A_329] : memref<128x32xf32, #tpu.memory_space<vmem>> -> memref<64x32xf32, #tpu.memory_space<vmem>>
      %dma_wait3A_331 = arith.constant 0 : i32
      %dma_wait3A_332 = tpu.memref_slice %arg33[%dma_wait3A_331] : memref<512xi32, #tpu.memory_space<vmem>> -> memref<64xi32, #tpu.memory_space<vmem>>
      %dma_wait3A_333 = arith.constant 0 : i32
      %dma_wait3A_334 = arith.constant 0 : i32
      %dma_wait3A_335 = tpu.memref_slice %arg30[%dma_wait3A_333, %dma_wait3A_334] : memref<100000x32xf32, #tpu.memory_space<hbm>> -> memref<100000x32xf32, #tpu.memory_space<hbm>>
      tpu.wait_indirect_dma semaphore(%arg66 : memref<!tpu.dma_semaphore, #tpu.memory_space<semaphore_mem>>) src(%dma_wait3A_335 : memref<100000x32xf32, #tpu.memory_space<hbm>>) dst(%dma_wait3A_330 : memref<64x32xf32, #tpu.memory_space<vmem>>)
      %dma_wait3A_336 = arith.constant 0 : i32
      %dma_wait3A_337 = tpu.memref_slice %arg54[%mul3A_224, %dma_wait3A_336] : memref<128x32xf32, #tpu.memory_space<vmem>> -> memref<64x32xf32, #tpu.memory_space<vmem>>
      %dma_wait3A_338 = arith.constant 0 : i32
      %dma_wait3A_339 = tpu.memref_slice %arg33[%dma_wait3A_338] : memref<512xi32, #tpu.memory_space<vmem>> -> memref<64xi32, #tpu.memory_space<vmem>>
      %dma_wait3A_340 = arith.constant 0 : i32
      %dma_wait3A_341 = arith.constant 0 : i32
      %dma_wait3A_342 = tpu.memref_slice %arg14[%dma_wait3A_340, %dma_wait3A_341] : memref<100000x32xf32, #tpu.memory_space<hbm>> -> memref<100000x32xf32, #tpu.memory_space<hbm>>
      tpu.wait_indirect_dma semaphore(%arg66 : memref<!tpu.dma_semaphore, #tpu.memory_space<semaphore_mem>>) src(%dma_wait3A_342 : memref<100000x32xf32, #tpu.memory_space<hbm>>) dst(%dma_wait3A_337 : memref<64x32xf32, #tpu.memory_space<vmem>>)
      %dma_wait3A_343 = arith.constant 0 : i32
      %dma_wait3A_344 = tpu.memref_slice %arg55[%mul3A_224, %dma_wait3A_343] : memref<128x32xf32, #tpu.memory_space<vmem>> -> memref<64x32xf32, #tpu.memory_space<vmem>>
      %dma_wait3A_345 = arith.constant 0 : i32
      %dma_wait3A_346 = tpu.memref_slice %arg33[%dma_wait3A_345] : memref<512xi32, #tpu.memory_space<vmem>> -> memref<64xi32, #tpu.memory_space<vmem>>
      %dma_wait3A_347 = arith.constant 0 : i32
      %dma_wait3A_348 = arith.constant 0 : i32
      %dma_wait3A_349 = tpu.memref_slice %arg16[%dma_wait3A_347, %dma_wait3A_348] : memref<100000x32xf32, #tpu.memory_space<hbm>> -> memref<100000x32xf32, #tpu.memory_space<hbm>>
      tpu.wait_indirect_dma semaphore(%arg66 : memref<!tpu.dma_semaphore, #tpu.memory_space<semaphore_mem>>) src(%dma_wait3A_349 : memref<100000x32xf32, #tpu.memory_space<hbm>>) dst(%dma_wait3A_344 : memref<64x32xf32, #tpu.memory_space<vmem>>)
      %dma_wait3A_350 = arith.constant 0 : i32
      %dma_wait3A_351 = tpu.memref_slice %arg56[%mul3A_224, %dma_wait3A_350] : memref<128x32xf32, #tpu.memory_space<vmem>> -> memref<64x32xf32, #tpu.memory_space<vmem>>
      %dma_wait3A_352 = arith.constant 0 : i32
      %dma_wait3A_353 = tpu.memref_slice %arg33[%dma_wait3A_352] : memref<512xi32, #tpu.memory_space<vmem>> -> memref<64xi32, #tpu.memory_space<vmem>>
      %dma_wait3A_354 = arith.constant 0 : i32
      %dma_wait3A_355 = arith.constant 0 : i32
      %dma_wait3A_356 = tpu.memref_slice %arg18[%dma_wait3A_354, %dma_wait3A_355] : memref<100000x32xf32, #tpu.memory_space<hbm>> -> memref<100000x32xf32, #tpu.memory_space<hbm>>
      tpu.wait_indirect_dma semaphore(%arg66 : memref<!tpu.dma_semaphore, #tpu.memory_space<semaphore_mem>>) src(%dma_wait3A_356 : memref<100000x32xf32, #tpu.memory_space<hbm>>) dst(%dma_wait3A_351 : memref<64x32xf32, #tpu.memory_space<vmem>>)
      %dma_wait3A_357 = arith.constant 0 : i32
      %dma_wait3A_358 = tpu.memref_slice %arg57[%mul3A_224, %dma_wait3A_357] : memref<128x32xf32, #tpu.memory_space<vmem>> -> memref<64x32xf32, #tpu.memory_space<vmem>>
      %dma_wait3A_359 = arith.constant 0 : i32
      %dma_wait3A_360 = tpu.memref_slice %arg33[%dma_wait3A_359] : memref<512xi32, #tpu.memory_space<vmem>> -> memref<64xi32, #tpu.memory_space<vmem>>
      %dma_wait3A_361 = arith.constant 0 : i32
      %dma_wait3A_362 = arith.constant 0 : i32
      %dma_wait3A_363 = tpu.memref_slice %arg20[%dma_wait3A_361, %dma_wait3A_362] : memref<100000x32xf32, #tpu.memory_space<hbm>> -> memref<100000x32xf32, #tpu.memory_space<hbm>>
      tpu.wait_indirect_dma semaphore(%arg66 : memref<!tpu.dma_semaphore, #tpu.memory_space<semaphore_mem>>) src(%dma_wait3A_363 : memref<100000x32xf32, #tpu.memory_space<hbm>>) dst(%dma_wait3A_358 : memref<64x32xf32, #tpu.memory_space<vmem>>)
      %dma_wait3A_364 = arith.constant 0 : i32
      %dma_wait3A_365 = tpu.memref_slice %arg58[%mul3A_224, %dma_wait3A_364] : memref<128x32xf32, #tpu.memory_space<vmem>> -> memref<64x32xf32, #tpu.memory_space<vmem>>
      %dma_wait3A_366 = arith.constant 0 : i32
      %dma_wait3A_367 = tpu.memref_slice %arg33[%dma_wait3A_366] : memref<512xi32, #tpu.memory_space<vmem>> -> memref<64xi32, #tpu.memory_space<vmem>>
      %dma_wait3A_368 = arith.constant 0 : i32
      %dma_wait3A_369 = arith.constant 0 : i32
      %dma_wait3A_370 = tpu.memref_slice %arg22[%dma_wait3A_368, %dma_wait3A_369] : memref<100000x32xf32, #tpu.memory_space<hbm>> -> memref<100000x32xf32, #tpu.memory_space<hbm>>
      tpu.wait_indirect_dma semaphore(%arg66 : memref<!tpu.dma_semaphore, #tpu.memory_space<semaphore_mem>>) src(%dma_wait3A_370 : memref<100000x32xf32, #tpu.memory_space<hbm>>) dst(%dma_wait3A_365 : memref<64x32xf32, #tpu.memory_space<vmem>>)
      %dma_wait3A_371 = arith.constant 0 : i32
      %dma_wait3A_372 = tpu.memref_slice %arg59[%mul3A_224, %dma_wait3A_371] : memref<128x32xf32, #tpu.memory_space<vmem>> -> memref<64x32xf32, #tpu.memory_space<vmem>>
      %dma_wait3A_373 = arith.constant 0 : i32
      %dma_wait3A_374 = tpu.memref_slice %arg33[%dma_wait3A_373] : memref<512xi32, #tpu.memory_space<vmem>> -> memref<64xi32, #tpu.memory_space<vmem>>
      %dma_wait3A_375 = arith.constant 0 : i32
      %dma_wait3A_376 = arith.constant 0 : i32
      %dma_wait3A_377 = tpu.memref_slice %arg24[%dma_wait3A_375, %dma_wait3A_376] : memref<100000x32xf32, #tpu.memory_space<hbm>> -> memref<100000x32xf32, #tpu.memory_space<hbm>>
      tpu.wait_indirect_dma semaphore(%arg66 : memref<!tpu.dma_semaphore, #tpu.memory_space<semaphore_mem>>) src(%dma_wait3A_377 : memref<100000x32xf32, #tpu.memory_space<hbm>>) dst(%dma_wait3A_372 : memref<64x32xf32, #tpu.memory_space<vmem>>)
      %dma_wait3A_378 = arith.constant 0 : i32
      %dma_wait3A_379 = tpu.memref_slice %arg60[%mul3A_224, %dma_wait3A_378] : memref<128x64xf32, #tpu.memory_space<vmem>> -> memref<64x64xf32, #tpu.memory_space<vmem>>
      %dma_wait3A_380 = arith.constant 0 : i32
      %dma_wait3A_381 = tpu.memref_slice %arg34[%dma_wait3A_380] : memref<512xi32, #tpu.memory_space<vmem>> -> memref<64xi32, #tpu.memory_space<vmem>>
      %dma_wait3A_382 = arith.constant 0 : i32
      %dma_wait3A_383 = arith.constant 0 : i32
      %dma_wait3A_384 = tpu.memref_slice %arg10[%dma_wait3A_382, %dma_wait3A_383] : memref<1000x64xf32, #tpu.memory_space<hbm>> -> memref<1000x64xf32, #tpu.memory_space<hbm>>
      tpu.wait_indirect_dma semaphore(%arg66 : memref<!tpu.dma_semaphore, #tpu.memory_space<semaphore_mem>>) src(%dma_wait3A_384 : memref<1000x64xf32, #tpu.memory_space<hbm>>) dst(%dma_wait3A_379 : memref<64x64xf32, #tpu.memory_space<vmem>>)
      %dma_wait3A_385 = arith.constant 0 : i32
      %dma_wait3A_386 = tpu.memref_slice %arg61[%mul3A_224, %dma_wait3A_385] : memref<128x64xf32, #tpu.memory_space<vmem>> -> memref<64x64xf32, #tpu.memory_space<vmem>>
      %dma_wait3A_387 = arith.constant 0 : i32
      %dma_wait3A_388 = tpu.memref_slice %arg34[%dma_wait3A_387] : memref<512xi32, #tpu.memory_space<vmem>> -> memref<64xi32, #tpu.memory_space<vmem>>
      %dma_wait3A_389 = arith.constant 0 : i32
      %dma_wait3A_390 = arith.constant 0 : i32
      %dma_wait3A_391 = tpu.memref_slice %arg11[%dma_wait3A_389, %dma_wait3A_390] : memref<1000x64xf32, #tpu.memory_space<hbm>> -> memref<1000x64xf32, #tpu.memory_space<hbm>>
      tpu.wait_indirect_dma semaphore(%arg66 : memref<!tpu.dma_semaphore, #tpu.memory_space<semaphore_mem>>) src(%dma_wait3A_391 : memref<1000x64xf32, #tpu.memory_space<hbm>>) dst(%dma_wait3A_386 : memref<64x64xf32, #tpu.memory_space<vmem>>)
      %dma_wait3A_392 = arith.constant 0 : i32
      %dma_wait3A_393 = tpu.memref_slice %arg62[%mul3A_224, %dma_wait3A_392] : memref<128x64xf32, #tpu.memory_space<vmem>> -> memref<64x64xf32, #tpu.memory_space<vmem>>
      %dma_wait3A_394 = arith.constant 0 : i32
      %dma_wait3A_395 = tpu.memref_slice %arg34[%dma_wait3A_394] : memref<512xi32, #tpu.memory_space<vmem>> -> memref<64xi32, #tpu.memory_space<vmem>>
      %dma_wait3A_396 = arith.constant 0 : i32
      %dma_wait3A_397 = arith.constant 0 : i32
      %dma_wait3A_398 = tpu.memref_slice %arg12[%dma_wait3A_396, %dma_wait3A_397] : memref<1000x64xf32, #tpu.memory_space<hbm>> -> memref<1000x64xf32, #tpu.memory_space<hbm>>
      tpu.wait_indirect_dma semaphore(%arg66 : memref<!tpu.dma_semaphore, #tpu.memory_space<semaphore_mem>>) src(%dma_wait3A_398 : memref<1000x64xf32, #tpu.memory_space<hbm>>) dst(%dma_wait3A_393 : memref<64x64xf32, #tpu.memory_space<vmem>>)
      %scan3A_399 = arith.constant 0 : i32
      %scan3A_400 = arith.constant 0 : i32
      %scan3A_401 = arith.constant 64 : i32
      %scan3A_402 = arith.addi %scan3A_400, %scan3A_401 : i32
      %scan3A_403 = arith.constant 1 : i32
      scf.for %scan3A_411 = %scan3A_400 to %scan3A_402 step %scan3A_403  : i32 {
        %add3A_412 = arith.addi %mul3A_215, %scan3A_411 : i32
        %broadcast_in_dim3A = vector.broadcast %add3A_412 : i32 to vector<16xi32>
        %add3A_413 = arith.addi %mul3A_218, %scan3A_411 : i32
        %gather3A = tpu.vector_load_idx %arg35[%broadcast_in_dim3A] : memref<512xf32, #tpu.memory_space<vmem>>[vector<16xi32>], vector<16xf32>,
        %gather3A_414 = tpu.vector_load_idx %arg36[%broadcast_in_dim3A] : memref<512xf32, #tpu.memory_space<vmem>>[vector<16xi32>], vector<16xf32>,
        %gather3A_415 = tpu.vector_load_idx %arg37[%broadcast_in_dim3A] : memref<512xf32, #tpu.memory_space<vmem>>[vector<16xi32>], vector<16xf32>,
        %broadcast_in_dim3A_416 = arith.constant 0.000000e+00 : f32
        %broadcast_in_dim3A_417 = vector.broadcast %broadcast_in_dim3A_416 : f32 to vector<16xf32>
        %broadcast_in_dim3A_418 = arith.constant 0.000000e+00 : f32
        %broadcast_in_dim3A_419 = vector.broadcast %broadcast_in_dim3A_418 : f32 to vector<16xf32>
        %get3A = arith.index_cast %add3A_413 : i32 to index
        %get3A_420 = arith.constant 0 : index
        %get3A_421 = tpu.vector_load %arg44[%get3A, %get3A_420] {strides = array<i32>} : memref<128x32xf32, #tpu.memory_space<vmem>>, vector<16xf32>,
        %get3A_422 = arith.index_cast %add3A_413 : i32 to index
        %get3A_423 = arith.constant 0 : index
        %get3A_424 = tpu.vector_load %arg42[%get3A_422, %get3A_423] {strides = array<i32>} : memref<128x32xf32, #tpu.memory_space<vmem>>, vector<16xf32>,
        %mul3A_425 = arith.mulf %get3A_424, %gather3A : vector<16xf32>
        %get3A_426 = arith.index_cast %add3A_413 : i32 to index
        %get3A_427 = arith.constant 0 : index
        %get3A_428 = tpu.vector_load %arg43[%get3A_426, %get3A_427] {strides = array<i32>} : memref<128x32xf32, #tpu.memory_space<vmem>>, vector<16xf32>,
        %add3A_429 = arith.addf %mul3A_425, %get3A_428 : vector<16xf32>
        %mul3A_430 = arith.constant 3.14159274 : f32
        %mul3A_431 = vector.broadcast %mul3A_430 : f32 to vector<16xf32>
        %mul3A_432 = arith.mulf %add3A_429, %mul3A_431 : vector<16xf32>
        %eq3A = arith.constant 0.000000e+00 : f32
        %eq3A_433 = vector.broadcast %eq3A : f32 to vector<16xf32>
        %eq3A_434 = arith.cmpf oeq, %add3A_429, %eq3A_433 : vector<16xf32>
        %mul3A_435 = arith.constant 0.159154937 : f32
        %mul3A_436 = vector.broadcast %mul3A_435 : f32 to vector<16xf32>
        %mul3A_437 = arith.mulf %mul3A_432, %mul3A_436 : vector<16xf32>
        %sign3A = tpu.bitcast %mul3A_437 : vector<16xf32> -> vector<16xi32>
        %sign3A_438 = arith.constant -2147483648 : i32
        %sign3A_439 = vector.broadcast %sign3A_438 : i32 to vector<16xi32>
        %sign3A_440 = arith.andi %sign3A, %sign3A_439 : vector<16xi32>
        %sign3A_441 = arith.constant 1065353216 : i32
        %sign3A_442 = vector.broadcast %sign3A_441 : i32 to vector<16xi32>
        %sign3A_443 = arith.ori %sign3A_442, %sign3A_440 : vector<16xi32>
        %sign3A_444 = tpu.bitcast %sign3A_443 : vector<16xi32> -> vector<16xf32>
        %sign3A_445 = math.absf %mul3A_437 : vector<16xf32>
        %sign3A_446 = arith.constant 0.000000e+00 : f32
        %sign3A_447 = vector.broadcast %sign3A_446 : f32 to vector<16xf32>
        %sign3A_448 = arith.cmpf ogt, %sign3A_445, %sign3A_447 : vector<16xf32>
        %sign3A_449 = arith.select %sign3A_448, %sign3A_444, %mul3A_437 : vector<16xi1>, vector<16xf32>
        %mul3A_450 = arith.constant 5.000000e-01 : f32
        %mul3A_451 = vector.broadcast %mul3A_450 : f32 to vector<16xf32>
        %mul3A_452 = arith.mulf %mul3A_451, %sign3A_449 : vector<16xf32>
        %add3A_453 = arith.addf %mul3A_437, %mul3A_452 : vector<16xf32>
        %convert_element_type3A_454 = arith.fptosi %add3A_453 : vector<16xf32> to vector<16xi32>
        %convert_element_type3A_455 = arith.sitofp %convert_element_type3A_454 : vector<16xi32> to vector<16xf32>
        %mul3A_456 = arith.constant 6.28318548 : f32
        %mul3A_457 = vector.broadcast %mul3A_456 : f32 to vector<16xf32>
        %mul3A_458 = arith.mulf %convert_element_type3A_455, %mul3A_457 : vector<16xf32>
        %sub3A = arith.subf %mul3A_432, %mul3A_458 : vector<16xf32>
        %mul3A_459 = arith.mulf %sub3A, %sub3A : vector<16xf32>
        %mul3A_460 = arith.constant 1.36012215E-10 : f32
        %mul3A_461 = vector.broadcast %mul3A_460 : f32 to vector<16xf32>
        %mul3A_462 = arith.mulf %mul3A_461, %mul3A_459 : vector<16xf32>
        %add3A_463 = arith.constant -2.47239633E-8 : f32
        %add3A_464 = vector.broadcast %add3A_463 : f32 to vector<16xf32>
        %add3A_465 = arith.addf %mul3A_462, %add3A_464 : vector<16xf32>
        %mul3A_466 = arith.mulf %add3A_465, %mul3A_459 : vector<16xf32>
        %add3A_467 = arith.constant 2.7535159E-6 : f32
        %add3A_468 = vector.broadcast %add3A_467 : f32 to vector<16xf32>
        %add3A_469 = arith.addf %mul3A_466, %add3A_468 : vector<16xf32>
        %mul3A_470 = arith.mulf %add3A_469, %mul3A_459 : vector<16xf32>
        %add3A_471 = arith.constant -1.98404916E-4 : f32
        %add3A_472 = vector.broadcast %add3A_471 : f32 to vector<16xf32>
        %add3A_473 = arith.addf %mul3A_470, %add3A_472 : vector<16xf32>
        %mul3A_474 = arith.mulf %add3A_473, %mul3A_459 : vector<16xf32>
        %add3A_475 = arith.constant 0.00833331979 : f32
        %add3A_476 = vector.broadcast %add3A_475 : f32 to vector<16xf32>
        %add3A_477 = arith.addf %mul3A_474, %add3A_476 : vector<16xf32>
        %mul3A_478 = arith.mulf %add3A_477, %mul3A_459 : vector<16xf32>
        %add3A_479 = arith.constant -0.166666657 : f32
        %add3A_480 = vector.broadcast %add3A_479 : f32 to vector<16xf32>
        %add3A_481 = arith.addf %mul3A_478, %add3A_480 : vector<16xf32>
        %mul3A_482 = arith.mulf %mul3A_459, %add3A_481 : vector<16xf32>
        %mul3A_483 = arith.mulf %sub3A, %mul3A_482 : vector<16xf32>
        %add3A_484 = arith.addf %sub3A, %mul3A_483 : vector<16xf32>
        %div3A = arith.divf %add3A_484, %mul3A_432 : vector<16xf32>
        %jit3A = arith.constant 1.000000e+00 : f32
        %broadcast_in_dim3A_485 = vector.broadcast %jit3A : f32 to vector<16xf32>
        %select_n3A = arith.select %eq3A_434, %broadcast_in_dim3A_485, %div3A : vector<16xi1>, vector<16xf32>
        %mul3A_486 = arith.mulf %get3A_421, %select_n3A : vector<16xf32>
        %get3A_487 = arith.index_cast %add3A_413 : i32 to index
        %get3A_488 = arith.constant 0 : index
        %get3A_489 = tpu.vector_load %arg47[%get3A_487, %get3A_488] {strides = array<i32>} : memref<128x32xf32, #tpu.memory_space<vmem>>, vector<16xf32>,
        %get3A_490 = arith.index_cast %add3A_413 : i32 to index
        %get3A_491 = arith.constant 0 : index
        %get3A_492 = tpu.vector_load %arg45[%get3A_490, %get3A_491] {strides = array<i32>} : memref<128x32xf32, #tpu.memory_space<vmem>>, vector<16xf32>,
        %mul3A_493 = arith.mulf %get3A_492, %gather3A_414 : vector<16xf32>
        %get3A_494 = arith.index_cast %add3A_413 : i32 to index
        %get3A_495 = arith.constant 0 : index
        %get3A_496 = tpu.vector_load %arg46[%get3A_494, %get3A_495] {strides = array<i32>} : memref<128x32xf32, #tpu.memory_space<vmem>>, vector<16xf32>,
        %add3A_497 = arith.addf %mul3A_493, %get3A_496 : vector<16xf32>
        %mul3A_498 = arith.constant 3.14159274 : f32
        %mul3A_499 = vector.broadcast %mul3A_498 : f32 to vector<16xf32>
        %mul3A_500 = arith.mulf %add3A_497, %mul3A_499 : vector<16xf32>
        %eq3A_501 = arith.constant 0.000000e+00 : f32
        %eq3A_502 = vector.broadcast %eq3A_501 : f32 to vector<16xf32>
        %eq3A_503 = arith.cmpf oeq, %add3A_497, %eq3A_502 : vector<16xf32>
        %mul3A_504 = arith.constant 0.159154937 : f32
        %mul3A_505 = vector.broadcast %mul3A_504 : f32 to vector<16xf32>
        %mul3A_506 = arith.mulf %mul3A_500, %mul3A_505 : vector<16xf32>
        %sign3A_507 = tpu.bitcast %mul3A_506 : vector<16xf32> -> vector<16xi32>
        %sign3A_508 = arith.constant -2147483648 : i32
        %sign3A_509 = vector.broadcast %sign3A_508 : i32 to vector<16xi32>
        %sign3A_510 = arith.andi %sign3A_507, %sign3A_509 : vector<16xi32>
        %sign3A_511 = arith.constant 1065353216 : i32
        %sign3A_512 = vector.broadcast %sign3A_511 : i32 to vector<16xi32>
        %sign3A_513 = arith.ori %sign3A_512, %sign3A_510 : vector<16xi32>
        %sign3A_514 = tpu.bitcast %sign3A_513 : vector<16xi32> -> vector<16xf32>
        %sign3A_515 = math.absf %mul3A_506 : vector<16xf32>
        %sign3A_516 = arith.constant 0.000000e+00 : f32
        %sign3A_517 = vector.broadcast %sign3A_516 : f32 to vector<16xf32>
        %sign3A_518 = arith.cmpf ogt, %sign3A_515, %sign3A_517 : vector<16xf32>
        %sign3A_519 = arith.select %sign3A_518, %sign3A_514, %mul3A_506 : vector<16xi1>, vector<16xf32>
        %mul3A_520 = arith.constant 5.000000e-01 : f32
        %mul3A_521 = vector.broadcast %mul3A_520 : f32 to vector<16xf32>
        %mul3A_522 = arith.mulf %mul3A_521, %sign3A_519 : vector<16xf32>
        %add3A_523 = arith.addf %mul3A_506, %mul3A_522 : vector<16xf32>
        %convert_element_type3A_524 = arith.fptosi %add3A_523 : vector<16xf32> to vector<16xi32>
        %convert_element_type3A_525 = arith.sitofp %convert_element_type3A_524 : vector<16xi32> to vector<16xf32>
        %mul3A_526 = arith.constant 6.28318548 : f32
        %mul3A_527 = vector.broadcast %mul3A_526 : f32 to vector<16xf32>
        %mul3A_528 = arith.mulf %convert_element_type3A_525, %mul3A_527 : vector<16xf32>
        %sub3A_529 = arith.subf %mul3A_500, %mul3A_528 : vector<16xf32>
        %mul3A_530 = arith.mulf %sub3A_529, %sub3A_529 : vector<16xf32>
        %mul3A_531 = arith.constant 1.36012215E-10 : f32
        %mul3A_532 = vector.broadcast %mul3A_531 : f32 to vector<16xf32>
        %mul3A_533 = arith.mulf %mul3A_532, %mul3A_530 : vector<16xf32>
        %add3A_534 = arith.constant -2.47239633E-8 : f32
        %add3A_535 = vector.broadcast %add3A_534 : f32 to vector<16xf32>
        %add3A_536 = arith.addf %mul3A_533, %add3A_535 : vector<16xf32>
        %mul3A_537 = arith.mulf %add3A_536, %mul3A_530 : vector<16xf32>
        %add3A_538 = arith.constant 2.7535159E-6 : f32
        %add3A_539 = vector.broadcast %add3A_538 : f32 to vector<16xf32>
        %add3A_540 = arith.addf %mul3A_537, %add3A_539 : vector<16xf32>
        %mul3A_541 = arith.mulf %add3A_540, %mul3A_530 : vector<16xf32>
        %add3A_542 = arith.constant -1.98404916E-4 : f32
        %add3A_543 = vector.broadcast %add3A_542 : f32 to vector<16xf32>
        %add3A_544 = arith.addf %mul3A_541, %add3A_543 : vector<16xf32>
        %mul3A_545 = arith.mulf %add3A_544, %mul3A_530 : vector<16xf32>
        %add3A_546 = arith.constant 0.00833331979 : f32
        %add3A_547 = vector.broadcast %add3A_546 : f32 to vector<16xf32>
        %add3A_548 = arith.addf %mul3A_545, %add3A_547 : vector<16xf32>
        %mul3A_549 = arith.mulf %add3A_548, %mul3A_530 : vector<16xf32>
        %add3A_550 = arith.constant -0.166666657 : f32
        %add3A_551 = vector.broadcast %add3A_550 : f32 to vector<16xf32>
        %add3A_552 = arith.addf %mul3A_549, %add3A_551 : vector<16xf32>
        %mul3A_553 = arith.mulf %mul3A_530, %add3A_552 : vector<16xf32>
        %mul3A_554 = arith.mulf %sub3A_529, %mul3A_553 : vector<16xf32>
        %add3A_555 = arith.addf %sub3A_529, %mul3A_554 : vector<16xf32>
        %div3A_556 = arith.divf %add3A_555, %mul3A_500 : vector<16xf32>
        %jit3A_557 = arith.constant 1.000000e+00 : f32
        %broadcast_in_dim3A_558 = vector.broadcast %jit3A_557 : f32 to vector<16xf32>
        %select_n3A_559 = arith.select %eq3A_503, %broadcast_in_dim3A_558, %div3A_556 : vector<16xi1>, vector<16xf32>
        %mul3A_560 = arith.mulf %get3A_489, %select_n3A_559 : vector<16xf32>
        %add3A_561 = arith.addf %mul3A_486, %mul3A_560 : vector<16xf32>
        %get3A_562 = arith.index_cast %add3A_413 : i32 to index
        %get3A_563 = arith.constant 0 : index
        %get3A_564 = tpu.vector_load %arg50[%get3A_562, %get3A_563] {strides = array<i32>} : memref<128x32xf32, #tpu.memory_space<vmem>>, vector<16xf32>,
        %get3A_565 = arith.index_cast %add3A_413 : i32 to index
        %get3A_566 = arith.constant 0 : index
        %get3A_567 = tpu.vector_load %arg48[%get3A_565, %get3A_566] {strides = array<i32>} : memref<128x32xf32, #tpu.memory_space<vmem>>, vector<16xf32>,
        %mul3A_568 = arith.mulf %get3A_567, %gather3A_415 : vector<16xf32>
        %get3A_569 = arith.index_cast %add3A_413 : i32 to index
        %get3A_570 = arith.constant 0 : index
        %get3A_571 = tpu.vector_load %arg49[%get3A_569, %get3A_570] {strides = array<i32>} : memref<128x32xf32, #tpu.memory_space<vmem>>, vector<16xf32>,
        %add3A_572 = arith.addf %mul3A_568, %get3A_571 : vector<16xf32>
        %mul3A_573 = arith.constant 3.14159274 : f32
        %mul3A_574 = vector.broadcast %mul3A_573 : f32 to vector<16xf32>
        %mul3A_575 = arith.mulf %add3A_572, %mul3A_574 : vector<16xf32>
        %eq3A_576 = arith.constant 0.000000e+00 : f32
        %eq3A_577 = vector.broadcast %eq3A_576 : f32 to vector<16xf32>
        %eq3A_578 = arith.cmpf oeq, %add3A_572, %eq3A_577 : vector<16xf32>
        %mul3A_579 = arith.constant 0.159154937 : f32
        %mul3A_580 = vector.broadcast %mul3A_579 : f32 to vector<16xf32>
        %mul3A_581 = arith.mulf %mul3A_575, %mul3A_580 : vector<16xf32>
        %sign3A_582 = tpu.bitcast %mul3A_581 : vector<16xf32> -> vector<16xi32>
        %sign3A_583 = arith.constant -2147483648 : i32
        %sign3A_584 = vector.broadcast %sign3A_583 : i32 to vector<16xi32>
        %sign3A_585 = arith.andi %sign3A_582, %sign3A_584 : vector<16xi32>
        %sign3A_586 = arith.constant 1065353216 : i32
        %sign3A_587 = vector.broadcast %sign3A_586 : i32 to vector<16xi32>
        %sign3A_588 = arith.ori %sign3A_587, %sign3A_585 : vector<16xi32>
        %sign3A_589 = tpu.bitcast %sign3A_588 : vector<16xi32> -> vector<16xf32>
        %sign3A_590 = math.absf %mul3A_581 : vector<16xf32>
        %sign3A_591 = arith.constant 0.000000e+00 : f32
        %sign3A_592 = vector.broadcast %sign3A_591 : f32 to vector<16xf32>
        %sign3A_593 = arith.cmpf ogt, %sign3A_590, %sign3A_592 : vector<16xf32>
        %sign3A_594 = arith.select %sign3A_593, %sign3A_589, %mul3A_581 : vector<16xi1>, vector<16xf32>
        %mul3A_595 = arith.constant 5.000000e-01 : f32
        %mul3A_596 = vector.broadcast %mul3A_595 : f32 to vector<16xf32>
        %mul3A_597 = arith.mulf %mul3A_596, %sign3A_594 : vector<16xf32>
        %add3A_598 = arith.addf %mul3A_581, %mul3A_597 : vector<16xf32>
        %convert_element_type3A_599 = arith.fptosi %add3A_598 : vector<16xf32> to vector<16xi32>
        %convert_element_type3A_600 = arith.sitofp %convert_element_type3A_599 : vector<16xi32> to vector<16xf32>
        %mul3A_601 = arith.constant 6.28318548 : f32
        %mul3A_602 = vector.broadcast %mul3A_601 : f32 to vector<16xf32>
        %mul3A_603 = arith.mulf %convert_element_type3A_600, %mul3A_602 : vector<16xf32>
        %sub3A_604 = arith.subf %mul3A_575, %mul3A_603 : vector<16xf32>
        %mul3A_605 = arith.mulf %sub3A_604, %sub3A_604 : vector<16xf32>
        %mul3A_606 = arith.constant 1.36012215E-10 : f32
        %mul3A_607 = vector.broadcast %mul3A_606 : f32 to vector<16xf32>
        %mul3A_608 = arith.mulf %mul3A_607, %mul3A_605 : vector<16xf32>
        %add3A_609 = arith.constant -2.47239633E-8 : f32
        %add3A_610 = vector.broadcast %add3A_609 : f32 to vector<16xf32>
        %add3A_611 = arith.addf %mul3A_608, %add3A_610 : vector<16xf32>
        %mul3A_612 = arith.mulf %add3A_611, %mul3A_605 : vector<16xf32>
        %add3A_613 = arith.constant 2.7535159E-6 : f32
        %add3A_614 = vector.broadcast %add3A_613 : f32 to vector<16xf32>
        %add3A_615 = arith.addf %mul3A_612, %add3A_614 : vector<16xf32>
        %mul3A_616 = arith.mulf %add3A_615, %mul3A_605 : vector<16xf32>
        %add3A_617 = arith.constant -1.98404916E-4 : f32
        %add3A_618 = vector.broadcast %add3A_617 : f32 to vector<16xf32>
        %add3A_619 = arith.addf %mul3A_616, %add3A_618 : vector<16xf32>
        %mul3A_620 = arith.mulf %add3A_619, %mul3A_605 : vector<16xf32>
        %add3A_621 = arith.constant 0.00833331979 : f32
        %add3A_622 = vector.broadcast %add3A_621 : f32 to vector<16xf32>
        %add3A_623 = arith.addf %mul3A_620, %add3A_622 : vector<16xf32>
        %mul3A_624 = arith.mulf %add3A_623, %mul3A_605 : vector<16xf32>
        %add3A_625 = arith.constant -0.166666657 : f32
        %add3A_626 = vector.broadcast %add3A_625 : f32 to vector<16xf32>
        %add3A_627 = arith.addf %mul3A_624, %add3A_626 : vector<16xf32>
        %mul3A_628 = arith.mulf %mul3A_605, %add3A_627 : vector<16xf32>
        %mul3A_629 = arith.mulf %sub3A_604, %mul3A_628 : vector<16xf32>
        %add3A_630 = arith.addf %sub3A_604, %mul3A_629 : vector<16xf32>
        %div3A_631 = arith.divf %add3A_630, %mul3A_575 : vector<16xf32>
        %jit3A_632 = arith.constant 1.000000e+00 : f32
        %broadcast_in_dim3A_633 = vector.broadcast %jit3A_632 : f32 to vector<16xf32>
        %select_n3A_634 = arith.select %eq3A_578, %broadcast_in_dim3A_633, %div3A_631 : vector<16xi1>, vector<16xf32>
        %mul3A_635 = arith.mulf %get3A_564, %select_n3A_634 : vector<16xf32>
        %add3A_636 = arith.addf %add3A_561, %mul3A_635 : vector<16xf32>
        %get3A_637 = arith.index_cast %add3A_413 : i32 to index
        %get3A_638 = arith.constant 0 : index
        %get3A_639 = tpu.vector_load %arg53[%get3A_637, %get3A_638] {strides = array<i32>} : memref<128x32xf32, #tpu.memory_space<vmem>>, vector<16xf32>,
        %get3A_640 = arith.index_cast %add3A_413 : i32 to index
        %get3A_641 = arith.constant 0 : index
        %get3A_642 = tpu.vector_load %arg51[%get3A_640, %get3A_641] {strides = array<i32>} : memref<128x32xf32, #tpu.memory_space<vmem>>, vector<16xf32>,
        %mul3A_643 = arith.mulf %get3A_642, %gather3A : vector<16xf32>
        %get3A_644 = arith.index_cast %add3A_413 : i32 to index
        %get3A_645 = arith.constant 0 : index
        %get3A_646 = tpu.vector_load %arg52[%get3A_644, %get3A_645] {strides = array<i32>} : memref<128x32xf32, #tpu.memory_space<vmem>>, vector<16xf32>,
        %add3A_647 = arith.addf %mul3A_643, %get3A_646 : vector<16xf32>
        %mul3A_648 = arith.constant 3.14159274 : f32
        %mul3A_649 = vector.broadcast %mul3A_648 : f32 to vector<16xf32>
        %mul3A_650 = arith.mulf %add3A_647, %mul3A_649 : vector<16xf32>
        %eq3A_651 = arith.constant 0.000000e+00 : f32
        %eq3A_652 = vector.broadcast %eq3A_651 : f32 to vector<16xf32>
        %eq3A_653 = arith.cmpf oeq, %add3A_647, %eq3A_652 : vector<16xf32>
        %mul3A_654 = arith.constant 0.159154937 : f32
        %mul3A_655 = vector.broadcast %mul3A_654 : f32 to vector<16xf32>
        %mul3A_656 = arith.mulf %mul3A_650, %mul3A_655 : vector<16xf32>
        %sign3A_657 = tpu.bitcast %mul3A_656 : vector<16xf32> -> vector<16xi32>
        %sign3A_658 = arith.constant -2147483648 : i32
        %sign3A_659 = vector.broadcast %sign3A_658 : i32 to vector<16xi32>
        %sign3A_660 = arith.andi %sign3A_657, %sign3A_659 : vector<16xi32>
        %sign3A_661 = arith.constant 1065353216 : i32
        %sign3A_662 = vector.broadcast %sign3A_661 : i32 to vector<16xi32>
        %sign3A_663 = arith.ori %sign3A_662, %sign3A_660 : vector<16xi32>
        %sign3A_664 = tpu.bitcast %sign3A_663 : vector<16xi32> -> vector<16xf32>
        %sign3A_665 = math.absf %mul3A_656 : vector<16xf32>
        %sign3A_666 = arith.constant 0.000000e+00 : f32
        %sign3A_667 = vector.broadcast %sign3A_666 : f32 to vector<16xf32>
        %sign3A_668 = arith.cmpf ogt, %sign3A_665, %sign3A_667 : vector<16xf32>
        %sign3A_669 = arith.select %sign3A_668, %sign3A_664, %mul3A_656 : vector<16xi1>, vector<16xf32>
        %mul3A_670 = arith.constant 5.000000e-01 : f32
        %mul3A_671 = vector.broadcast %mul3A_670 : f32 to vector<16xf32>
        %mul3A_672 = arith.mulf %mul3A_671, %sign3A_669 : vector<16xf32>
        %add3A_673 = arith.addf %mul3A_656, %mul3A_672 : vector<16xf32>
        %convert_element_type3A_674 = arith.fptosi %add3A_673 : vector<16xf32> to vector<16xi32>
        %convert_element_type3A_675 = arith.sitofp %convert_element_type3A_674 : vector<16xi32> to vector<16xf32>
        %mul3A_676 = arith.constant 6.28318548 : f32
        %mul3A_677 = vector.broadcast %mul3A_676 : f32 to vector<16xf32>
        %mul3A_678 = arith.mulf %convert_element_type3A_675, %mul3A_677 : vector<16xf32>
        %sub3A_679 = arith.subf %mul3A_650, %mul3A_678 : vector<16xf32>
        %mul3A_680 = arith.mulf %sub3A_679, %sub3A_679 : vector<16xf32>
        %mul3A_681 = arith.constant 1.36012215E-10 : f32
        %mul3A_682 = vector.broadcast %mul3A_681 : f32 to vector<16xf32>
        %mul3A_683 = arith.mulf %mul3A_682, %mul3A_680 : vector<16xf32>
        %add3A_684 = arith.constant -2.47239633E-8 : f32
        %add3A_685 = vector.broadcast %add3A_684 : f32 to vector<16xf32>
        %add3A_686 = arith.addf %mul3A_683, %add3A_685 : vector<16xf32>
        %mul3A_687 = arith.mulf %add3A_686, %mul3A_680 : vector<16xf32>
        %add3A_688 = arith.constant 2.7535159E-6 : f32
        %add3A_689 = vector.broadcast %add3A_688 : f32 to vector<16xf32>
        %add3A_690 = arith.addf %mul3A_687, %add3A_689 : vector<16xf32>
        %mul3A_691 = arith.mulf %add3A_690, %mul3A_680 : vector<16xf32>
        %add3A_692 = arith.constant -1.98404916E-4 : f32
        %add3A_693 = vector.broadcast %add3A_692 : f32 to vector<16xf32>
        %add3A_694 = arith.addf %mul3A_691, %add3A_693 : vector<16xf32>
        %mul3A_695 = arith.mulf %add3A_694, %mul3A_680 : vector<16xf32>
        %add3A_696 = arith.constant 0.00833331979 : f32
        %add3A_697 = vector.broadcast %add3A_696 : f32 to vector<16xf32>
        %add3A_698 = arith.addf %mul3A_695, %add3A_697 : vector<16xf32>
        %mul3A_699 = arith.mulf %add3A_698, %mul3A_680 : vector<16xf32>
        %add3A_700 = arith.constant -0.166666657 : f32
        %add3A_701 = vector.broadcast %add3A_700 : f32 to vector<16xf32>
        %add3A_702 = arith.addf %mul3A_699, %add3A_701 : vector<16xf32>
        %mul3A_703 = arith.mulf %mul3A_680, %add3A_702 : vector<16xf32>
        %mul3A_704 = arith.mulf %sub3A_679, %mul3A_703 : vector<16xf32>
        %add3A_705 = arith.addf %sub3A_679, %mul3A_704 : vector<16xf32>
        %div3A_706 = arith.divf %add3A_705, %mul3A_650 : vector<16xf32>
        %jit3A_707 = arith.constant 1.000000e+00 : f32
        %broadcast_in_dim3A_708 = vector.broadcast %jit3A_707 : f32 to vector<16xf32>
        %select_n3A_709 = arith.select %eq3A_653, %broadcast_in_dim3A_708, %div3A_706 : vector<16xi1>, vector<16xf32>
        %mul3A_710 = arith.mulf %get3A_639, %select_n3A_709 : vector<16xf32>
        %get3A_711 = arith.index_cast %add3A_413 : i32 to index
        %get3A_712 = arith.constant 0 : index
        %get3A_713 = tpu.vector_load %arg56[%get3A_711, %get3A_712] {strides = array<i32>} : memref<128x32xf32, #tpu.memory_space<vmem>>, vector<16xf32>,
        %get3A_714 = arith.index_cast %add3A_413 : i32 to index
        %get3A_715 = arith.constant 0 : index
        %get3A_716 = tpu.vector_load %arg54[%get3A_714, %get3A_715] {strides = array<i32>} : memref<128x32xf32, #tpu.memory_space<vmem>>, vector<16xf32>,
        %mul3A_717 = arith.mulf %get3A_716, %gather3A_414 : vector<16xf32>
        %get3A_718 = arith.index_cast %add3A_413 : i32 to index
        %get3A_719 = arith.constant 0 : index
        %get3A_720 = tpu.vector_load %arg55[%get3A_718, %get3A_719] {strides = array<i32>} : memref<128x32xf32, #tpu.memory_space<vmem>>, vector<16xf32>,
        %add3A_721 = arith.addf %mul3A_717, %get3A_720 : vector<16xf32>
        %mul3A_722 = arith.constant 3.14159274 : f32
        %mul3A_723 = vector.broadcast %mul3A_722 : f32 to vector<16xf32>
        %mul3A_724 = arith.mulf %add3A_721, %mul3A_723 : vector<16xf32>
        %eq3A_725 = arith.constant 0.000000e+00 : f32
        %eq3A_726 = vector.broadcast %eq3A_725 : f32 to vector<16xf32>
        %eq3A_727 = arith.cmpf oeq, %add3A_721, %eq3A_726 : vector<16xf32>
        %mul3A_728 = arith.constant 0.159154937 : f32
        %mul3A_729 = vector.broadcast %mul3A_728 : f32 to vector<16xf32>
        %mul3A_730 = arith.mulf %mul3A_724, %mul3A_729 : vector<16xf32>
        %sign3A_731 = tpu.bitcast %mul3A_730 : vector<16xf32> -> vector<16xi32>
        %sign3A_732 = arith.constant -2147483648 : i32
        %sign3A_733 = vector.broadcast %sign3A_732 : i32 to vector<16xi32>
        %sign3A_734 = arith.andi %sign3A_731, %sign3A_733 : vector<16xi32>
        %sign3A_735 = arith.constant 1065353216 : i32
        %sign3A_736 = vector.broadcast %sign3A_735 : i32 to vector<16xi32>
        %sign3A_737 = arith.ori %sign3A_736, %sign3A_734 : vector<16xi32>
        %sign3A_738 = tpu.bitcast %sign3A_737 : vector<16xi32> -> vector<16xf32>
        %sign3A_739 = math.absf %mul3A_730 : vector<16xf32>
        %sign3A_740 = arith.constant 0.000000e+00 : f32
        %sign3A_741 = vector.broadcast %sign3A_740 : f32 to vector<16xf32>
        %sign3A_742 = arith.cmpf ogt, %sign3A_739, %sign3A_741 : vector<16xf32>
        %sign3A_743 = arith.select %sign3A_742, %sign3A_738, %mul3A_730 : vector<16xi1>, vector<16xf32>
        %mul3A_744 = arith.constant 5.000000e-01 : f32
        %mul3A_745 = vector.broadcast %mul3A_744 : f32 to vector<16xf32>
        %mul3A_746 = arith.mulf %mul3A_745, %sign3A_743 : vector<16xf32>
        %add3A_747 = arith.addf %mul3A_730, %mul3A_746 : vector<16xf32>
        %convert_element_type3A_748 = arith.fptosi %add3A_747 : vector<16xf32> to vector<16xi32>
        %convert_element_type3A_749 = arith.sitofp %convert_element_type3A_748 : vector<16xi32> to vector<16xf32>
        %mul3A_750 = arith.constant 6.28318548 : f32
        %mul3A_751 = vector.broadcast %mul3A_750 : f32 to vector<16xf32>
        %mul3A_752 = arith.mulf %convert_element_type3A_749, %mul3A_751 : vector<16xf32>
        %sub3A_753 = arith.subf %mul3A_724, %mul3A_752 : vector<16xf32>
        %mul3A_754 = arith.mulf %sub3A_753, %sub3A_753 : vector<16xf32>
        %mul3A_755 = arith.constant 1.36012215E-10 : f32
        %mul3A_756 = vector.broadcast %mul3A_755 : f32 to vector<16xf32>
        %mul3A_757 = arith.mulf %mul3A_756, %mul3A_754 : vector<16xf32>
        %add3A_758 = arith.constant -2.47239633E-8 : f32
        %add3A_759 = vector.broadcast %add3A_758 : f32 to vector<16xf32>
        %add3A_760 = arith.addf %mul3A_757, %add3A_759 : vector<16xf32>
        %mul3A_761 = arith.mulf %add3A_760, %mul3A_754 : vector<16xf32>
        %add3A_762 = arith.constant 2.7535159E-6 : f32
        %add3A_763 = vector.broadcast %add3A_762 : f32 to vector<16xf32>
        %add3A_764 = arith.addf %mul3A_761, %add3A_763 : vector<16xf32>
        %mul3A_765 = arith.mulf %add3A_764, %mul3A_754 : vector<16xf32>
        %add3A_766 = arith.constant -1.98404916E-4 : f32
        %add3A_767 = vector.broadcast %add3A_766 : f32 to vector<16xf32>
        %add3A_768 = arith.addf %mul3A_765, %add3A_767 : vector<16xf32>
        %mul3A_769 = arith.mulf %add3A_768, %mul3A_754 : vector<16xf32>
        %add3A_770 = arith.constant 0.00833331979 : f32
        %add3A_771 = vector.broadcast %add3A_770 : f32 to vector<16xf32>
        %add3A_772 = arith.addf %mul3A_769, %add3A_771 : vector<16xf32>
        %mul3A_773 = arith.mulf %add3A_772, %mul3A_754 : vector<16xf32>
        %add3A_774 = arith.constant -0.166666657 : f32
        %add3A_775 = vector.broadcast %add3A_774 : f32 to vector<16xf32>
        %add3A_776 = arith.addf %mul3A_773, %add3A_775 : vector<16xf32>
        %mul3A_777 = arith.mulf %mul3A_754, %add3A_776 : vector<16xf32>
        %mul3A_778 = arith.mulf %sub3A_753, %mul3A_777 : vector<16xf32>
        %add3A_779 = arith.addf %sub3A_753, %mul3A_778 : vector<16xf32>
        %div3A_780 = arith.divf %add3A_779, %mul3A_724 : vector<16xf32>
        %jit3A_781 = arith.constant 1.000000e+00 : f32
        %broadcast_in_dim3A_782 = vector.broadcast %jit3A_781 : f32 to vector<16xf32>
        %select_n3A_783 = arith.select %eq3A_727, %broadcast_in_dim3A_782, %div3A_780 : vector<16xi1>, vector<16xf32>
        %mul3A_784 = arith.mulf %get3A_713, %select_n3A_783 : vector<16xf32>
        %add3A_785 = arith.addf %mul3A_710, %mul3A_784 : vector<16xf32>
        %get3A_786 = arith.index_cast %add3A_413 : i32 to index
        %get3A_787 = arith.constant 0 : index
        %get3A_788 = tpu.vector_load %arg59[%get3A_786, %get3A_787] {strides = array<i32>} : memref<128x32xf32, #tpu.memory_space<vmem>>, vector<16xf32>,
        %get3A_789 = arith.index_cast %add3A_413 : i32 to index
        %get3A_790 = arith.constant 0 : index
        %get3A_791 = tpu.vector_load %arg57[%get3A_789, %get3A_790] {strides = array<i32>} : memref<128x32xf32, #tpu.memory_space<vmem>>, vector<16xf32>,
        %mul3A_792 = arith.mulf %get3A_791, %gather3A_415 : vector<16xf32>
        %get3A_793 = arith.index_cast %add3A_413 : i32 to index
        %get3A_794 = arith.constant 0 : index
        %get3A_795 = tpu.vector_load %arg58[%get3A_793, %get3A_794] {strides = array<i32>} : memref<128x32xf32, #tpu.memory_space<vmem>>, vector<16xf32>,
        %add3A_796 = arith.addf %mul3A_792, %get3A_795 : vector<16xf32>
        %mul3A_797 = arith.constant 3.14159274 : f32
        %mul3A_798 = vector.broadcast %mul3A_797 : f32 to vector<16xf32>
        %mul3A_799 = arith.mulf %add3A_796, %mul3A_798 : vector<16xf32>
        %eq3A_800 = arith.constant 0.000000e+00 : f32
        %eq3A_801 = vector.broadcast %eq3A_800 : f32 to vector<16xf32>
        %eq3A_802 = arith.cmpf oeq, %add3A_796, %eq3A_801 : vector<16xf32>
        %mul3A_803 = arith.constant 0.159154937 : f32
        %mul3A_804 = vector.broadcast %mul3A_803 : f32 to vector<16xf32>
        %mul3A_805 = arith.mulf %mul3A_799, %mul3A_804 : vector<16xf32>
        %sign3A_806 = tpu.bitcast %mul3A_805 : vector<16xf32> -> vector<16xi32>
        %sign3A_807 = arith.constant -2147483648 : i32
        %sign3A_808 = vector.broadcast %sign3A_807 : i32 to vector<16xi32>
        %sign3A_809 = arith.andi %sign3A_806, %sign3A_808 : vector<16xi32>
        %sign3A_810 = arith.constant 1065353216 : i32
        %sign3A_811 = vector.broadcast %sign3A_810 : i32 to vector<16xi32>
        %sign3A_812 = arith.ori %sign3A_811, %sign3A_809 : vector<16xi32>
        %sign3A_813 = tpu.bitcast %sign3A_812 : vector<16xi32> -> vector<16xf32>
        %sign3A_814 = math.absf %mul3A_805 : vector<16xf32>
        %sign3A_815 = arith.constant 0.000000e+00 : f32
        %sign3A_816 = vector.broadcast %sign3A_815 : f32 to vector<16xf32>
        %sign3A_817 = arith.cmpf ogt, %sign3A_814, %sign3A_816 : vector<16xf32>
        %sign3A_818 = arith.select %sign3A_817, %sign3A_813, %mul3A_805 : vector<16xi1>, vector<16xf32>
        %mul3A_819 = arith.constant 5.000000e-01 : f32
        %mul3A_820 = vector.broadcast %mul3A_819 : f32 to vector<16xf32>
        %mul3A_821 = arith.mulf %mul3A_820, %sign3A_818 : vector<16xf32>
        %add3A_822 = arith.addf %mul3A_805, %mul3A_821 : vector<16xf32>
        %convert_element_type3A_823 = arith.fptosi %add3A_822 : vector<16xf32> to vector<16xi32>
        %convert_element_type3A_824 = arith.sitofp %convert_element_type3A_823 : vector<16xi32> to vector<16xf32>
        %mul3A_825 = arith.constant 6.28318548 : f32
        %mul3A_826 = vector.broadcast %mul3A_825 : f32 to vector<16xf32>
        %mul3A_827 = arith.mulf %convert_element_type3A_824, %mul3A_826 : vector<16xf32>
        %sub3A_828 = arith.subf %mul3A_799, %mul3A_827 : vector<16xf32>
        %mul3A_829 = arith.mulf %sub3A_828, %sub3A_828 : vector<16xf32>
        %mul3A_830 = arith.constant 1.36012215E-10 : f32
        %mul3A_831 = vector.broadcast %mul3A_830 : f32 to vector<16xf32>
        %mul3A_832 = arith.mulf %mul3A_831, %mul3A_829 : vector<16xf32>
        %add3A_833 = arith.constant -2.47239633E-8 : f32
        %add3A_834 = vector.broadcast %add3A_833 : f32 to vector<16xf32>
        %add3A_835 = arith.addf %mul3A_832, %add3A_834 : vector<16xf32>
        %mul3A_836 = arith.mulf %add3A_835, %mul3A_829 : vector<16xf32>
        %add3A_837 = arith.constant 2.7535159E-6 : f32
        %add3A_838 = vector.broadcast %add3A_837 : f32 to vector<16xf32>
        %add3A_839 = arith.addf %mul3A_836, %add3A_838 : vector<16xf32>
        %mul3A_840 = arith.mulf %add3A_839, %mul3A_829 : vector<16xf32>
        %add3A_841 = arith.constant -1.98404916E-4 : f32
        %add3A_842 = vector.broadcast %add3A_841 : f32 to vector<16xf32>
        %add3A_843 = arith.addf %mul3A_840, %add3A_842 : vector<16xf32>
        %mul3A_844 = arith.mulf %add3A_843, %mul3A_829 : vector<16xf32>
        %add3A_845 = arith.constant 0.00833331979 : f32
        %add3A_846 = vector.broadcast %add3A_845 : f32 to vector<16xf32>
        %add3A_847 = arith.addf %mul3A_844, %add3A_846 : vector<16xf32>
        %mul3A_848 = arith.mulf %add3A_847, %mul3A_829 : vector<16xf32>
        %add3A_849 = arith.constant -0.166666657 : f32
        %add3A_850 = vector.broadcast %add3A_849 : f32 to vector<16xf32>
        %add3A_851 = arith.addf %mul3A_848, %add3A_850 : vector<16xf32>
        %mul3A_852 = arith.mulf %mul3A_829, %add3A_851 : vector<16xf32>
        %mul3A_853 = arith.mulf %sub3A_828, %mul3A_852 : vector<16xf32>
        %add3A_854 = arith.addf %sub3A_828, %mul3A_853 : vector<16xf32>
        %div3A_855 = arith.divf %add3A_854, %mul3A_799 : vector<16xf32>
        %jit3A_856 = arith.constant 1.000000e+00 : f32
        %broadcast_in_dim3A_857 = vector.broadcast %jit3A_856 : f32 to vector<16xf32>
        %select_n3A_858 = arith.select %eq3A_802, %broadcast_in_dim3A_857, %div3A_855 : vector<16xi1>, vector<16xf32>
        %mul3A_859 = arith.mulf %get3A_788, %select_n3A_858 : vector<16xf32>
        %add3A_860 = arith.addf %add3A_785, %mul3A_859 : vector<16xf32>
        %get3A_861 = arith.index_cast %add3A_413 : i32 to index
        %get3A_862 = arith.constant 0 : index
        %get3A_863 = tpu.vector_load %arg38[%get3A_861, %get3A_862] {strides = array<i32>} : memref<128x32xf32, #tpu.memory_space<vmem>>, vector<16xf32>,
        %get3A_864 = arith.index_cast %add3A_413 : i32 to index
        %get3A_865 = arith.constant 0 : index
        %get3A_866 = tpu.vector_load %arg60[%get3A_864, %get3A_865] {strides = array<i32>} : memref<128x64xf32, #tpu.memory_space<vmem>>, vector<16xf32>,
        %add3A_867 = arith.addf %get3A_863, %get3A_866 : vector<16xf32>
        %get3A_868 = arith.index_cast %add3A_413 : i32 to index
        %get3A_869 = arith.constant 0 : index
        %get3A_870 = tpu.vector_load %arg41[%get3A_868, %get3A_869] {strides = array<i32>} : memref<128x32xf32, #tpu.memory_space<vmem>>, vector<16xf32>,
        %sub3A_871 = arith.subf %add3A_867, %get3A_870 : vector<16xf32>
        %mul3A_872 = arith.constant 8.37758064 : f32
        %mul3A_873 = vector.broadcast %mul3A_872 : f32 to vector<16xf32>
        %mul3A_874 = arith.mulf %sub3A_871, %mul3A_873 : vector<16xf32>
        %get3A_875 = arith.index_cast %add3A_413 : i32 to index
        %get3A_876 = arith.constant 32 : index
        %get3A_877 = tpu.vector_load %arg60[%get3A_875, %get3A_876] {strides = array<i32>} : memref<128x64xf32, #tpu.memory_space<vmem>>, vector<16xf32>,
        %add3A_878 = arith.addf %add3A_636, %get3A_877 : vector<16xf32>
        %sub3A_879 = arith.subf %add3A_878, %add3A_860 : vector<16xf32>
        %mul3A_880 = arith.constant 8.37758064 : f32
        %mul3A_881 = vector.broadcast %mul3A_880 : f32 to vector<16xf32>
        %mul3A_882 = arith.mulf %sub3A_879, %mul3A_881 : vector<16xf32>
        %mul3A_883 = arith.constant 0.159154937 : f32
        %mul3A_884 = vector.broadcast %mul3A_883 : f32 to vector<16xf32>
        %mul3A_885 = arith.mulf %mul3A_874, %mul3A_884 : vector<16xf32>
        %sign3A_886 = tpu.bitcast %mul3A_885 : vector<16xf32> -> vector<16xi32>
        %sign3A_887 = arith.constant -2147483648 : i32
        %sign3A_888 = vector.broadcast %sign3A_887 : i32 to vector<16xi32>
        %sign3A_889 = arith.andi %sign3A_886, %sign3A_888 : vector<16xi32>
        %sign3A_890 = arith.constant 1065353216 : i32
        %sign3A_891 = vector.broadcast %sign3A_890 : i32 to vector<16xi32>
        %sign3A_892 = arith.ori %sign3A_891, %sign3A_889 : vector<16xi32>
        %sign3A_893 = tpu.bitcast %sign3A_892 : vector<16xi32> -> vector<16xf32>
        %sign3A_894 = math.absf %mul3A_885 : vector<16xf32>
        %sign3A_895 = arith.constant 0.000000e+00 : f32
        %sign3A_896 = vector.broadcast %sign3A_895 : f32 to vector<16xf32>
        %sign3A_897 = arith.cmpf ogt, %sign3A_894, %sign3A_896 : vector<16xf32>
        %sign3A_898 = arith.select %sign3A_897, %sign3A_893, %mul3A_885 : vector<16xi1>, vector<16xf32>
        %mul3A_899 = arith.constant 5.000000e-01 : f32
        %mul3A_900 = vector.broadcast %mul3A_899 : f32 to vector<16xf32>
        %mul3A_901 = arith.mulf %mul3A_900, %sign3A_898 : vector<16xf32>
        %add3A_902 = arith.addf %mul3A_885, %mul3A_901 : vector<16xf32>
        %convert_element_type3A_903 = arith.fptosi %add3A_902 : vector<16xf32> to vector<16xi32>
        %convert_element_type3A_904 = arith.sitofp %convert_element_type3A_903 : vector<16xi32> to vector<16xf32>
        %mul3A_905 = arith.constant 6.28318548 : f32
        %mul3A_906 = vector.broadcast %mul3A_905 : f32 to vector<16xf32>
        %mul3A_907 = arith.mulf %convert_element_type3A_904, %mul3A_906 : vector<16xf32>
        %sub3A_908 = arith.subf %mul3A_874, %mul3A_907 : vector<16xf32>
        %mul3A_909 = arith.mulf %sub3A_908, %sub3A_908 : vector<16xf32>
        %mul3A_910 = arith.constant 1.36012215E-10 : f32
        %mul3A_911 = vector.broadcast %mul3A_910 : f32 to vector<16xf32>
        %mul3A_912 = arith.mulf %mul3A_911, %mul3A_909 : vector<16xf32>
        %add3A_913 = arith.constant -2.47239633E-8 : f32
        %add3A_914 = vector.broadcast %add3A_913 : f32 to vector<16xf32>
        %add3A_915 = arith.addf %mul3A_912, %add3A_914 : vector<16xf32>
        %mul3A_916 = arith.mulf %add3A_915, %mul3A_909 : vector<16xf32>
        %add3A_917 = arith.constant 2.7535159E-6 : f32
        %add3A_918 = vector.broadcast %add3A_917 : f32 to vector<16xf32>
        %add3A_919 = arith.addf %mul3A_916, %add3A_918 : vector<16xf32>
        %mul3A_920 = arith.mulf %add3A_919, %mul3A_909 : vector<16xf32>
        %add3A_921 = arith.constant -1.98404916E-4 : f32
        %add3A_922 = vector.broadcast %add3A_921 : f32 to vector<16xf32>
        %add3A_923 = arith.addf %mul3A_920, %add3A_922 : vector<16xf32>
        %mul3A_924 = arith.mulf %add3A_923, %mul3A_909 : vector<16xf32>
        %add3A_925 = arith.constant 0.00833331979 : f32
        %add3A_926 = vector.broadcast %add3A_925 : f32 to vector<16xf32>
        %add3A_927 = arith.addf %mul3A_924, %add3A_926 : vector<16xf32>
        %mul3A_928 = arith.mulf %add3A_927, %mul3A_909 : vector<16xf32>
        %add3A_929 = arith.constant -0.166666657 : f32
        %add3A_930 = vector.broadcast %add3A_929 : f32 to vector<16xf32>
        %add3A_931 = arith.addf %mul3A_928, %add3A_930 : vector<16xf32>
        %mul3A_932 = arith.mulf %mul3A_909, %add3A_931 : vector<16xf32>
        %mul3A_933 = arith.mulf %sub3A_908, %mul3A_932 : vector<16xf32>
        %add3A_934 = arith.addf %sub3A_908, %mul3A_933 : vector<16xf32>
        %abs3A = math.absf %add3A_934 : vector<16xf32>
        %add3A_935 = arith.addf %broadcast_in_dim3A_417, %abs3A : vector<16xf32>
        %mul3A_936 = arith.constant 0.159154937 : f32
        %mul3A_937 = vector.broadcast %mul3A_936 : f32 to vector<16xf32>
        %mul3A_938 = arith.mulf %mul3A_882, %mul3A_937 : vector<16xf32>
        %sign3A_939 = tpu.bitcast %mul3A_938 : vector<16xf32> -> vector<16xi32>
        %sign3A_940 = arith.constant -2147483648 : i32
        %sign3A_941 = vector.broadcast %sign3A_940 : i32 to vector<16xi32>
        %sign3A_942 = arith.andi %sign3A_939, %sign3A_941 : vector<16xi32>
        %sign3A_943 = arith.constant 1065353216 : i32
        %sign3A_944 = vector.broadcast %sign3A_943 : i32 to vector<16xi32>
        %sign3A_945 = arith.ori %sign3A_944, %sign3A_942 : vector<16xi32>
        %sign3A_946 = tpu.bitcast %sign3A_945 : vector<16xi32> -> vector<16xf32>
        %sign3A_947 = math.absf %mul3A_938 : vector<16xf32>
        %sign3A_948 = arith.constant 0.000000e+00 : f32
        %sign3A_949 = vector.broadcast %sign3A_948 : f32 to vector<16xf32>
        %sign3A_950 = arith.cmpf ogt, %sign3A_947, %sign3A_949 : vector<16xf32>
        %sign3A_951 = arith.select %sign3A_950, %sign3A_946, %mul3A_938 : vector<16xi1>, vector<16xf32>
        %mul3A_952 = arith.constant 5.000000e-01 : f32
        %mul3A_953 = vector.broadcast %mul3A_952 : f32 to vector<16xf32>
        %mul3A_954 = arith.mulf %mul3A_953, %sign3A_951 : vector<16xf32>
        %add3A_955 = arith.addf %mul3A_938, %mul3A_954 : vector<16xf32>
        %convert_element_type3A_956 = arith.fptosi %add3A_955 : vector<16xf32> to vector<16xi32>
        %convert_element_type3A_957 = arith.sitofp %convert_element_type3A_956 : vector<16xi32> to vector<16xf32>
        %mul3A_958 = arith.constant 6.28318548 : f32
        %mul3A_959 = vector.broadcast %mul3A_958 : f32 to vector<16xf32>
        %mul3A_960 = arith.mulf %convert_element_type3A_957, %mul3A_959 : vector<16xf32>
        %sub3A_961 = arith.subf %mul3A_882, %mul3A_960 : vector<16xf32>
        %mul3A_962 = arith.mulf %sub3A_961, %sub3A_961 : vector<16xf32>
        %mul3A_963 = arith.constant 1.36012215E-10 : f32
        %mul3A_964 = vector.broadcast %mul3A_963 : f32 to vector<16xf32>
        %mul3A_965 = arith.mulf %mul3A_964, %mul3A_962 : vector<16xf32>
        %add3A_966 = arith.constant -2.47239633E-8 : f32
        %add3A_967 = vector.broadcast %add3A_966 : f32 to vector<16xf32>
        %add3A_968 = arith.addf %mul3A_965, %add3A_967 : vector<16xf32>
        %mul3A_969 = arith.mulf %add3A_968, %mul3A_962 : vector<16xf32>
        %add3A_970 = arith.constant 2.7535159E-6 : f32
        %add3A_971 = vector.broadcast %add3A_970 : f32 to vector<16xf32>
        %add3A_972 = arith.addf %mul3A_969, %add3A_971 : vector<16xf32>
        %mul3A_973 = arith.mulf %add3A_972, %mul3A_962 : vector<16xf32>
        %add3A_974 = arith.constant -1.98404916E-4 : f32
        %add3A_975 = vector.broadcast %add3A_974 : f32 to vector<16xf32>
        %add3A_976 = arith.addf %mul3A_973, %add3A_975 : vector<16xf32>
        %mul3A_977 = arith.mulf %add3A_976, %mul3A_962 : vector<16xf32>
        %add3A_978 = arith.constant 0.00833331979 : f32
        %add3A_979 = vector.broadcast %add3A_978 : f32 to vector<16xf32>
        %add3A_980 = arith.addf %mul3A_977, %add3A_979 : vector<16xf32>
        %mul3A_981 = arith.mulf %add3A_980, %mul3A_962 : vector<16xf32>
        %add3A_982 = arith.constant -0.166666657 : f32
        %add3A_983 = vector.broadcast %add3A_982 : f32 to vector<16xf32>
        %add3A_984 = arith.addf %mul3A_981, %add3A_983 : vector<16xf32>
        %mul3A_985 = arith.mulf %mul3A_962, %add3A_984 : vector<16xf32>
        %mul3A_986 = arith.mulf %sub3A_961, %mul3A_985 : vector<16xf32>
        %add3A_987 = arith.addf %sub3A_961, %mul3A_986 : vector<16xf32>
        %abs3A_988 = math.absf %add3A_987 : vector<16xf32>
        %add3A_989 = arith.addf %add3A_935, %abs3A_988 : vector<16xf32>
        %get3A_990 = arith.index_cast %add3A_413 : i32 to index
        %get3A_991 = arith.constant 0 : index
        %get3A_992 = tpu.vector_load %arg61[%get3A_990, %get3A_991] {strides = array<i32>} : memref<128x64xf32, #tpu.memory_space<vmem>>, vector<16xf32>,
        %abs3A_993 = math.absf %get3A_992 : vector<16xf32>
        %get3A_994 = arith.index_cast %add3A_413 : i32 to index
        %get3A_995 = arith.constant 0 : index
        %get3A_996 = tpu.vector_load %arg62[%get3A_994, %get3A_995] {strides = array<i32>} : memref<128x64xf32, #tpu.memory_space<vmem>>, vector<16xf32>,
        %min3A = arith.constant 1.000000e+00 : f32
        %min3A_997 = vector.broadcast %min3A : f32 to vector<16xf32>
        %min3A_998 = arith.minimumf %get3A_996, %min3A_997 : vector<16xf32>
        %neg3A = arith.constant 0.000000e+00 : f32
        %neg3A_999 = vector.broadcast %neg3A : f32 to vector<16xf32>
        %neg3A_1000 = arith.subf %neg3A_999, %abs3A_993 : vector<16xf32>
        %max3A = arith.maximumf %min3A_998, %neg3A_1000 : vector<16xf32>
        %get3A_1001 = arith.index_cast %add3A_413 : i32 to index
        %get3A_1002 = arith.constant 0 : index
        %get3A_1003 = tpu.vector_load %arg40[%get3A_1001, %get3A_1002] {strides = array<i32>} : memref<128x32xf32, #tpu.memory_space<vmem>>, vector<16xf32>,
        %add3A_1004 = arith.addf %abs3A_993, %max3A : vector<16xf32>
        %mul3A_1005 = arith.mulf %get3A_1003, %add3A_1004 : vector<16xf32>
        %get3A_1006 = arith.index_cast %add3A_413 : i32 to index
        %get3A_1007 = arith.constant 0 : index
        %get3A_1008 = tpu.vector_load %arg39[%get3A_1006, %get3A_1007] {strides = array<i32>} : memref<128x32xf32, #tpu.memory_space<vmem>>, vector<16xf32>,
        %sub3A_1009 = arith.constant 1.000000e+00 : f32
        %sub3A_1010 = vector.broadcast %sub3A_1009 : f32 to vector<16xf32>
        %sub3A_1011 = arith.subf %sub3A_1010, %max3A : vector<16xf32>
        %mul3A_1012 = arith.mulf %get3A_1008, %sub3A_1011 : vector<16xf32>
        %sub3A_1013 = arith.subf %mul3A_1005, %mul3A_1012 : vector<16xf32>
        %get3A_1014 = arith.index_cast %add3A_413 : i32 to index
        %get3A_1015 = arith.constant 32 : index
        %get3A_1016 = tpu.vector_load %arg61[%get3A_1014, %get3A_1015] {strides = array<i32>} : memref<128x64xf32, #tpu.memory_space<vmem>>, vector<16xf32>,
        %abs3A_1017 = math.absf %get3A_1016 : vector<16xf32>
        %get3A_1018 = arith.index_cast %add3A_413 : i32 to index
        %get3A_1019 = arith.constant 32 : index
        %get3A_1020 = tpu.vector_load %arg62[%get3A_1018, %get3A_1019] {strides = array<i32>} : memref<128x64xf32, #tpu.memory_space<vmem>>, vector<16xf32>,
        %min3A_1021 = arith.constant 1.000000e+00 : f32
        %min3A_1022 = vector.broadcast %min3A_1021 : f32 to vector<16xf32>
        %min3A_1023 = arith.minimumf %get3A_1020, %min3A_1022 : vector<16xf32>
        %neg3A_1024 = arith.constant 0.000000e+00 : f32
        %neg3A_1025 = vector.broadcast %neg3A_1024 : f32 to vector<16xf32>
        %neg3A_1026 = arith.subf %neg3A_1025, %abs3A_1017 : vector<16xf32>
        %max3A_1027 = arith.maximumf %min3A_1023, %neg3A_1026 : vector<16xf32>
        %add3A_1028 = arith.addf %abs3A_1017, %max3A_1027 : vector<16xf32>
        %mul3A_1029 = arith.mulf %add3A_636, %add3A_1028 : vector<16xf32>
        %sub3A_1030 = arith.constant 1.000000e+00 : f32
        %sub3A_1031 = vector.broadcast %sub3A_1030 : f32 to vector<16xf32>
        %sub3A_1032 = arith.subf %sub3A_1031, %max3A_1027 : vector<16xf32>
        %mul3A_1033 = arith.mulf %add3A_860, %sub3A_1032 : vector<16xf32>
        %sub3A_1034 = arith.subf %mul3A_1029, %mul3A_1033 : vector<16xf32>
        %mul3A_1035 = arith.mulf %sub3A_1013, %sub3A_1013 : vector<16xf32>
        %add3A_1036 = arith.addf %broadcast_in_dim3A_419, %mul3A_1035 : vector<16xf32>
        %mul3A_1037 = arith.mulf %sub3A_1034, %sub3A_1034 : vector<16xf32>
        %add3A_1038 = arith.addf %add3A_1036, %mul3A_1037 : vector<16xf32>
        %get3A_1039 = arith.index_cast %add3A_413 : i32 to index
        %get3A_1040 = arith.constant 16 : index
        %get3A_1041 = tpu.vector_load %arg44[%get3A_1039, %get3A_1040] {strides = array<i32>} : memref<128x32xf32, #tpu.memory_space<vmem>>, vector<16xf32>,
        %get3A_1042 = arith.index_cast %add3A_413 : i32 to index
        %get3A_1043 = arith.constant 16 : index
        %get3A_1044 = tpu.vector_load %arg42[%get3A_1042, %get3A_1043] {strides = array<i32>} : memref<128x32xf32, #tpu.memory_space<vmem>>, vector<16xf32>,
        %mul3A_1045 = arith.mulf %get3A_1044, %gather3A : vector<16xf32>
        %get3A_1046 = arith.index_cast %add3A_413 : i32 to index
        %get3A_1047 = arith.constant 16 : index
        %get3A_1048 = tpu.vector_load %arg43[%get3A_1046, %get3A_1047] {strides = array<i32>} : memref<128x32xf32, #tpu.memory_space<vmem>>, vector<16xf32>,
        %add3A_1049 = arith.addf %mul3A_1045, %get3A_1048 : vector<16xf32>
        %mul3A_1050 = arith.constant 3.14159274 : f32
        %mul3A_1051 = vector.broadcast %mul3A_1050 : f32 to vector<16xf32>
        %mul3A_1052 = arith.mulf %add3A_1049, %mul3A_1051 : vector<16xf32>
        %eq3A_1053 = arith.constant 0.000000e+00 : f32
        %eq3A_1054 = vector.broadcast %eq3A_1053 : f32 to vector<16xf32>
        %eq3A_1055 = arith.cmpf oeq, %add3A_1049, %eq3A_1054 : vector<16xf32>
        %mul3A_1056 = arith.constant 0.159154937 : f32
        %mul3A_1057 = vector.broadcast %mul3A_1056 : f32 to vector<16xf32>
        %mul3A_1058 = arith.mulf %mul3A_1052, %mul3A_1057 : vector<16xf32>
        %sign3A_1059 = tpu.bitcast %mul3A_1058 : vector<16xf32> -> vector<16xi32>
        %sign3A_1060 = arith.constant -2147483648 : i32
        %sign3A_1061 = vector.broadcast %sign3A_1060 : i32 to vector<16xi32>
        %sign3A_1062 = arith.andi %sign3A_1059, %sign3A_1061 : vector<16xi32>
        %sign3A_1063 = arith.constant 1065353216 : i32
        %sign3A_1064 = vector.broadcast %sign3A_1063 : i32 to vector<16xi32>
        %sign3A_1065 = arith.ori %sign3A_1064, %sign3A_1062 : vector<16xi32>
        %sign3A_1066 = tpu.bitcast %sign3A_1065 : vector<16xi32> -> vector<16xf32>
        %sign3A_1067 = math.absf %mul3A_1058 : vector<16xf32>
        %sign3A_1068 = arith.constant 0.000000e+00 : f32
        %sign3A_1069 = vector.broadcast %sign3A_1068 : f32 to vector<16xf32>
        %sign3A_1070 = arith.cmpf ogt, %sign3A_1067, %sign3A_1069 : vector<16xf32>
        %sign3A_1071 = arith.select %sign3A_1070, %sign3A_1066, %mul3A_1058 : vector<16xi1>, vector<16xf32>
        %mul3A_1072 = arith.constant 5.000000e-01 : f32
        %mul3A_1073 = vector.broadcast %mul3A_1072 : f32 to vector<16xf32>
        %mul3A_1074 = arith.mulf %mul3A_1073, %sign3A_1071 : vector<16xf32>
        %add3A_1075 = arith.addf %mul3A_1058, %mul3A_1074 : vector<16xf32>
        %convert_element_type3A_1076 = arith.fptosi %add3A_1075 : vector<16xf32> to vector<16xi32>
        %convert_element_type3A_1077 = arith.sitofp %convert_element_type3A_1076 : vector<16xi32> to vector<16xf32>
        %mul3A_1078 = arith.constant 6.28318548 : f32
        %mul3A_1079 = vector.broadcast %mul3A_1078 : f32 to vector<16xf32>
        %mul3A_1080 = arith.mulf %convert_element_type3A_1077, %mul3A_1079 : vector<16xf32>
        %sub3A_1081 = arith.subf %mul3A_1052, %mul3A_1080 : vector<16xf32>
        %mul3A_1082 = arith.mulf %sub3A_1081, %sub3A_1081 : vector<16xf32>
        %mul3A_1083 = arith.constant 1.36012215E-10 : f32
        %mul3A_1084 = vector.broadcast %mul3A_1083 : f32 to vector<16xf32>
        %mul3A_1085 = arith.mulf %mul3A_1084, %mul3A_1082 : vector<16xf32>
        %add3A_1086 = arith.constant -2.47239633E-8 : f32
        %add3A_1087 = vector.broadcast %add3A_1086 : f32 to vector<16xf32>
        %add3A_1088 = arith.addf %mul3A_1085, %add3A_1087 : vector<16xf32>
        %mul3A_1089 = arith.mulf %add3A_1088, %mul3A_1082 : vector<16xf32>
        %add3A_1090 = arith.constant 2.7535159E-6 : f32
        %add3A_1091 = vector.broadcast %add3A_1090 : f32 to vector<16xf32>
        %add3A_1092 = arith.addf %mul3A_1089, %add3A_1091 : vector<16xf32>
        %mul3A_1093 = arith.mulf %add3A_1092, %mul3A_1082 : vector<16xf32>
        %add3A_1094 = arith.constant -1.98404916E-4 : f32
        %add3A_1095 = vector.broadcast %add3A_1094 : f32 to vector<16xf32>
        %add3A_1096 = arith.addf %mul3A_1093, %add3A_1095 : vector<16xf32>
        %mul3A_1097 = arith.mulf %add3A_1096, %mul3A_1082 : vector<16xf32>
        %add3A_1098 = arith.constant 0.00833331979 : f32
        %add3A_1099 = vector.broadcast %add3A_1098 : f32 to vector<16xf32>
        %add3A_1100 = arith.addf %mul3A_1097, %add3A_1099 : vector<16xf32>
        %mul3A_1101 = arith.mulf %add3A_1100, %mul3A_1082 : vector<16xf32>
        %add3A_1102 = arith.constant -0.166666657 : f32
        %add3A_1103 = vector.broadcast %add3A_1102 : f32 to vector<16xf32>
        %add3A_1104 = arith.addf %mul3A_1101, %add3A_1103 : vector<16xf32>
        %mul3A_1105 = arith.mulf %mul3A_1082, %add3A_1104 : vector<16xf32>
        %mul3A_1106 = arith.mulf %sub3A_1081, %mul3A_1105 : vector<16xf32>
        %add3A_1107 = arith.addf %sub3A_1081, %mul3A_1106 : vector<16xf32>
        %div3A_1108 = arith.divf %add3A_1107, %mul3A_1052 : vector<16xf32>
        %jit3A_1109 = arith.constant 1.000000e+00 : f32
        %broadcast_in_dim3A_1110 = vector.broadcast %jit3A_1109 : f32 to vector<16xf32>
        %select_n3A_1111 = arith.select %eq3A_1055, %broadcast_in_dim3A_1110, %div3A_1108 : vector<16xi1>, vector<16xf32>
        %mul3A_1112 = arith.mulf %get3A_1041, %select_n3A_1111 : vector<16xf32>
        %get3A_1113 = arith.index_cast %add3A_413 : i32 to index
        %get3A_1114 = arith.constant 16 : index
        %get3A_1115 = tpu.vector_load %arg47[%get3A_1113, %get3A_1114] {strides = array<i32>} : memref<128x32xf32, #tpu.memory_space<vmem>>, vector<16xf32>,
        %get3A_1116 = arith.index_cast %add3A_413 : i32 to index
        %get3A_1117 = arith.constant 16 : index
        %get3A_1118 = tpu.vector_load %arg45[%get3A_1116, %get3A_1117] {strides = array<i32>} : memref<128x32xf32, #tpu.memory_space<vmem>>, vector<16xf32>,
        %mul3A_1119 = arith.mulf %get3A_1118, %gather3A_414 : vector<16xf32>
        %get3A_1120 = arith.index_cast %add3A_413 : i32 to index
        %get3A_1121 = arith.constant 16 : index
        %get3A_1122 = tpu.vector_load %arg46[%get3A_1120, %get3A_1121] {strides = array<i32>} : memref<128x32xf32, #tpu.memory_space<vmem>>, vector<16xf32>,
        %add3A_1123 = arith.addf %mul3A_1119, %get3A_1122 : vector<16xf32>
        %mul3A_1124 = arith.constant 3.14159274 : f32
        %mul3A_1125 = vector.broadcast %mul3A_1124 : f32 to vector<16xf32>
        %mul3A_1126 = arith.mulf %add3A_1123, %mul3A_1125 : vector<16xf32>
        %eq3A_1127 = arith.constant 0.000000e+00 : f32
        %eq3A_1128 = vector.broadcast %eq3A_1127 : f32 to vector<16xf32>
        %eq3A_1129 = arith.cmpf oeq, %add3A_1123, %eq3A_1128 : vector<16xf32>
        %mul3A_1130 = arith.constant 0.159154937 : f32
        %mul3A_1131 = vector.broadcast %mul3A_1130 : f32 to vector<16xf32>
        %mul3A_1132 = arith.mulf %mul3A_1126, %mul3A_1131 : vector<16xf32>
        %sign3A_1133 = tpu.bitcast %mul3A_1132 : vector<16xf32> -> vector<16xi32>
        %sign3A_1134 = arith.constant -2147483648 : i32
        %sign3A_1135 = vector.broadcast %sign3A_1134 : i32 to vector<16xi32>
        %sign3A_1136 = arith.andi %sign3A_1133, %sign3A_1135 : vector<16xi32>
        %sign3A_1137 = arith.constant 1065353216 : i32
        %sign3A_1138 = vector.broadcast %sign3A_1137 : i32 to vector<16xi32>
        %sign3A_1139 = arith.ori %sign3A_1138, %sign3A_1136 : vector<16xi32>
        %sign3A_1140 = tpu.bitcast %sign3A_1139 : vector<16xi32> -> vector<16xf32>
        %sign3A_1141 = math.absf %mul3A_1132 : vector<16xf32>
        %sign3A_1142 = arith.constant 0.000000e+00 : f32
        %sign3A_1143 = vector.broadcast %sign3A_1142 : f32 to vector<16xf32>
        %sign3A_1144 = arith.cmpf ogt, %sign3A_1141, %sign3A_1143 : vector<16xf32>
        %sign3A_1145 = arith.select %sign3A_1144, %sign3A_1140, %mul3A_1132 : vector<16xi1>, vector<16xf32>
        %mul3A_1146 = arith.constant 5.000000e-01 : f32
        %mul3A_1147 = vector.broadcast %mul3A_1146 : f32 to vector<16xf32>
        %mul3A_1148 = arith.mulf %mul3A_1147, %sign3A_1145 : vector<16xf32>
        %add3A_1149 = arith.addf %mul3A_1132, %mul3A_1148 : vector<16xf32>
        %convert_element_type3A_1150 = arith.fptosi %add3A_1149 : vector<16xf32> to vector<16xi32>
        %convert_element_type3A_1151 = arith.sitofp %convert_element_type3A_1150 : vector<16xi32> to vector<16xf32>
        %mul3A_1152 = arith.constant 6.28318548 : f32
        %mul3A_1153 = vector.broadcast %mul3A_1152 : f32 to vector<16xf32>
        %mul3A_1154 = arith.mulf %convert_element_type3A_1151, %mul3A_1153 : vector<16xf32>
        %sub3A_1155 = arith.subf %mul3A_1126, %mul3A_1154 : vector<16xf32>
        %mul3A_1156 = arith.mulf %sub3A_1155, %sub3A_1155 : vector<16xf32>
        %mul3A_1157 = arith.constant 1.36012215E-10 : f32
        %mul3A_1158 = vector.broadcast %mul3A_1157 : f32 to vector<16xf32>
        %mul3A_1159 = arith.mulf %mul3A_1158, %mul3A_1156 : vector<16xf32>
        %add3A_1160 = arith.constant -2.47239633E-8 : f32
        %add3A_1161 = vector.broadcast %add3A_1160 : f32 to vector<16xf32>
        %add3A_1162 = arith.addf %mul3A_1159, %add3A_1161 : vector<16xf32>
        %mul3A_1163 = arith.mulf %add3A_1162, %mul3A_1156 : vector<16xf32>
        %add3A_1164 = arith.constant 2.7535159E-6 : f32
        %add3A_1165 = vector.broadcast %add3A_1164 : f32 to vector<16xf32>
        %add3A_1166 = arith.addf %mul3A_1163, %add3A_1165 : vector<16xf32>
        %mul3A_1167 = arith.mulf %add3A_1166, %mul3A_1156 : vector<16xf32>
        %add3A_1168 = arith.constant -1.98404916E-4 : f32
        %add3A_1169 = vector.broadcast %add3A_1168 : f32 to vector<16xf32>
        %add3A_1170 = arith.addf %mul3A_1167, %add3A_1169 : vector<16xf32>
        %mul3A_1171 = arith.mulf %add3A_1170, %mul3A_1156 : vector<16xf32>
        %add3A_1172 = arith.constant 0.00833331979 : f32
        %add3A_1173 = vector.broadcast %add3A_1172 : f32 to vector<16xf32>
        %add3A_1174 = arith.addf %mul3A_1171, %add3A_1173 : vector<16xf32>
        %mul3A_1175 = arith.mulf %add3A_1174, %mul3A_1156 : vector<16xf32>
        %add3A_1176 = arith.constant -0.166666657 : f32
        %add3A_1177 = vector.broadcast %add3A_1176 : f32 to vector<16xf32>
        %add3A_1178 = arith.addf %mul3A_1175, %add3A_1177 : vector<16xf32>
        %mul3A_1179 = arith.mulf %mul3A_1156, %add3A_1178 : vector<16xf32>
        %mul3A_1180 = arith.mulf %sub3A_1155, %mul3A_1179 : vector<16xf32>
        %add3A_1181 = arith.addf %sub3A_1155, %mul3A_1180 : vector<16xf32>
        %div3A_1182 = arith.divf %add3A_1181, %mul3A_1126 : vector<16xf32>
        %jit3A_1183 = arith.constant 1.000000e+00 : f32
        %broadcast_in_dim3A_1184 = vector.broadcast %jit3A_1183 : f32 to vector<16xf32>
        %select_n3A_1185 = arith.select %eq3A_1129, %broadcast_in_dim3A_1184, %div3A_1182 : vector<16xi1>, vector<16xf32>
        %mul3A_1186 = arith.mulf %get3A_1115, %select_n3A_1185 : vector<16xf32>
        %add3A_1187 = arith.addf %mul3A_1112, %mul3A_1186 : vector<16xf32>
        %get3A_1188 = arith.index_cast %add3A_413 : i32 to index
        %get3A_1189 = arith.constant 16 : index
        %get3A_1190 = tpu.vector_load %arg50[%get3A_1188, %get3A_1189] {strides = array<i32>} : memref<128x32xf32, #tpu.memory_space<vmem>>, vector<16xf32>,
        %get3A_1191 = arith.index_cast %add3A_413 : i32 to index
        %get3A_1192 = arith.constant 16 : index
        %get3A_1193 = tpu.vector_load %arg48[%get3A_1191, %get3A_1192] {strides = array<i32>} : memref<128x32xf32, #tpu.memory_space<vmem>>, vector<16xf32>,
        %mul3A_1194 = arith.mulf %get3A_1193, %gather3A_415 : vector<16xf32>
        %get3A_1195 = arith.index_cast %add3A_413 : i32 to index
        %get3A_1196 = arith.constant 16 : index
        %get3A_1197 = tpu.vector_load %arg49[%get3A_1195, %get3A_1196] {strides = array<i32>} : memref<128x32xf32, #tpu.memory_space<vmem>>, vector<16xf32>,
        %add3A_1198 = arith.addf %mul3A_1194, %get3A_1197 : vector<16xf32>
        %mul3A_1199 = arith.constant 3.14159274 : f32
        %mul3A_1200 = vector.broadcast %mul3A_1199 : f32 to vector<16xf32>
        %mul3A_1201 = arith.mulf %add3A_1198, %mul3A_1200 : vector<16xf32>
        %eq3A_1202 = arith.constant 0.000000e+00 : f32
        %eq3A_1203 = vector.broadcast %eq3A_1202 : f32 to vector<16xf32>
        %eq3A_1204 = arith.cmpf oeq, %add3A_1198, %eq3A_1203 : vector<16xf32>
        %mul3A_1205 = arith.constant 0.159154937 : f32
        %mul3A_1206 = vector.broadcast %mul3A_1205 : f32 to vector<16xf32>
        %mul3A_1207 = arith.mulf %mul3A_1201, %mul3A_1206 : vector<16xf32>
        %sign3A_1208 = tpu.bitcast %mul3A_1207 : vector<16xf32> -> vector<16xi32>
        %sign3A_1209 = arith.constant -2147483648 : i32
        %sign3A_1210 = vector.broadcast %sign3A_1209 : i32 to vector<16xi32>
        %sign3A_1211 = arith.andi %sign3A_1208, %sign3A_1210 : vector<16xi32>
        %sign3A_1212 = arith.constant 1065353216 : i32
        %sign3A_1213 = vector.broadcast %sign3A_1212 : i32 to vector<16xi32>
        %sign3A_1214 = arith.ori %sign3A_1213, %sign3A_1211 : vector<16xi32>
        %sign3A_1215 = tpu.bitcast %sign3A_1214 : vector<16xi32> -> vector<16xf32>
        %sign3A_1216 = math.absf %mul3A_1207 : vector<16xf32>
        %sign3A_1217 = arith.constant 0.000000e+00 : f32
        %sign3A_1218 = vector.broadcast %sign3A_1217 : f32 to vector<16xf32>
        %sign3A_1219 = arith.cmpf ogt, %sign3A_1216, %sign3A_1218 : vector<16xf32>
        %sign3A_1220 = arith.select %sign3A_1219, %sign3A_1215, %mul3A_1207 : vector<16xi1>, vector<16xf32>
        %mul3A_1221 = arith.constant 5.000000e-01 : f32
        %mul3A_1222 = vector.broadcast %mul3A_1221 : f32 to vector<16xf32>
        %mul3A_1223 = arith.mulf %mul3A_1222, %sign3A_1220 : vector<16xf32>
        %add3A_1224 = arith.addf %mul3A_1207, %mul3A_1223 : vector<16xf32>
        %convert_element_type3A_1225 = arith.fptosi %add3A_1224 : vector<16xf32> to vector<16xi32>
        %convert_element_type3A_1226 = arith.sitofp %convert_element_type3A_1225 : vector<16xi32> to vector<16xf32>
        %mul3A_1227 = arith.constant 6.28318548 : f32
        %mul3A_1228 = vector.broadcast %mul3A_1227 : f32 to vector<16xf32>
        %mul3A_1229 = arith.mulf %convert_element_type3A_1226, %mul3A_1228 : vector<16xf32>
        %sub3A_1230 = arith.subf %mul3A_1201, %mul3A_1229 : vector<16xf32>
        %mul3A_1231 = arith.mulf %sub3A_1230, %sub3A_1230 : vector<16xf32>
        %mul3A_1232 = arith.constant 1.36012215E-10 : f32
        %mul3A_1233 = vector.broadcast %mul3A_1232 : f32 to vector<16xf32>
        %mul3A_1234 = arith.mulf %mul3A_1233, %mul3A_1231 : vector<16xf32>
        %add3A_1235 = arith.constant -2.47239633E-8 : f32
        %add3A_1236 = vector.broadcast %add3A_1235 : f32 to vector<16xf32>
        %add3A_1237 = arith.addf %mul3A_1234, %add3A_1236 : vector<16xf32>
        %mul3A_1238 = arith.mulf %add3A_1237, %mul3A_1231 : vector<16xf32>
        %add3A_1239 = arith.constant 2.7535159E-6 : f32
        %add3A_1240 = vector.broadcast %add3A_1239 : f32 to vector<16xf32>
        %add3A_1241 = arith.addf %mul3A_1238, %add3A_1240 : vector<16xf32>
        %mul3A_1242 = arith.mulf %add3A_1241, %mul3A_1231 : vector<16xf32>
        %add3A_1243 = arith.constant -1.98404916E-4 : f32
        %add3A_1244 = vector.broadcast %add3A_1243 : f32 to vector<16xf32>
        %add3A_1245 = arith.addf %mul3A_1242, %add3A_1244 : vector<16xf32>
        %mul3A_1246 = arith.mulf %add3A_1245, %mul3A_1231 : vector<16xf32>
        %add3A_1247 = arith.constant 0.00833331979 : f32
        %add3A_1248 = vector.broadcast %add3A_1247 : f32 to vector<16xf32>
        %add3A_1249 = arith.addf %mul3A_1246, %add3A_1248 : vector<16xf32>
        %mul3A_1250 = arith.mulf %add3A_1249, %mul3A_1231 : vector<16xf32>
        %add3A_1251 = arith.constant -0.166666657 : f32
        %add3A_1252 = vector.broadcast %add3A_1251 : f32 to vector<16xf32>
        %add3A_1253 = arith.addf %mul3A_1250, %add3A_1252 : vector<16xf32>
        %mul3A_1254 = arith.mulf %mul3A_1231, %add3A_1253 : vector<16xf32>
        %mul3A_1255 = arith.mulf %sub3A_1230, %mul3A_1254 : vector<16xf32>
        %add3A_1256 = arith.addf %sub3A_1230, %mul3A_1255 : vector<16xf32>
        %div3A_1257 = arith.divf %add3A_1256, %mul3A_1201 : vector<16xf32>
        %jit3A_1258 = arith.constant 1.000000e+00 : f32
        %broadcast_in_dim3A_1259 = vector.broadcast %jit3A_1258 : f32 to vector<16xf32>
        %select_n3A_1260 = arith.select %eq3A_1204, %broadcast_in_dim3A_1259, %div3A_1257 : vector<16xi1>, vector<16xf32>
        %mul3A_1261 = arith.mulf %get3A_1190, %select_n3A_1260 : vector<16xf32>
        %add3A_1262 = arith.addf %add3A_1187, %mul3A_1261 : vector<16xf32>
        %get3A_1263 = arith.index_cast %add3A_413 : i32 to index
        %get3A_1264 = arith.constant 16 : index
        %get3A_1265 = tpu.vector_load %arg53[%get3A_1263, %get3A_1264] {strides = array<i32>} : memref<128x32xf32, #tpu.memory_space<vmem>>, vector<16xf32>,
        %get3A_1266 = arith.index_cast %add3A_413 : i32 to index
        %get3A_1267 = arith.constant 16 : index
        %get3A_1268 = tpu.vector_load %arg51[%get3A_1266, %get3A_1267] {strides = array<i32>} : memref<128x32xf32, #tpu.memory_space<vmem>>, vector<16xf32>,
        %mul3A_1269 = arith.mulf %get3A_1268, %gather3A : vector<16xf32>
        %get3A_1270 = arith.index_cast %add3A_413 : i32 to index
        %get3A_1271 = arith.constant 16 : index
        %get3A_1272 = tpu.vector_load %arg52[%get3A_1270, %get3A_1271] {strides = array<i32>} : memref<128x32xf32, #tpu.memory_space<vmem>>, vector<16xf32>,
        %add3A_1273 = arith.addf %mul3A_1269, %get3A_1272 : vector<16xf32>
        %mul3A_1274 = arith.constant 3.14159274 : f32
        %mul3A_1275 = vector.broadcast %mul3A_1274 : f32 to vector<16xf32>
        %mul3A_1276 = arith.mulf %add3A_1273, %mul3A_1275 : vector<16xf32>
        %eq3A_1277 = arith.constant 0.000000e+00 : f32
        %eq3A_1278 = vector.broadcast %eq3A_1277 : f32 to vector<16xf32>
        %eq3A_1279 = arith.cmpf oeq, %add3A_1273, %eq3A_1278 : vector<16xf32>
        %mul3A_1280 = arith.constant 0.159154937 : f32
        %mul3A_1281 = vector.broadcast %mul3A_1280 : f32 to vector<16xf32>
        %mul3A_1282 = arith.mulf %mul3A_1276, %mul3A_1281 : vector<16xf32>
        %sign3A_1283 = tpu.bitcast %mul3A_1282 : vector<16xf32> -> vector<16xi32>
        %sign3A_1284 = arith.constant -2147483648 : i32
        %sign3A_1285 = vector.broadcast %sign3A_1284 : i32 to vector<16xi32>
        %sign3A_1286 = arith.andi %sign3A_1283, %sign3A_1285 : vector<16xi32>
        %sign3A_1287 = arith.constant 1065353216 : i32
        %sign3A_1288 = vector.broadcast %sign3A_1287 : i32 to vector<16xi32>
        %sign3A_1289 = arith.ori %sign3A_1288, %sign3A_1286 : vector<16xi32>
        %sign3A_1290 = tpu.bitcast %sign3A_1289 : vector<16xi32> -> vector<16xf32>
        %sign3A_1291 = math.absf %mul3A_1282 : vector<16xf32>
        %sign3A_1292 = arith.constant 0.000000e+00 : f32
        %sign3A_1293 = vector.broadcast %sign3A_1292 : f32 to vector<16xf32>
        %sign3A_1294 = arith.cmpf ogt, %sign3A_1291, %sign3A_1293 : vector<16xf32>
        %sign3A_1295 = arith.select %sign3A_1294, %sign3A_1290, %mul3A_1282 : vector<16xi1>, vector<16xf32>
        %mul3A_1296 = arith.constant 5.000000e-01 : f32
        %mul3A_1297 = vector.broadcast %mul3A_1296 : f32 to vector<16xf32>
        %mul3A_1298 = arith.mulf %mul3A_1297, %sign3A_1295 : vector<16xf32>
        %add3A_1299 = arith.addf %mul3A_1282, %mul3A_1298 : vector<16xf32>
        %convert_element_type3A_1300 = arith.fptosi %add3A_1299 : vector<16xf32> to vector<16xi32>
        %convert_element_type3A_1301 = arith.sitofp %convert_element_type3A_1300 : vector<16xi32> to vector<16xf32>
        %mul3A_1302 = arith.constant 6.28318548 : f32
        %mul3A_1303 = vector.broadcast %mul3A_1302 : f32 to vector<16xf32>
        %mul3A_1304 = arith.mulf %convert_element_type3A_1301, %mul3A_1303 : vector<16xf32>
        %sub3A_1305 = arith.subf %mul3A_1276, %mul3A_1304 : vector<16xf32>
        %mul3A_1306 = arith.mulf %sub3A_1305, %sub3A_1305 : vector<16xf32>
        %mul3A_1307 = arith.constant 1.36012215E-10 : f32
        %mul3A_1308 = vector.broadcast %mul3A_1307 : f32 to vector<16xf32>
        %mul3A_1309 = arith.mulf %mul3A_1308, %mul3A_1306 : vector<16xf32>
        %add3A_1310 = arith.constant -2.47239633E-8 : f32
        %add3A_1311 = vector.broadcast %add3A_1310 : f32 to vector<16xf32>
        %add3A_1312 = arith.addf %mul3A_1309, %add3A_1311 : vector<16xf32>
        %mul3A_1313 = arith.mulf %add3A_1312, %mul3A_1306 : vector<16xf32>
        %add3A_1314 = arith.constant 2.7535159E-6 : f32
        %add3A_1315 = vector.broadcast %add3A_1314 : f32 to vector<16xf32>
        %add3A_1316 = arith.addf %mul3A_1313, %add3A_1315 : vector<16xf32>
        %mul3A_1317 = arith.mulf %add3A_1316, %mul3A_1306 : vector<16xf32>
        %add3A_1318 = arith.constant -1.98404916E-4 : f32
        %add3A_1319 = vector.broadcast %add3A_1318 : f32 to vector<16xf32>
        %add3A_1320 = arith.addf %mul3A_1317, %add3A_1319 : vector<16xf32>
        %mul3A_1321 = arith.mulf %add3A_1320, %mul3A_1306 : vector<16xf32>
        %add3A_1322 = arith.constant 0.00833331979 : f32
        %add3A_1323 = vector.broadcast %add3A_1322 : f32 to vector<16xf32>
        %add3A_1324 = arith.addf %mul3A_1321, %add3A_1323 : vector<16xf32>
        %mul3A_1325 = arith.mulf %add3A_1324, %mul3A_1306 : vector<16xf32>
        %add3A_1326 = arith.constant -0.166666657 : f32
        %add3A_1327 = vector.broadcast %add3A_1326 : f32 to vector<16xf32>
        %add3A_1328 = arith.addf %mul3A_1325, %add3A_1327 : vector<16xf32>
        %mul3A_1329 = arith.mulf %mul3A_1306, %add3A_1328 : vector<16xf32>
        %mul3A_1330 = arith.mulf %sub3A_1305, %mul3A_1329 : vector<16xf32>
        %add3A_1331 = arith.addf %sub3A_1305, %mul3A_1330 : vector<16xf32>
        %div3A_1332 = arith.divf %add3A_1331, %mul3A_1276 : vector<16xf32>
        %jit3A_1333 = arith.constant 1.000000e+00 : f32
        %broadcast_in_dim3A_1334 = vector.broadcast %jit3A_1333 : f32 to vector<16xf32>
        %select_n3A_1335 = arith.select %eq3A_1279, %broadcast_in_dim3A_1334, %div3A_1332 : vector<16xi1>, vector<16xf32>
        %mul3A_1336 = arith.mulf %get3A_1265, %select_n3A_1335 : vector<16xf32>
        %get3A_1337 = arith.index_cast %add3A_413 : i32 to index
        %get3A_1338 = arith.constant 16 : index
        %get3A_1339 = tpu.vector_load %arg56[%get3A_1337, %get3A_1338] {strides = array<i32>} : memref<128x32xf32, #tpu.memory_space<vmem>>, vector<16xf32>,
        %get3A_1340 = arith.index_cast %add3A_413 : i32 to index
        %get3A_1341 = arith.constant 16 : index
        %get3A_1342 = tpu.vector_load %arg54[%get3A_1340, %get3A_1341] {strides = array<i32>} : memref<128x32xf32, #tpu.memory_space<vmem>>, vector<16xf32>,
        %mul3A_1343 = arith.mulf %get3A_1342, %gather3A_414 : vector<16xf32>
        %get3A_1344 = arith.index_cast %add3A_413 : i32 to index
        %get3A_1345 = arith.constant 16 : index
        %get3A_1346 = tpu.vector_load %arg55[%get3A_1344, %get3A_1345] {strides = array<i32>} : memref<128x32xf32, #tpu.memory_space<vmem>>, vector<16xf32>,
        %add3A_1347 = arith.addf %mul3A_1343, %get3A_1346 : vector<16xf32>
        %mul3A_1348 = arith.constant 3.14159274 : f32
        %mul3A_1349 = vector.broadcast %mul3A_1348 : f32 to vector<16xf32>
        %mul3A_1350 = arith.mulf %add3A_1347, %mul3A_1349 : vector<16xf32>
        %eq3A_1351 = arith.constant 0.000000e+00 : f32
        %eq3A_1352 = vector.broadcast %eq3A_1351 : f32 to vector<16xf32>
        %eq3A_1353 = arith.cmpf oeq, %add3A_1347, %eq3A_1352 : vector<16xf32>
        %mul3A_1354 = arith.constant 0.159154937 : f32
        %mul3A_1355 = vector.broadcast %mul3A_1354 : f32 to vector<16xf32>
        %mul3A_1356 = arith.mulf %mul3A_1350, %mul3A_1355 : vector<16xf32>
        %sign3A_1357 = tpu.bitcast %mul3A_1356 : vector<16xf32> -> vector<16xi32>
        %sign3A_1358 = arith.constant -2147483648 : i32
        %sign3A_1359 = vector.broadcast %sign3A_1358 : i32 to vector<16xi32>
        %sign3A_1360 = arith.andi %sign3A_1357, %sign3A_1359 : vector<16xi32>
        %sign3A_1361 = arith.constant 1065353216 : i32
        %sign3A_1362 = vector.broadcast %sign3A_1361 : i32 to vector<16xi32>
        %sign3A_1363 = arith.ori %sign3A_1362, %sign3A_1360 : vector<16xi32>
        %sign3A_1364 = tpu.bitcast %sign3A_1363 : vector<16xi32> -> vector<16xf32>
        %sign3A_1365 = math.absf %mul3A_1356 : vector<16xf32>
        %sign3A_1366 = arith.constant 0.000000e+00 : f32
        %sign3A_1367 = vector.broadcast %sign3A_1366 : f32 to vector<16xf32>
        %sign3A_1368 = arith.cmpf ogt, %sign3A_1365, %sign3A_1367 : vector<16xf32>
        %sign3A_1369 = arith.select %sign3A_1368, %sign3A_1364, %mul3A_1356 : vector<16xi1>, vector<16xf32>
        %mul3A_1370 = arith.constant 5.000000e-01 : f32
        %mul3A_1371 = vector.broadcast %mul3A_1370 : f32 to vector<16xf32>
        %mul3A_1372 = arith.mulf %mul3A_1371, %sign3A_1369 : vector<16xf32>
        %add3A_1373 = arith.addf %mul3A_1356, %mul3A_1372 : vector<16xf32>
        %convert_element_type3A_1374 = arith.fptosi %add3A_1373 : vector<16xf32> to vector<16xi32>
        %convert_element_type3A_1375 = arith.sitofp %convert_element_type3A_1374 : vector<16xi32> to vector<16xf32>
        %mul3A_1376 = arith.constant 6.28318548 : f32
        %mul3A_1377 = vector.broadcast %mul3A_1376 : f32 to vector<16xf32>
        %mul3A_1378 = arith.mulf %convert_element_type3A_1375, %mul3A_1377 : vector<16xf32>
        %sub3A_1379 = arith.subf %mul3A_1350, %mul3A_1378 : vector<16xf32>
        %mul3A_1380 = arith.mulf %sub3A_1379, %sub3A_1379 : vector<16xf32>
        %mul3A_1381 = arith.constant 1.36012215E-10 : f32
        %mul3A_1382 = vector.broadcast %mul3A_1381 : f32 to vector<16xf32>
        %mul3A_1383 = arith.mulf %mul3A_1382, %mul3A_1380 : vector<16xf32>
        %add3A_1384 = arith.constant -2.47239633E-8 : f32
        %add3A_1385 = vector.broadcast %add3A_1384 : f32 to vector<16xf32>
        %add3A_1386 = arith.addf %mul3A_1383, %add3A_1385 : vector<16xf32>
        %mul3A_1387 = arith.mulf %add3A_1386, %mul3A_1380 : vector<16xf32>
        %add3A_1388 = arith.constant 2.7535159E-6 : f32
        %add3A_1389 = vector.broadcast %add3A_1388 : f32 to vector<16xf32>
        %add3A_1390 = arith.addf %mul3A_1387, %add3A_1389 : vector<16xf32>
        %mul3A_1391 = arith.mulf %add3A_1390, %mul3A_1380 : vector<16xf32>
        %add3A_1392 = arith.constant -1.98404916E-4 : f32
        %add3A_1393 = vector.broadcast %add3A_1392 : f32 to vector<16xf32>
        %add3A_1394 = arith.addf %mul3A_1391, %add3A_1393 : vector<16xf32>
        %mul3A_1395 = arith.mulf %add3A_1394, %mul3A_1380 : vector<16xf32>
        %add3A_1396 = arith.constant 0.00833331979 : f32
        %add3A_1397 = vector.broadcast %add3A_1396 : f32 to vector<16xf32>
        %add3A_1398 = arith.addf %mul3A_1395, %add3A_1397 : vector<16xf32>
        %mul3A_1399 = arith.mulf %add3A_1398, %mul3A_1380 : vector<16xf32>
        %add3A_1400 = arith.constant -0.166666657 : f32
        %add3A_1401 = vector.broadcast %add3A_1400 : f32 to vector<16xf32>
        %add3A_1402 = arith.addf %mul3A_1399, %add3A_1401 : vector<16xf32>
        %mul3A_1403 = arith.mulf %mul3A_1380, %add3A_1402 : vector<16xf32>
        %mul3A_1404 = arith.mulf %sub3A_1379, %mul3A_1403 : vector<16xf32>
        %add3A_1405 = arith.addf %sub3A_1379, %mul3A_1404 : vector<16xf32>
        %div3A_1406 = arith.divf %add3A_1405, %mul3A_1350 : vector<16xf32>
        %jit3A_1407 = arith.constant 1.000000e+00 : f32
        %broadcast_in_dim3A_1408 = vector.broadcast %jit3A_1407 : f32 to vector<16xf32>
        %select_n3A_1409 = arith.select %eq3A_1353, %broadcast_in_dim3A_1408, %div3A_1406 : vector<16xi1>, vector<16xf32>
        %mul3A_1410 = arith.mulf %get3A_1339, %select_n3A_1409 : vector<16xf32>
        %add3A_1411 = arith.addf %mul3A_1336, %mul3A_1410 : vector<16xf32>
        %get3A_1412 = arith.index_cast %add3A_413 : i32 to index
        %get3A_1413 = arith.constant 16 : index
        %get3A_1414 = tpu.vector_load %arg59[%get3A_1412, %get3A_1413] {strides = array<i32>} : memref<128x32xf32, #tpu.memory_space<vmem>>, vector<16xf32>,
        %get3A_1415 = arith.index_cast %add3A_413 : i32 to index
        %get3A_1416 = arith.constant 16 : index
        %get3A_1417 = tpu.vector_load %arg57[%get3A_1415, %get3A_1416] {strides = array<i32>} : memref<128x32xf32, #tpu.memory_space<vmem>>, vector<16xf32>,
        %mul3A_1418 = arith.mulf %get3A_1417, %gather3A_415 : vector<16xf32>
        %get3A_1419 = arith.index_cast %add3A_413 : i32 to index
        %get3A_1420 = arith.constant 16 : index
        %get3A_1421 = tpu.vector_load %arg58[%get3A_1419, %get3A_1420] {strides = array<i32>} : memref<128x32xf32, #tpu.memory_space<vmem>>, vector<16xf32>,
        %add3A_1422 = arith.addf %mul3A_1418, %get3A_1421 : vector<16xf32>
        %mul3A_1423 = arith.constant 3.14159274 : f32
        %mul3A_1424 = vector.broadcast %mul3A_1423 : f32 to vector<16xf32>
        %mul3A_1425 = arith.mulf %add3A_1422, %mul3A_1424 : vector<16xf32>
        %eq3A_1426 = arith.constant 0.000000e+00 : f32
        %eq3A_1427 = vector.broadcast %eq3A_1426 : f32 to vector<16xf32>
        %eq3A_1428 = arith.cmpf oeq, %add3A_1422, %eq3A_1427 : vector<16xf32>
        %mul3A_1429 = arith.constant 0.159154937 : f32
        %mul3A_1430 = vector.broadcast %mul3A_1429 : f32 to vector<16xf32>
        %mul3A_1431 = arith.mulf %mul3A_1425, %mul3A_1430 : vector<16xf32>
        %sign3A_1432 = tpu.bitcast %mul3A_1431 : vector<16xf32> -> vector<16xi32>
        %sign3A_1433 = arith.constant -2147483648 : i32
        %sign3A_1434 = vector.broadcast %sign3A_1433 : i32 to vector<16xi32>
        %sign3A_1435 = arith.andi %sign3A_1432, %sign3A_1434 : vector<16xi32>
        %sign3A_1436 = arith.constant 1065353216 : i32
        %sign3A_1437 = vector.broadcast %sign3A_1436 : i32 to vector<16xi32>
        %sign3A_1438 = arith.ori %sign3A_1437, %sign3A_1435 : vector<16xi32>
        %sign3A_1439 = tpu.bitcast %sign3A_1438 : vector<16xi32> -> vector<16xf32>
        %sign3A_1440 = math.absf %mul3A_1431 : vector<16xf32>
        %sign3A_1441 = arith.constant 0.000000e+00 : f32
        %sign3A_1442 = vector.broadcast %sign3A_1441 : f32 to vector<16xf32>
        %sign3A_1443 = arith.cmpf ogt, %sign3A_1440, %sign3A_1442 : vector<16xf32>
        %sign3A_1444 = arith.select %sign3A_1443, %sign3A_1439, %mul3A_1431 : vector<16xi1>, vector<16xf32>
        %mul3A_1445 = arith.constant 5.000000e-01 : f32
        %mul3A_1446 = vector.broadcast %mul3A_1445 : f32 to vector<16xf32>
        %mul3A_1447 = arith.mulf %mul3A_1446, %sign3A_1444 : vector<16xf32>
        %add3A_1448 = arith.addf %mul3A_1431, %mul3A_1447 : vector<16xf32>
        %convert_element_type3A_1449 = arith.fptosi %add3A_1448 : vector<16xf32> to vector<16xi32>
        %convert_element_type3A_1450 = arith.sitofp %convert_element_type3A_1449 : vector<16xi32> to vector<16xf32>
        %mul3A_1451 = arith.constant 6.28318548 : f32
        %mul3A_1452 = vector.broadcast %mul3A_1451 : f32 to vector<16xf32>
        %mul3A_1453 = arith.mulf %convert_element_type3A_1450, %mul3A_1452 : vector<16xf32>
        %sub3A_1454 = arith.subf %mul3A_1425, %mul3A_1453 : vector<16xf32>
        %mul3A_1455 = arith.mulf %sub3A_1454, %sub3A_1454 : vector<16xf32>
        %mul3A_1456 = arith.constant 1.36012215E-10 : f32
        %mul3A_1457 = vector.broadcast %mul3A_1456 : f32 to vector<16xf32>
        %mul3A_1458 = arith.mulf %mul3A_1457, %mul3A_1455 : vector<16xf32>
        %add3A_1459 = arith.constant -2.47239633E-8 : f32
        %add3A_1460 = vector.broadcast %add3A_1459 : f32 to vector<16xf32>
        %add3A_1461 = arith.addf %mul3A_1458, %add3A_1460 : vector<16xf32>
        %mul3A_1462 = arith.mulf %add3A_1461, %mul3A_1455 : vector<16xf32>
        %add3A_1463 = arith.constant 2.7535159E-6 : f32
        %add3A_1464 = vector.broadcast %add3A_1463 : f32 to vector<16xf32>
        %add3A_1465 = arith.addf %mul3A_1462, %add3A_1464 : vector<16xf32>
        %mul3A_1466 = arith.mulf %add3A_1465, %mul3A_1455 : vector<16xf32>
        %add3A_1467 = arith.constant -1.98404916E-4 : f32
        %add3A_1468 = vector.broadcast %add3A_1467 : f32 to vector<16xf32>
        %add3A_1469 = arith.addf %mul3A_1466, %add3A_1468 : vector<16xf32>
        %mul3A_1470 = arith.mulf %add3A_1469, %mul3A_1455 : vector<16xf32>
        %add3A_1471 = arith.constant 0.00833331979 : f32
        %add3A_1472 = vector.broadcast %add3A_1471 : f32 to vector<16xf32>
        %add3A_1473 = arith.addf %mul3A_1470, %add3A_1472 : vector<16xf32>
        %mul3A_1474 = arith.mulf %add3A_1473, %mul3A_1455 : vector<16xf32>
        %add3A_1475 = arith.constant -0.166666657 : f32
        %add3A_1476 = vector.broadcast %add3A_1475 : f32 to vector<16xf32>
        %add3A_1477 = arith.addf %mul3A_1474, %add3A_1476 : vector<16xf32>
        %mul3A_1478 = arith.mulf %mul3A_1455, %add3A_1477 : vector<16xf32>
        %mul3A_1479 = arith.mulf %sub3A_1454, %mul3A_1478 : vector<16xf32>
        %add3A_1480 = arith.addf %sub3A_1454, %mul3A_1479 : vector<16xf32>
        %div3A_1481 = arith.divf %add3A_1480, %mul3A_1425 : vector<16xf32>
        %jit3A_1482 = arith.constant 1.000000e+00 : f32
        %broadcast_in_dim3A_1483 = vector.broadcast %jit3A_1482 : f32 to vector<16xf32>
        %select_n3A_1484 = arith.select %eq3A_1428, %broadcast_in_dim3A_1483, %div3A_1481 : vector<16xi1>, vector<16xf32>
        %mul3A_1485 = arith.mulf %get3A_1414, %select_n3A_1484 : vector<16xf32>
        %add3A_1486 = arith.addf %add3A_1411, %mul3A_1485 : vector<16xf32>
        %get3A_1487 = arith.index_cast %add3A_413 : i32 to index
        %get3A_1488 = arith.constant 16 : index
        %get3A_1489 = tpu.vector_load %arg38[%get3A_1487, %get3A_1488] {strides = array<i32>} : memref<128x32xf32, #tpu.memory_space<vmem>>, vector<16xf32>,
        %get3A_1490 = arith.index_cast %add3A_413 : i32 to index
        %get3A_1491 = arith.constant 16 : index
        %get3A_1492 = tpu.vector_load %arg60[%get3A_1490, %get3A_1491] {strides = array<i32>} : memref<128x64xf32, #tpu.memory_space<vmem>>, vector<16xf32>,
        %add3A_1493 = arith.addf %get3A_1489, %get3A_1492 : vector<16xf32>
        %get3A_1494 = arith.index_cast %add3A_413 : i32 to index
        %get3A_1495 = arith.constant 16 : index
        %get3A_1496 = tpu.vector_load %arg41[%get3A_1494, %get3A_1495] {strides = array<i32>} : memref<128x32xf32, #tpu.memory_space<vmem>>, vector<16xf32>,
        %sub3A_1497 = arith.subf %add3A_1493, %get3A_1496 : vector<16xf32>
        %mul3A_1498 = arith.constant 8.37758064 : f32
        %mul3A_1499 = vector.broadcast %mul3A_1498 : f32 to vector<16xf32>
        %mul3A_1500 = arith.mulf %sub3A_1497, %mul3A_1499 : vector<16xf32>
        %get3A_1501 = arith.index_cast %add3A_413 : i32 to index
        %get3A_1502 = arith.constant 48 : index
        %get3A_1503 = tpu.vector_load %arg60[%get3A_1501, %get3A_1502] {strides = array<i32>} : memref<128x64xf32, #tpu.memory_space<vmem>>, vector<16xf32>,
        %add3A_1504 = arith.addf %add3A_1262, %get3A_1503 : vector<16xf32>
        %sub3A_1505 = arith.subf %add3A_1504, %add3A_1486 : vector<16xf32>
        %mul3A_1506 = arith.constant 8.37758064 : f32
        %mul3A_1507 = vector.broadcast %mul3A_1506 : f32 to vector<16xf32>
        %mul3A_1508 = arith.mulf %sub3A_1505, %mul3A_1507 : vector<16xf32>
        %mul3A_1509 = arith.constant 0.159154937 : f32
        %mul3A_1510 = vector.broadcast %mul3A_1509 : f32 to vector<16xf32>
        %mul3A_1511 = arith.mulf %mul3A_1500, %mul3A_1510 : vector<16xf32>
        %sign3A_1512 = tpu.bitcast %mul3A_1511 : vector<16xf32> -> vector<16xi32>
        %sign3A_1513 = arith.constant -2147483648 : i32
        %sign3A_1514 = vector.broadcast %sign3A_1513 : i32 to vector<16xi32>
        %sign3A_1515 = arith.andi %sign3A_1512, %sign3A_1514 : vector<16xi32>
        %sign3A_1516 = arith.constant 1065353216 : i32
        %sign3A_1517 = vector.broadcast %sign3A_1516 : i32 to vector<16xi32>
        %sign3A_1518 = arith.ori %sign3A_1517, %sign3A_1515 : vector<16xi32>
        %sign3A_1519 = tpu.bitcast %sign3A_1518 : vector<16xi32> -> vector<16xf32>
        %sign3A_1520 = math.absf %mul3A_1511 : vector<16xf32>
        %sign3A_1521 = arith.constant 0.000000e+00 : f32
        %sign3A_1522 = vector.broadcast %sign3A_1521 : f32 to vector<16xf32>
        %sign3A_1523 = arith.cmpf ogt, %sign3A_1520, %sign3A_1522 : vector<16xf32>
        %sign3A_1524 = arith.select %sign3A_1523, %sign3A_1519, %mul3A_1511 : vector<16xi1>, vector<16xf32>
        %mul3A_1525 = arith.constant 5.000000e-01 : f32
        %mul3A_1526 = vector.broadcast %mul3A_1525 : f32 to vector<16xf32>
        %mul3A_1527 = arith.mulf %mul3A_1526, %sign3A_1524 : vector<16xf32>
        %add3A_1528 = arith.addf %mul3A_1511, %mul3A_1527 : vector<16xf32>
        %convert_element_type3A_1529 = arith.fptosi %add3A_1528 : vector<16xf32> to vector<16xi32>
        %convert_element_type3A_1530 = arith.sitofp %convert_element_type3A_1529 : vector<16xi32> to vector<16xf32>
        %mul3A_1531 = arith.constant 6.28318548 : f32
        %mul3A_1532 = vector.broadcast %mul3A_1531 : f32 to vector<16xf32>
        %mul3A_1533 = arith.mulf %convert_element_type3A_1530, %mul3A_1532 : vector<16xf32>
        %sub3A_1534 = arith.subf %mul3A_1500, %mul3A_1533 : vector<16xf32>
        %mul3A_1535 = arith.mulf %sub3A_1534, %sub3A_1534 : vector<16xf32>
        %mul3A_1536 = arith.constant 1.36012215E-10 : f32
        %mul3A_1537 = vector.broadcast %mul3A_1536 : f32 to vector<16xf32>
        %mul3A_1538 = arith.mulf %mul3A_1537, %mul3A_1535 : vector<16xf32>
        %add3A_1539 = arith.constant -2.47239633E-8 : f32
        %add3A_1540 = vector.broadcast %add3A_1539 : f32 to vector<16xf32>
        %add3A_1541 = arith.addf %mul3A_1538, %add3A_1540 : vector<16xf32>
        %mul3A_1542 = arith.mulf %add3A_1541, %mul3A_1535 : vector<16xf32>
        %add3A_1543 = arith.constant 2.7535159E-6 : f32
        %add3A_1544 = vector.broadcast %add3A_1543 : f32 to vector<16xf32>
        %add3A_1545 = arith.addf %mul3A_1542, %add3A_1544 : vector<16xf32>
        %mul3A_1546 = arith.mulf %add3A_1545, %mul3A_1535 : vector<16xf32>
        %add3A_1547 = arith.constant -1.98404916E-4 : f32
        %add3A_1548 = vector.broadcast %add3A_1547 : f32 to vector<16xf32>
        %add3A_1549 = arith.addf %mul3A_1546, %add3A_1548 : vector<16xf32>
        %mul3A_1550 = arith.mulf %add3A_1549, %mul3A_1535 : vector<16xf32>
        %add3A_1551 = arith.constant 0.00833331979 : f32
        %add3A_1552 = vector.broadcast %add3A_1551 : f32 to vector<16xf32>
        %add3A_1553 = arith.addf %mul3A_1550, %add3A_1552 : vector<16xf32>
        %mul3A_1554 = arith.mulf %add3A_1553, %mul3A_1535 : vector<16xf32>
        %add3A_1555 = arith.constant -0.166666657 : f32
        %add3A_1556 = vector.broadcast %add3A_1555 : f32 to vector<16xf32>
        %add3A_1557 = arith.addf %mul3A_1554, %add3A_1556 : vector<16xf32>
        %mul3A_1558 = arith.mulf %mul3A_1535, %add3A_1557 : vector<16xf32>
        %mul3A_1559 = arith.mulf %sub3A_1534, %mul3A_1558 : vector<16xf32>
        %add3A_1560 = arith.addf %sub3A_1534, %mul3A_1559 : vector<16xf32>
        %abs3A_1561 = math.absf %add3A_1560 : vector<16xf32>
        %add3A_1562 = arith.addf %add3A_989, %abs3A_1561 : vector<16xf32>
        %mul3A_1563 = arith.constant 0.159154937 : f32
        %mul3A_1564 = vector.broadcast %mul3A_1563 : f32 to vector<16xf32>
        %mul3A_1565 = arith.mulf %mul3A_1508, %mul3A_1564 : vector<16xf32>
        %sign3A_1566 = tpu.bitcast %mul3A_1565 : vector<16xf32> -> vector<16xi32>
        %sign3A_1567 = arith.constant -2147483648 : i32
        %sign3A_1568 = vector.broadcast %sign3A_1567 : i32 to vector<16xi32>
        %sign3A_1569 = arith.andi %sign3A_1566, %sign3A_1568 : vector<16xi32>
        %sign3A_1570 = arith.constant 1065353216 : i32
        %sign3A_1571 = vector.broadcast %sign3A_1570 : i32 to vector<16xi32>
        %sign3A_1572 = arith.ori %sign3A_1571, %sign3A_1569 : vector<16xi32>
        %sign3A_1573 = tpu.bitcast %sign3A_1572 : vector<16xi32> -> vector<16xf32>
        %sign3A_1574 = math.absf %mul3A_1565 : vector<16xf32>
        %sign3A_1575 = arith.constant 0.000000e+00 : f32
        %sign3A_1576 = vector.broadcast %sign3A_1575 : f32 to vector<16xf32>
        %sign3A_1577 = arith.cmpf ogt, %sign3A_1574, %sign3A_1576 : vector<16xf32>
        %sign3A_1578 = arith.select %sign3A_1577, %sign3A_1573, %mul3A_1565 : vector<16xi1>, vector<16xf32>
        %mul3A_1579 = arith.constant 5.000000e-01 : f32
        %mul3A_1580 = vector.broadcast %mul3A_1579 : f32 to vector<16xf32>
        %mul3A_1581 = arith.mulf %mul3A_1580, %sign3A_1578 : vector<16xf32>
        %add3A_1582 = arith.addf %mul3A_1565, %mul3A_1581 : vector<16xf32>
        %convert_element_type3A_1583 = arith.fptosi %add3A_1582 : vector<16xf32> to vector<16xi32>
        %convert_element_type3A_1584 = arith.sitofp %convert_element_type3A_1583 : vector<16xi32> to vector<16xf32>
        %mul3A_1585 = arith.constant 6.28318548 : f32
        %mul3A_1586 = vector.broadcast %mul3A_1585 : f32 to vector<16xf32>
        %mul3A_1587 = arith.mulf %convert_element_type3A_1584, %mul3A_1586 : vector<16xf32>
        %sub3A_1588 = arith.subf %mul3A_1508, %mul3A_1587 : vector<16xf32>
        %mul3A_1589 = arith.mulf %sub3A_1588, %sub3A_1588 : vector<16xf32>
        %mul3A_1590 = arith.constant 1.36012215E-10 : f32
        %mul3A_1591 = vector.broadcast %mul3A_1590 : f32 to vector<16xf32>
        %mul3A_1592 = arith.mulf %mul3A_1591, %mul3A_1589 : vector<16xf32>
        %add3A_1593 = arith.constant -2.47239633E-8 : f32
        %add3A_1594 = vector.broadcast %add3A_1593 : f32 to vector<16xf32>
        %add3A_1595 = arith.addf %mul3A_1592, %add3A_1594 : vector<16xf32>
        %mul3A_1596 = arith.mulf %add3A_1595, %mul3A_1589 : vector<16xf32>
        %add3A_1597 = arith.constant 2.7535159E-6 : f32
        %add3A_1598 = vector.broadcast %add3A_1597 : f32 to vector<16xf32>
        %add3A_1599 = arith.addf %mul3A_1596, %add3A_1598 : vector<16xf32>
        %mul3A_1600 = arith.mulf %add3A_1599, %mul3A_1589 : vector<16xf32>
        %add3A_1601 = arith.constant -1.98404916E-4 : f32
        %add3A_1602 = vector.broadcast %add3A_1601 : f32 to vector<16xf32>
        %add3A_1603 = arith.addf %mul3A_1600, %add3A_1602 : vector<16xf32>
        %mul3A_1604 = arith.mulf %add3A_1603, %mul3A_1589 : vector<16xf32>
        %add3A_1605 = arith.constant 0.00833331979 : f32
        %add3A_1606 = vector.broadcast %add3A_1605 : f32 to vector<16xf32>
        %add3A_1607 = arith.addf %mul3A_1604, %add3A_1606 : vector<16xf32>
        %mul3A_1608 = arith.mulf %add3A_1607, %mul3A_1589 : vector<16xf32>
        %add3A_1609 = arith.constant -0.166666657 : f32
        %add3A_1610 = vector.broadcast %add3A_1609 : f32 to vector<16xf32>
        %add3A_1611 = arith.addf %mul3A_1608, %add3A_1610 : vector<16xf32>
        %mul3A_1612 = arith.mulf %mul3A_1589, %add3A_1611 : vector<16xf32>
        %mul3A_1613 = arith.mulf %sub3A_1588, %mul3A_1612 : vector<16xf32>
        %add3A_1614 = arith.addf %sub3A_1588, %mul3A_1613 : vector<16xf32>
        %abs3A_1615 = math.absf %add3A_1614 : vector<16xf32>
        %add3A_1616 = arith.addf %add3A_1562, %abs3A_1615 : vector<16xf32>
        %get3A_1617 = arith.index_cast %add3A_413 : i32 to index
        %get3A_1618 = arith.constant 16 : index
        %get3A_1619 = tpu.vector_load %arg61[%get3A_1617, %get3A_1618] {strides = array<i32>} : memref<128x64xf32, #tpu.memory_space<vmem>>, vector<16xf32>,
        %abs3A_1620 = math.absf %get3A_1619 : vector<16xf32>
        %get3A_1621 = arith.index_cast %add3A_413 : i32 to index
        %get3A_1622 = arith.constant 16 : index
        %get3A_1623 = tpu.vector_load %arg62[%get3A_1621, %get3A_1622] {strides = array<i32>} : memref<128x64xf32, #tpu.memory_space<vmem>>, vector<16xf32>,
        %min3A_1624 = arith.constant 1.000000e+00 : f32
        %min3A_1625 = vector.broadcast %min3A_1624 : f32 to vector<16xf32>
        %min3A_1626 = arith.minimumf %get3A_1623, %min3A_1625 : vector<16xf32>
        %neg3A_1627 = arith.constant 0.000000e+00 : f32
        %neg3A_1628 = vector.broadcast %neg3A_1627 : f32 to vector<16xf32>
        %neg3A_1629 = arith.subf %neg3A_1628, %abs3A_1620 : vector<16xf32>
        %max3A_1630 = arith.maximumf %min3A_1626, %neg3A_1629 : vector<16xf32>
        %get3A_1631 = arith.index_cast %add3A_413 : i32 to index
        %get3A_1632 = arith.constant 16 : index
        %get3A_1633 = tpu.vector_load %arg40[%get3A_1631, %get3A_1632] {strides = array<i32>} : memref<128x32xf32, #tpu.memory_space<vmem>>, vector<16xf32>,
        %add3A_1634 = arith.addf %abs3A_1620, %max3A_1630 : vector<16xf32>
        %mul3A_1635 = arith.mulf %get3A_1633, %add3A_1634 : vector<16xf32>
        %get3A_1636 = arith.index_cast %add3A_413 : i32 to index
        %get3A_1637 = arith.constant 16 : index
        %get3A_1638 = tpu.vector_load %arg39[%get3A_1636, %get3A_1637] {strides = array<i32>} : memref<128x32xf32, #tpu.memory_space<vmem>>, vector<16xf32>,
        %sub3A_1639 = arith.constant 1.000000e+00 : f32
        %sub3A_1640 = vector.broadcast %sub3A_1639 : f32 to vector<16xf32>
        %sub3A_1641 = arith.subf %sub3A_1640, %max3A_1630 : vector<16xf32>
        %mul3A_1642 = arith.mulf %get3A_1638, %sub3A_1641 : vector<16xf32>
        %sub3A_1643 = arith.subf %mul3A_1635, %mul3A_1642 : vector<16xf32>
        %get3A_1644 = arith.index_cast %add3A_413 : i32 to index
        %get3A_1645 = arith.constant 48 : index
        %get3A_1646 = tpu.vector_load %arg61[%get3A_1644, %get3A_1645] {strides = array<i32>} : memref<128x64xf32, #tpu.memory_space<vmem>>, vector<16xf32>,
        %abs3A_1647 = math.absf %get3A_1646 : vector<16xf32>
        %get3A_1648 = arith.index_cast %add3A_413 : i32 to index
        %get3A_1649 = arith.constant 48 : index
        %get3A_1650 = tpu.vector_load %arg62[%get3A_1648, %get3A_1649] {strides = array<i32>} : memref<128x64xf32, #tpu.memory_space<vmem>>, vector<16xf32>,
        %min3A_1651 = arith.constant 1.000000e+00 : f32
        %min3A_1652 = vector.broadcast %min3A_1651 : f32 to vector<16xf32>
        %min3A_1653 = arith.minimumf %get3A_1650, %min3A_1652 : vector<16xf32>
        %neg3A_1654 = arith.constant 0.000000e+00 : f32
        %neg3A_1655 = vector.broadcast %neg3A_1654 : f32 to vector<16xf32>
        %neg3A_1656 = arith.subf %neg3A_1655, %abs3A_1647 : vector<16xf32>
        %max3A_1657 = arith.maximumf %min3A_1653, %neg3A_1656 : vector<16xf32>
        %add3A_1658 = arith.addf %abs3A_1647, %max3A_1657 : vector<16xf32>
        %mul3A_1659 = arith.mulf %add3A_1262, %add3A_1658 : vector<16xf32>
        %sub3A_1660 = arith.constant 1.000000e+00 : f32
        %sub3A_1661 = vector.broadcast %sub3A_1660 : f32 to vector<16xf32>
        %sub3A_1662 = arith.subf %sub3A_1661, %max3A_1657 : vector<16xf32>
        %mul3A_1663 = arith.mulf %add3A_1486, %sub3A_1662 : vector<16xf32>
        %sub3A_1664 = arith.subf %mul3A_1659, %mul3A_1663 : vector<16xf32>
        %mul3A_1665 = arith.mulf %sub3A_1643, %sub3A_1643 : vector<16xf32>
        %add3A_1666 = arith.addf %add3A_1038, %mul3A_1665 : vector<16xf32>
        %mul3A_1667 = arith.mulf %sub3A_1664, %sub3A_1664 : vector<16xf32>
        %add3A_1668 = arith.addf %add3A_1666, %mul3A_1667 : vector<16xf32>
        %mul3A_1669 = arith.constant 16 : i32
        %mul3A_1670 = arith.muli %scan3A_411, %mul3A_1669 : i32
        %multiple_of3A = tpu.assume_multiple %mul3A_1670, 16 : i32
        %swap3A = arith.index_cast %multiple_of3A : i32 to index
        %swap3A_1671 = tpu.vector_load %arg63[%swap3A] {strides = array<i32>} : memref<1024xf32, #tpu.memory_space<vmem>>, vector<16xf32>,
        tpu.vector_store %arg63[%swap3A], %add3A_1616 {strides = array<i32>} : memref<1024xf32, #tpu.memory_space<vmem>>, vector<16xf32>,
        %swap3A_1672 = arith.index_cast %multiple_of3A : i32 to index
        %swap3A_1673 = tpu.vector_load %arg64[%swap3A_1672] {strides = array<i32>} : memref<1024xf32, #tpu.memory_space<vmem>>, vector<16xf32>,
        tpu.vector_store %arg64[%swap3A_1672], %add3A_1668 {strides = array<i32>} : memref<1024xf32, #tpu.memory_space<vmem>>, vector<16xf32>,
      }
      %scan3A_404 = arith.constant 64 : i32
      %iota3A = tpu.iota {dimensions = array<i32: 0>} : vector<16xi32>
      %scan3A_405 = arith.constant 0 : i32
      %scan3A_406 = arith.constant 0 : i32
      %scan3A_407 = arith.constant 4 : i32
      %scan3A_408 = arith.addi %scan3A_406, %scan3A_407 : i32
      %scan3A_409 = arith.constant 1 : i32
      scf.for %scan3A_411 = %scan3A_406 to %scan3A_408 step %scan3A_409  : i32 {
        %broadcast_in_dim3A = arith.constant 0.000000e+00 : f32
        %broadcast_in_dim3A_412 = vector.broadcast %broadcast_in_dim3A : f32 to vector<16xf32>
        %broadcast_in_dim3A_413 = arith.constant 0.000000e+00 : f32
        %broadcast_in_dim3A_414 = vector.broadcast %broadcast_in_dim3A_413 : f32 to vector<16xf32>
        %scan3A_415 = arith.constant 0 : i32
        %scan3A_416 = arith.constant 16 : i32
        %scan3A_417 = arith.addi %scan3A_415, %scan3A_416 : i32
        %scan3A_418 = arith.constant 1 : i32
        %scan3A_419:2 = scf.for %scan3A_468 = %scan3A_415 to %scan3A_417 step %scan3A_418 iter_args(%scan3A_469 = %broadcast_in_dim3A_412, %scan3A_470 = %broadcast_in_dim3A_414) -> (vector<16xf32>, vector<16xf32>)  : i32 {
          %mul3A_471 = arith.constant 16 : i32
          %mul3A_472 = arith.muli %scan3A_411, %mul3A_471 : i32
          %add3A_473 = vector.broadcast %mul3A_472 : i32 to vector<16xi32>
          %add3A_474 = arith.addi %iota3A, %add3A_473 : vector<16xi32>
          %mul3A_475 = arith.constant 16 : i32
          %mul3A_476 = vector.broadcast %mul3A_475 : i32 to vector<16xi32>
          %mul3A_477 = arith.muli %add3A_474, %mul3A_476 : vector<16xi32>
          %add3A_478 = vector.broadcast %scan3A_468 : i32 to vector<16xi32>
          %add3A_479 = arith.addi %mul3A_477, %add3A_478 : vector<16xi32>
          %gather3A = tpu.vector_load_idx %arg63[%add3A_479] : memref<1024xf32, #tpu.memory_space<vmem>>[vector<16xi32>], vector<16xf32>,
          %add3A_480 = arith.addf %scan3A_469, %gather3A : vector<16xf32>
          %gather3A_481 = tpu.vector_load_idx %arg64[%add3A_479] : memref<1024xf32, #tpu.memory_space<vmem>>[vector<16xi32>], vector<16xf32>,
          %add3A_482 = arith.addf %scan3A_470, %gather3A_481 : vector<16xf32>
          scf.yield %add3A_480, %add3A_482 : vector<16xf32>, vector<16xf32>
        }
        %scan3A_420 = arith.constant 16 : i32
        %mul3A_421 = arith.constant 5.000000e-01 : f32
        %mul3A_422 = vector.broadcast %mul3A_421 : f32 to vector<16xf32>
        %mul3A_423 = arith.mulf %mul3A_422, %scan3A_419#0 : vector<16xf32>
        %bitcast_convert_type3A = tpu.bitcast %scan3A_419#1 : vector<16xf32> -> vector<16xi32>
        %shift_right_logical3A = arith.constant 1 : i32
        %shift_right_logical3A_424 = vector.broadcast %shift_right_logical3A : i32 to vector<16xi32>
        %shift_right_logical3A_425 = arith.shrui %bitcast_convert_type3A, %shift_right_logical3A_424 : vector<16xi32>
        %sub3A = arith.constant 1597463007 : i32
        %sub3A_426 = vector.broadcast %sub3A : i32 to vector<16xi32>
        %sub3A_427 = arith.subi %sub3A_426, %shift_right_logical3A_425 : vector<16xi32>
        %bitcast_convert_type3A_428 = tpu.bitcast %sub3A_427 : vector<16xi32> -> vector<16xf32>
        %mul3A_429 = arith.constant 5.000000e-01 : f32
        %mul3A_430 = vector.broadcast %mul3A_429 : f32 to vector<16xf32>
        %mul3A_431 = arith.mulf %mul3A_430, %scan3A_419#1 : vector<16xf32>
        %mul3A_432 = arith.mulf %mul3A_431, %bitcast_convert_type3A_428 : vector<16xf32>
        %mul3A_433 = arith.mulf %mul3A_432, %bitcast_convert_type3A_428 : vector<16xf32>
        %sub3A_434 = arith.constant 1.500000e+00 : f32
        %sub3A_435 = vector.broadcast %sub3A_434 : f32 to vector<16xf32>
        %sub3A_436 = arith.subf %sub3A_435, %mul3A_433 : vector<16xf32>
        %mul3A_437 = arith.mulf %bitcast_convert_type3A_428, %sub3A_436 : vector<16xf32>
        %mul3A_438 = arith.constant 5.000000e-01 : f32
        %mul3A_439 = vector.broadcast %mul3A_438 : f32 to vector<16xf32>
        %mul3A_440 = arith.mulf %mul3A_439, %scan3A_419#1 : vector<16xf32>
        %mul3A_441 = arith.mulf %mul3A_440, %mul3A_437 : vector<16xf32>
        %mul3A_442 = arith.mulf %mul3A_441, %mul3A_437 : vector<16xf32>
        %sub3A_443 = arith.constant 1.500000e+00 : f32
        %sub3A_444 = vector.broadcast %sub3A_443 : f32 to vector<16xf32>
        %sub3A_445 = arith.subf %sub3A_444, %mul3A_442 : vector<16xf32>
        %mul3A_446 = arith.mulf %mul3A_437, %sub3A_445 : vector<16xf32>
        %mul3A_447 = arith.constant 5.000000e-01 : f32
        %mul3A_448 = vector.broadcast %mul3A_447 : f32 to vector<16xf32>
        %mul3A_449 = arith.mulf %mul3A_448, %scan3A_419#1 : vector<16xf32>
        %mul3A_450 = arith.mulf %mul3A_449, %mul3A_446 : vector<16xf32>
        %mul3A_451 = arith.mulf %mul3A_450, %mul3A_446 : vector<16xf32>
        %sub3A_452 = arith.constant 1.500000e+00 : f32
        %sub3A_453 = vector.broadcast %sub3A_452 : f32 to vector<16xf32>
        %sub3A_454 = arith.subf %sub3A_453, %mul3A_451 : vector<16xf32>
        %mul3A_455 = arith.mulf %mul3A_446, %sub3A_454 : vector<16xf32>
        %gt3A = arith.constant 0.000000e+00 : f32
        %gt3A_456 = vector.broadcast %gt3A : f32 to vector<16xf32>
        %gt3A_457 = arith.cmpf ogt, %scan3A_419#1, %gt3A_456 : vector<16xf32>
        %mul3A_458 = arith.mulf %scan3A_419#1, %mul3A_455 : vector<16xf32>
        %jit3A = arith.constant 0.000000e+00 : f32
        %broadcast_in_dim3A_459 = vector.broadcast %jit3A : f32 to vector<16xf32>
        %select_n3A = arith.select %gt3A_457, %mul3A_458, %broadcast_in_dim3A_459 : vector<16xi1>, vector<16xf32>
        %add3A_460 = arith.addf %mul3A_423, %select_n3A : vector<16xf32>
        %sub3A_461 = arith.constant 1.200000e+01 : f32
        %sub3A_462 = vector.broadcast %sub3A_461 : f32 to vector<16xf32>
        %sub3A_463 = arith.subf %sub3A_462, %add3A_460 : vector<16xf32>
        %mul3A_464 = arith.constant 16 : i32
        %mul3A_465 = arith.muli %scan3A_411, %mul3A_464 : i32
        %add3A_466 = arith.addi %mul3A_215, %mul3A_465 : i32
        %swap3A = arith.index_cast %add3A_466 : i32 to index
        %swap3A_467 = tpu.vector_load %arg65[%swap3A] {strides = array<i32>} : memref<512xf32, #tpu.memory_space<vmem>>, vector<16xf32>,
        tpu.vector_store %arg65[%swap3A], %sub3A_463 {strides = array<i32>} : memref<512xf32, #tpu.memory_space<vmem>>, vector<16xf32>,
      }
      %scan3A_410 = arith.constant 4 : i32
    }
    %scan3A_212 = arith.constant 8 : i32
    "tpu.region"() ({
      %run_scoped3A = tpu.sem_alloc : memref<!tpu.dma_semaphore, #tpu.memory_space<semaphore_mem>>
      %dma_start3A_213 = tpu.memref_slice %arg31[%mul3A_2] : memref<16384xf32, #tpu.memory_space<hbm>> -> memref<512xf32, #tpu.memory_space<hbm>>
      %dma_start3A_214 = tpu.memref_slice %arg31[%mul3A_2] : memref<16384xf32, #tpu.memory_space<hbm>> -> memref<512xf32, #tpu.memory_space<hbm>>
      tpu.enqueue_dma source(%arg65 : memref<512xf32, #tpu.memory_space<vmem>>) target(%dma_start3A_214 : memref<512xf32, #tpu.memory_space<hbm>>) target_semaphore(%run_scoped3A : memref<!tpu.dma_semaphore, #tpu.memory_space<semaphore_mem>>)
      %dma_wait3A = tpu.memref_slice %arg31[%mul3A_2] : memref<16384xf32, #tpu.memory_space<hbm>> -> memref<512xf32, #tpu.memory_space<hbm>>
      %dma_wait3A_215 = tpu.memref_slice %arg31[%mul3A_2] : memref<16384xf32, #tpu.memory_space<hbm>> -> memref<512xf32, #tpu.memory_space<hbm>>
      tpu.wait_dma2 semaphore(%run_scoped3A : memref<!tpu.dma_semaphore, #tpu.memory_space<semaphore_mem>>) src(%arg65 : memref<512xf32, #tpu.memory_space<vmem>>) dst(%dma_wait3A_215 : memref<512xf32, #tpu.memory_space<hbm>>)
      tpu.yield
    }) : () -> ()
    return
  }
}

</mosaic_0001>

<sc_bundles>
// kernel: kernel.3.cloned.1.call-start
scs
__scs_entry_jumppad:
0x0: {  	(pc) =	sbr.rel $0x88, $3  }
0x1: {  	(tag) =	ssettag $0x0;
	lr =	simm.s32 $0x1  }
0x2: {  	[smem:$0x3F84] =	sst lr;
	_ =	strace $0xD0000000  }
0x3: {  	_ = 	snop  }
0x4: {  	_ = 	snop  }
0x5: {  	_ = 	snop  }
0x6: {  	_ = 	snop  }
0x7: {  	_ = 	snop  }
__scs_overlays_trampoline_lowered:
0x8: {  	[smem:$0x3F93] =	sst s0  }
0x9: {  	[smem:$0x3F94] =	sst s1  }
0xa: {  	[smem:$0x3F95] =	sst s2  }
0xb: {  	[smem:$0x3F96] =	sst s3  }
0xc: {  	[smem:$0x3F97] =	sst s4  }
0xd: {  	[smem:$0x3F98] =	sst s5  }
0xe: {  	[smem:$0x3F99] =	sst s6  }
0xf: {  	[smem:$0x3F9A] =	sst s7  }
0x10: {  	[smem:$0x3F9B] =	sst s8  }
0x11: {  	[smem:$0x3F9C] =	sst s9;
	s0 =	simm.s32 @!p0 $0x0  }
0x12: {  	s1 =	sld [smem:$0x3F82];
	s0 =	simm.s32 @p0 $0x1  }
0x13: {  	[smem:$0x3F9D] =	sst s0;
	s0 =	simm.s32 @!p1 $0x0  }
0x14: {  	s2 =	sld [smem:$0x3F81];
	s0 =	simm.s32 @p1 $0x1  }
0x15: {  	[smem:$0x3F9E] =	sst s0;
	s0 =	simm.s32 @!p2 $0x0  }
0x16: {  	s3 =	sld [smem:$0x3FDB];
	s0 =	simm.s32 @p2 $0x1  }
0x17: {  	s4 =	simm.s32 $0x1BF5;
	[smem:$0x3FA0] =	sst s0  }
0x18: {  	s0 =	sld [smem:$0x3F83];
	_ =	swait.ge [sflag:s4], $0x0  }
0x19: {  	s7 =	sld [smem:$0x3F84]  }
0x1a: {  	s8 =	sadd.s32 $0xFFFFE003, lr  }
0x1b: {  	s9 =	sadd.s32 $0xFFFFFEF7, lr;
	s5 =	simm.s32 $0xFFFFFFFF;
	p2 =	slt.u32 s8, $0xFFFFF086  }
0x1c: {  	p1 =	slt.u32 s9, $0xF7A;
	s5 =	simm.s32 @!p2 $0x0  }
0x1d: {  	s5 =	simm.s32 @p1 $0x1;
	p0 =	seq.s32 s7, s2  }
0x1e: {  	s7 =	smul.u32 @!p0 $0xF7A, s2;
	p2 =	seq.s32 @!p0 s5, $0x0  }
0x1f: {  	s9 =	smul.u32 $0xF7A, s1;
	s8 =	simm.s32 @!p0 $0x1BF5;
	p2 =	por !p2, p0  }
0x20: {  	[sflag:s8] =	ssyncset.s32 @!p0 $0xFFFFF086;
	s6 =	sadd.s32 @!p0 s3, s7;
	s7 =	simm.s32 @!p0 $0x108  }
0x21: {  	s3 =	sadd.s32 s3, s9;
	s6 =	sadd.s32 @!p0 $0x88, s6;
	s7 =	simm.s32 @p2 $0x1082  }
0x22: {  	[simem:s7], [sflag:s8] =	dma.local @!p0 [hbm:s6], $0xF7A  }
0x23: {  	s9 =	sor.u32 $0xD0000000, s2;
	s6 =	simm.s32 $0x108;
	_ =	swait.ge @!p0 [sflag:s8], $0x0  }
0x24: {  	s3 =	sadd.s32 $0x88, s3;
	s6 =	simm.s32 @!p1 $0x1082;
	[sflag:s4] =	ssyncset.s32 $0xFFFFF086  }
0x25: {  	[simem:s6], [sflag:s4] =	dma.local [hbm:s3], $0xF7A  }
0x26: {  	[smem:$0x3F84] =	sst s1;
	(tag) =	ssettag s2;
	_ =	strace s9  }
0x27: {  	s1 =	sld [smem:$0x3F94]  }
0x28: {  	s2 =	sld [smem:$0x3F95]  }
0x29: {  	s4 =	sld [smem:$0x3F97]  }
0x2a: {  	p0 =	seq.s32 s5, $0x0;
	s5 =	sld [smem:$0x3F98]  }
0x2b: {  	s6 =	sld [smem:$0x3F99]  }
0x2c: {  	s7 =	sld [smem:$0x3F9A]  }
0x2d: {  	s3 =	simm.s32 $0x108;
	s8 =	sld [smem:$0x3F9B]  }
0x2e: {  	s3 =	simm.s32 @!p0 $0x1082;
	s9 =	sld [smem:$0x3F9C]  }
0x2f: {  	lr =	sadd.s32 s0, s3;
	s0 =	sld [smem:$0x3F93]  }
0x30: {  	s3 =	sld [smem:$0x3F96]  }
0x31: {  	[smem:$0x3F9F] =	sst s10  }
0x32: {  	s10 =	sld [smem:$0x3F9D];
	_ =	sdelay $0x3  }
0x33: {  	p0 =	seq.s32 s10, $0x1;
	s10 =	sld [smem:$0x3F9F];
	_ =	sdelay $0x3  }
0x34: {  	[smem:$0x3F9F] =	sst s10  }
0x35: {  	s10 =	sld [smem:$0x3F9E];
	_ =	sdelay $0x3  }
0x36: {  	p1 =	seq.s32 s10, $0x1;
	s10 =	sld [smem:$0x3F9F];
	_ =	sdelay $0x3  }
0x37: {  	[smem:$0x3F9F] =	sst s10  }
0x38: {  	s10 =	sld [smem:$0x3FA0]  }
0x39: {  	_ = 	snop;
	(pc) =	sbr.ind lr, $3  }
0x3a: {  	_ = 	snop  }
0x3b: {  	_ = 	snop  }
0x3c: {  	p2 =	seq.s32 s10, $0x1;
	s10 =	sld [smem:$0x3F9F]  }
0x3d: {  	_ =	shalt  }
0x3e: {  	_ =	shalt  }
0x3f: {  	_ =	shalt  }
0x40: {  	_ =	shalt  }
0x41: {  	_ =	shalt  }
0x42: {  	_ =	shalt  }
0x43: {  	_ =	shalt  }
0x44: {  	_ =	shalt  }
0x45: {  	_ =	shalt  }
0x46: {  	_ =	shalt  }
0x47: {  	_ =	shalt  }
0x48: {  	_ =	shalt  }
0x49: {  	_ =	shalt  }
0x4a: {  	_ =	shalt  }
0x4b: {  	_ =	shalt  }
0x4c: {  	_ =	shalt  }
0x4d: {  	_ =	shalt  }
0x4e: {  	_ =	shalt  }
0x4f: {  	_ =	shalt  }
0x50: {  	_ =	shalt  }
0x51: {  	_ =	shalt  }
0x52: {  	_ =	shalt  }
0x53: {  	_ =	shalt  }
0x54: {  	_ =	shalt  }
0x55: {  	_ =	shalt  }
0x56: {  	_ =	shalt  }
0x57: {  	_ =	shalt  }
0x58: {  	_ =	shalt  }
0x59: {  	_ =	shalt  }
0x5a: {  	_ =	shalt  }
0x5b: {  	_ =	shalt  }
0x5c: {  	_ =	shalt  }
0x5d: {  	_ =	shalt  }
0x5e: {  	_ =	shalt  }
0x5f: {  	_ =	shalt  }
0x60: {  	_ =	shalt  }
0x61: {  	_ =	shalt  }
0x62: {  	_ =	shalt  }
0x63: {  	_ =	shalt  }
0x64: {  	_ =	shalt  }
0x65: {  	_ =	shalt  }
0x66: {  	_ =	shalt  }
0x67: {  	_ =	shalt  }
0x68: {  	_ =	shalt  }
0x69: {  	_ =	shalt  }
0x6a: {  	_ =	shalt  }
0x6b: {  	_ =	shalt  }
0x6c: {  	_ =	shalt  }
0x6d: {  	_ =	shalt  }
0x6e: {  	_ =	shalt  }
0x6f: {  	_ =	shalt  }
0x70: {  	_ =	shalt  }
0x71: {  	_ =	shalt  }
0x72: {  	_ =	shalt  }
0x73: {  	_ =	shalt  }
0x74: {  	_ =	shalt  }
0x75: {  	_ =	shalt  }
0x76: {  	_ =	shalt  }
0x77: {  	_ =	shalt  }
0x78: {  	_ =	shalt  }
0x79: {  	_ =	shalt  }
0x7a: {  	_ =	shalt  }
0x7b: {  	_ =	shalt  }
0x7c: {  	_ =	shalt  }
0x7d: {  	_ =	shalt  }
0x7e: {  	_ =	shalt  }
0x7f: {  	_ =	shalt  }
0x80: {  	_ =	shalt  }
0x81: {  	_ =	shalt  }
0x82: {  	_ =	shalt  }
0x83: {  	_ =	shalt  }
0x84: {  	_ =	shalt  }
0x85: {  	_ =	shalt  }
0x86: {  	_ =	shalt  }
0x87: {  	_ =	shalt  }
.Lfunc_end0:
.L_simem_size_0:
called_computation_lowered:
.L_overlay_start_0:
0x88: {  	s2 =	sld [smem:$0x3FD9]  }
0x89: {  	s3 =	sld [smem:$0x3FFE];
	_ =	sdelay $0x1  }
0x8a: {  	s1 =	srdreg.scid  }
0x8b: {  	s0 =	sand.u32 $0x1, s1  }
0x8c: {  	s17 =	sshll.u32 s0, $0xA;
	s2 =	sadd.s32 s3, s2  }
0x8d: {  	s2 =	sadd.s32 s2, s17  }
0x8e: {  	[smem:$0x3FAB] =	sst s2  }
0x8f: {  	_ = 	snop  }
0x90: {  	s2 =	sld [smem:$0x3FC9]  }
0x91: {  	s18 =	sld [smem:$0x3FC8]  }
0x92: {  	s4 =	sld [smem:$0x3FC7]  }
0x93: {  	s5 =	sld [smem:$0x3FC6]  }
0x94: {  	s6 =	sld [smem:$0x3FC5]  }
0x95: {  	s7 =	sld [smem:$0x3FC4]  }
0x96: {  	s8 =	sld [smem:$0x3FD0];
	(tm) =	ssettm $0x1  }
0x97: {  	s9 =	sld [smem:$0x3FFB];
	_ =	sdelay $0x3  }
0x98: {  	_ =	strace s9  }
0x99: {  	s9 =	sld [smem:$0x3FFC];
	_ =	sdelay $0x3  }
0x9a: {  	_ =	strace s9  }
0x9b: {  	s9 =	sld [smem:$0x3FFD];
	_ =	sdelay $0x3  }
0x9c: {  	_ =	strace s9  }
0x9d: {  	_ =	strace $0x8FFFFFFF  }
0x9e: {  	s19 =	sld [smem:$0x3FDB];
	_ =	sdelay $0x1  }
0x9f: {  	s10 =	simm.s32 $_scs_section_size  }
0xa0: {  	s11 =	simm.s32 $_size__tile_overlayer_lowered;
	s12 =	simm.s32 $_tile_overlayer_lowered  }
0xa1: {  	s22 =	simm.s32 $0x1BFF;
	s21 =	sshll.u32 s12, $0x1;
	s9 =	sadd.s32 s10, s19  }
0xa2: {  	s13 =	simm.s32 $0x0;
	s20 =	sshll.u32 s11, $0x1;
	s11 =	sadd.s32 s21, s9  }
0xa3: {  	[timem:s13], [sflag:s22] =	dma.local [hbm:s11], s20  }
0xa4: {  	_ =	swait.ge [sflag:s22], s20  }
0xa5: {  	s10 =	ssub.s32 $0x0, s20;
	[sflag:s22] =	ssyncset.done $0x0  }
0xa6: {  	[sflag:s22] =	ssyncadd.s32 s10;
	_ =	sdelay $0x1  }
0xa7: {  	s23 =	simm.s32 $0x1B8B  }
0xa8: {  	_ =	swait.ge [sflag:s23], $0x1  }
0xa9: {  	[sflag:s23] =	ssyncset.done $0x0  }
0xaa: {  	s25 =	simm.s32 $0x1B8E;
	s24 =	sld [smem:$0x3FFE];
	[sflag:s23] =	ssyncadd.s32 $0xFFFFFFFF  }
0xab: {  	s26 =	simm.s32 $execute0_lowered;
	[smem:$0x3FD2] =	sst s25  }
0xac: {  	s11 =	sshll.u32 s26, $0x1;
	_ =	strace $0x80000046;
	[dreg:$0x1] =	wrdreg $0xFFFFFFFF  }
0xad: {  	s28 =	simm.s32 $_size_execute0_lowered;
	s9 =	sadd.s32 s9, s11;
	[dreg:$0x0] =	wrdreg $0x0  }
0xae: {  	s11 =	sshll.u32 s28, $0x1;
	[dreg:$0x2] =	wrdreg s9  }
0xaf: {  	[dreg:$0x3] =	wrdreg s11  }
0xb0: {  	[dreg:$0x4] =	wrdreg $0xC0  }
0xb1: {  	_ =	task [dreg:s13], $0x5FFFF  }
0xb2: {  	[dreg:$0x1] =	wrdreg $0xFFFFFFFF  }
0xb3: {  	[dreg:$0x0] =	wrdreg $0x60  }
0xb4: {  	[dreg:$0x2] =	wrdreg s2  }
0xb5: {  	[dreg:$0x3] =	wrdreg s18  }
0xb6: {  	[dreg:$0x4] =	wrdreg s4  }
0xb7: {  	[dreg:$0x5] =	wrdreg s5  }
0xb8: {  	[dreg:$0x6] =	wrdreg s6  }
0xb9: {  	[dreg:$0x7] =	wrdreg s7  }
0xba: {  	[dreg:$0x8] =	wrdreg s24  }
0xbb: {  	[dreg:$0x9] =	wrdreg s8  }
0xbc: {  	[dreg:$0xa] =	wrdreg $0x9  }
0xbd: {  	_ =	task.clear_ibuf [dreg:s13], $0xBFFFF;
	_ =	strace $0x90000046  }
0xbe: {  	s29 =	simm.s32 $0x9;
	_ =	strace $0x80000048  }
0xbf: {  	_ =	swait.ge [sflag:s29], $0x1  }
0xc0: {  	[sflag:s29] =	ssyncadd.s32 $0xFFFFFFFF  }
0xc1: {  	_ =	strace $0x90000048  }
0xc2: {  	_ =	sfence  }
0xc3: {  	s30 =	sld [smem:$0x0];
	_ =	sdelay $0x2  }
0xc4: {  	s31 =	sshll.u32 s1, $0xD;
	s1 =	sshrl.u32 s1, $0x2  }
0xc5: {  	s3 =	sand.u32 $0x4000, s31;
	s1 =	sadd.s32 s1, s30  }
0xc6: {  	s0 =	sor.u32 s3, s0;
	s1 =	sshll.u32 s1, $0x11  }
0xc7: {  	s0 =	sor.u32 s1, s0  }
0xc8: {  	s0 =	sadd.s32 $0x8F2B, s0  }
0xc9: {  	[sflag:s0] =	ssyncadd.remote.s32 $0x1  }
0xca: {  	_ =	sfence.sel $0xFFFF  }
0xcb: {  	[dreg:$0x0] =	wrdreg $0xFFFFFFFF;
	(pc) =	sbr.abs _section_cstart, $3  }
0xcc: {  	[dreg:$0x1] =	wrdreg $0xFFFFFFFF  }
0xcd: {  	_ =	task.clear_ibuf [dreg:s13], $0x2FFFF;
	_ =	strace $0x9FFFFFFF  }
0xce: {  	(tm) =	ssettm $0x7FFFFFFF  }
0xcf: {  	_ =	shalt  }
tec
execute0_lowered:
.L_overlay_start_1:
0x0: {  	(tag) =	ssettag $0x1  }
0x1: {  	s0 =	rddreg [dreg:$0x0]  }
0x2: {  	s1 =	rddreg [dreg:$0x1]  }
0x3: {  	s4 =	rddreg [dreg:$0x2]  }
0x4: {  	s5 =	rddreg [dreg:$0x3]  }
0x5: {  	s6 =	rddreg [dreg:$0x4]  }
0x6: {  	s7 =	rddreg [dreg:$0x5]  }
0x7: {  	s8 =	rddreg [dreg:$0x6]  }
0x8: {  	s9 =	rddreg [dreg:$0x7];
	s13 =	simm.s32 $0x0  }
0x9: {  	[smem:$0x7FF] =	sst s13;
	s10 =	sadd.s32 $0x17A00, s8  }
0xa: {  	s18 =	sadd.s32 $0x15A00, s8;
	_ =	strace $0x80000047;
	[dreg:$0x9] =	wrdreg s10  }
0xb: {  	s25 =	srdreg.scid;
	s19 =	sadd.s32 $0x13A00, s8;
	[dreg:$0xa] =	wrdreg s18  }
0xc: {  	s12 =	stileid.u32;
	s20 =	sadd.s32 $0x50A000, s8;
	[dreg:$0xb] =	wrdreg s19  }
0xd: {  	s2 =	sadd.s32 $0x62F400, s8;
	s21 =	sadd.s32 $0x4A8400, s8;
	[dreg:$0xc] =	wrdreg s20  }
0xe: {  	s3 =	sadd.s32 $0x5CD800, s8;
	s22 =	sadd.s32 $0x446800, s8;
	[dreg:$0xd] =	wrdreg s21  }
0xf: {  	s23 =	sadd.s32 $0x3E4C00, s8;
	s24 =	sadd.s32 $0x383000, s8;
	[dreg:$0xe] =	wrdreg s22  }
0x10: {  	s11 =	sadd.s32 $0x321400, s8;
	s12 =	sshll.u32 s12, $0x7;
	[dreg:$0xf] =	wrdreg s23  }
0x11: {  	s14 =	sadd.s32 $0x2BF800, s8;
	s15 =	sadd.s32 $0x25DC00, s8;
	[dreg:$0x10] =	wrdreg s24  }
0x12: {  	s28 =	sadd.s32 $0x754800, s8;
	s29 =	sadd.s32 $0x6F2C00, s8;
	[dreg:$0x11] =	wrdreg s11  }
0x13: {  	s30 =	sadd.s32 $0x818000, s8;
	s31 =	sadd.s32 $0x691000, s8;
	[dreg:$0x12] =	wrdreg s14  }
0x14: {  	s10 =	sand.u32 $0x1, s25;
	[dreg:$0x13] =	wrdreg s15;
	s20 =	sadd.s32 $0x1FC000, s8  }
0x15: {  	s21 =	sadd.s32 $0x8DB800, s8;
	s23 =	sadd.s32 $0x879C00, s8;
	[dreg:$0x19] =	wrdreg s20  }
0x16: {  	s26 =	ssub.s32 $0x2, s10;
	s10 =	sshll.u32 s10, $0x6;
	[dreg:$0x1a] =	wrdreg s21  }
0x17: {  	s25 =	sadd.s32 $0x7B6400, s8;
	[dreg:$0x1c] =	wrdreg s23;
	s10 =	sor.u32 s10, s12  }
0x18: {  	s20 =	simm.s32 $0x600;
	s23 =	simm.s32 $0x800;
	s0 =	sadd.s32 s0, s10  }
0x19: {  	s14 =	sshrl.u32 s26, $0x1;
	s16 =	sadd.s32 s4, s10;
	[dreg:$0x14] =	wrdreg s0  }
0x1a: {  	s11 =	ssub.s32 s26, s14;
	s17 =	sadd.s32 s1, s10;
	[dreg:$0x15] =	wrdreg s16  }
0x1b: {  	s18 =	sadd.s32 s5, s10;
	s19 =	sadd.s32 s6, s10;
	[dreg:$0x16] =	wrdreg s17  }
0x1c: {  	s22 =	sadd.s32 s7, s10;
	s24 =	sadd.s32 s9, s10;
	[dreg:$0x17] =	wrdreg s18  }
0x1d: {  	s10 =	sadd.s32 $0x19A400, s8;
	s5 =	simm.s32 $0x2;
	[dreg:$0x18] =	wrdreg s19  }
0x1e: {  	s7 =	simm.s32 $0x200;
	s1 =	simm.s32 $0x1CC00;
	[dreg:$0x1b] =	wrdreg s22  }
0x1f: {  	s6 =	simm.s32 $0x0;
	[dreg:$0x1d] =	wrdreg s24;
	s0 =	sadd.s32 $0x56BC00, s8  }
0x20: {  	v0 =	vimm.f32 $1.000000000e+00;
	v1 =	vlaneseq.u32;
	s26 =	smax.u32 s11, $0x1;
	s8 =	simm.s32 $0x400;
	s19 =	simm.s32 $0x1  }
0x21: {  	v0 =	vand.u32 $0x7FFFFFFF, v0;
	v1 =	vmul.u32 $0x10, v1;
	s18 =	simm.s32 $0x1D000;
	[dreg:$0x1e] =	wrdreg s26;
	s26 =	simm.s32 $0xA00  }
.LBB2_1:
0x22: {  	[dreg:$0x1f] =	wrdreg s6  }
0x23: {  	s4 =	rddreg [dreg:$0x14]  }
0x24: {  	[tilespmem:s13], [sflag:$0x2] =	stream.linear.gather [hbm4b:s4+s13], $0x200, $0x38;
	[tilespmem:$0x1D600] =	vst v63  }
0x25: {  	_ =	swait.ge [sflag:s5], $0x200  }
0x26: {  	[sflag:s5] =	ssyncset.done $0x0  }
0x27: {  	s16 =	rddreg [dreg:$0x15];
	[sflag:s5] =	ssyncadd.s32 $0xFFFFFE00  }
0x28: {  	[tilespmem:s7], [sflag:$0x2] =	stream.linear.gather [hbm4b:s16+s13], $0x200, $0x38;
	[tilespmem:$0x1D600] =	vst v63  }
0x29: {  	_ =	swait.ge [sflag:s5], $0x200  }
0x2a: {  	[sflag:s5] =	ssyncset.done $0x0  }
0x2b: {  	s17 =	rddreg [dreg:$0x16];
	[sflag:s5] =	ssyncadd.s32 $0xFFFFFE00  }
0x2c: {  	[tilespmem:s8], [sflag:$0x2] =	stream.linear.gather [hbm4b:s17+s13], $0x200, $0x38;
	[tilespmem:$0x1D600] =	vst v63  }
0x2d: {  	_ =	swait.ge [sflag:s5], $0x200  }
0x2e: {  	[sflag:s5] =	ssyncset.done $0x0  }
0x2f: {  	s21 =	rddreg [dreg:$0x17];
	[sflag:s5] =	ssyncadd.s32 $0xFFFFFE00  }
0x30: {  	[tilespmem:s20], [sflag:$0x2] =	stream.linear.gather [hbm4b:s21+s13], $0x200, $0x38;
	[tilespmem:$0x1D600] =	vst v63  }
0x31: {  	_ =	swait.ge [sflag:s5], $0x200  }
0x32: {  	[sflag:s5] =	ssyncset.done $0x0  }
0x33: {  	s22 =	rddreg [dreg:$0x18];
	[sflag:s5] =	ssyncadd.s32 $0xFFFFFE00  }
0x34: {  	[tilespmem:s23], [sflag:$0x2] =	stream.linear.gather [hbm4b:s22+s13], $0x200, $0x38;
	[tilespmem:$0x1D600] =	vst v63  }
0x35: {  	_ =	swait.ge [sflag:s5], $0x200  }
0x36: {  	[sflag:s5] =	ssyncset.done $0x0  }
0x37: {  	s24 =	rddreg [dreg:$0x1b];
	[sflag:s5] =	ssyncadd.s32 $0xFFFFFE00  }
0x38: {  	[tilespmem:s26], [sflag:$0x2] =	stream.linear.gather [hbm4b:s24+s13], $0x200, $0x38;
	[tilespmem:$0x1D600] =	vst v63  }
0x39: {  	_ =	swait.ge [sflag:s5], $0x200  }
0x3a: {  	[sflag:s5] =	ssyncset.done $0x0  }
0x3b: {  	s4 =	simm.s32 $0x0;
	[sflag:s5] =	ssyncadd.s32 $0xFFFFFE00  }
0x3c: {  	v2 =	vld [tilespmem:s4+$0x600]  }
0x3d: {  	s5 =	simm.s32 $0x40;
	v3 =	vld [tilespmem:s4+$0x800]  }
.LBB2_2:
0x3e: {  	p0 =	sne.s32 s5, $0x7C0;
	v4 =	vld [tilespmem:s4+$0xA00];
	_ =	sdelay $0x3  }
0x3f: {  	v3 =	vmul.f32 $1.666666720e-01, v3  }
.Ltmp0:
0x40: {  	v2 =	vadd.f32 $-2.010000000e+03, v2;
	v4 =	vmul.f32 $6.250000000e-02, v4;
	(pc) =	sbr.rel @p0 .LBB2_2-.Ltmp0, $4  }
0x41: {  	v3 =	vadd.f32 $-1.000000000e+00, v3  }
0x42: {  	s6 =	sshra.s32 s5, $0x2;
	[tilespmem:s4+$0x600] =	vst v2;
	v4 =	vadd.f32 $-1.000000000e+00, v4  }
0x43: {  	v2 =	vld [tilespmem:s6+$0x600];
	[tilespmem:s4+$0x800] =	vst v3  }
0x44: {  	s5 =	sadd.s32 $0x40, s5;
	v3 =	vld [tilespmem:s6+$0x800];
	[tilespmem:s4+$0xA00] =	vst v4;
	s4 =	smov.u32 s6  }
0x45: {  	v4 =	vld [tilespmem:s4+$0xA00];
	_ =	sdelay $0x3  }
0x46: {  	v3 =	vmul.f32 $1.666666720e-01, v3  }
0x47: {  	v2 =	vadd.f32 $-2.010000000e+03, v2;
	v4 =	vmul.f32 $6.250000000e-02, v4  }
0x48: {  	v3 =	vadd.f32 $-1.000000000e+00, v3  }
0x49: {  	[tilespmem:s4+$0x600] =	vst v2;
	v2 =	vadd.f32 $-1.000000000e+00, v4  }
0x4a: {  	[tilespmem:s4+$0x800] =	vst v3  }
0x4b: {  	s11 =	simm.s32 $0x0;
	s5 =	simm.s32 $0x40;
	s15 =	simm.s32 $0xC00;
	[tilespmem:s4+$0xA00] =	vst v2  }
0x4c: {  	[tilespmem:s15], [sflag:$0x1] =	stream.indirect.gather [hbm4b:s2+s5], $0x20, s11, s5, $0xb8;
	[tilespmem:$0x1D600] =	vst v63  }
0x4d: {  	s16 =	simm.s32 $0x1C00  }
0x4e: {  	[tilespmem:s16], [sflag:$0x1] =	stream.indirect.gather [hbm4b:s3+s5], $0x20, s11, s5, $0xb8;
	[tilespmem:$0x1D600] =	vst v63  }
0x4f: {  	s17 =	simm.s32 $0x4C00  }
0x50: {  	[tilespmem:s17], [sflag:$0x1] =	stream.indirect.gather [hbm4b:s25+s5], $0x20, s11, s5, $0xb8;
	[tilespmem:$0x1D600] =	vst v63  }
0x51: {  	s21 =	simm.s32 $0x5C00  }
0x52: {  	[tilespmem:s21], [sflag:$0x1] =	stream.indirect.gather [hbm4b:s29+s5], $0x20, s11, s5, $0xb8;
	[tilespmem:$0x1D600] =	vst v63  }
0x53: {  	s22 =	simm.s32 $0x6C00  }
0x54: {  	[tilespmem:s22], [sflag:$0x1] =	stream.indirect.gather [hbm4b:s0+s5], $0x20, s11, s5, $0xb8;
	[tilespmem:$0x1D600] =	vst v63  }
0x55: {  	s24 =	rddreg [dreg:$0xc];
	s6 =	simm.s32 $0x7C00  }
0x56: {  	[tilespmem:s6], [sflag:$0x1] =	stream.indirect.gather [hbm4b:s24+s5], $0x20, s11, s5, $0xb8;
	[tilespmem:$0x1D600] =	vst v63  }
0x57: {  	s9 =	rddreg [dreg:$0xe];
	s12 =	simm.s32 $0x8C00  }
0x58: {  	[tilespmem:s12], [sflag:$0x1] =	stream.indirect.gather [hbm4b:s9+s5], $0x20, s11, s5, $0xb8;
	[tilespmem:$0x1D600] =	vst v63  }
0x59: {  	s13 =	rddreg [dreg:$0x10];
	s14 =	simm.s32 $0x9C00  }
0x5a: {  	[tilespmem:s14], [sflag:$0x1] =	stream.indirect.gather [hbm4b:s13+s5], $0x20, s11, s5, $0xb8;
	[tilespmem:$0x1D600] =	vst v63  }
0x5b: {  	s15 =	rddreg [dreg:$0x12];
	s16 =	simm.s32 $0xAC00  }
0x5c: {  	[tilespmem:s16], [sflag:$0x1] =	stream.indirect.gather [hbm4b:s15+s5], $0x20, s11, s5, $0xb8;
	[tilespmem:$0x1D600] =	vst v63  }
0x5d: {  	s17 =	rddreg [dreg:$0x19];
	s21 =	simm.s32 $0xBC00  }
0x5e: {  	[tilespmem:s21], [sflag:$0x1] =	stream.indirect.gather [hbm4b:s17+s5], $0x20, s11, s5, $0xb8;
	[tilespmem:$0x1D600] =	vst v63  }
0x5f: {  	s22 =	rddreg [dreg:$0x1c];
	s24 =	simm.s32 $0xCC00  }
0x60: {  	[tilespmem:s24], [sflag:$0x1] =	stream.indirect.gather [hbm4b:s22+s5], $0x20, s11, s5, $0xb8;
	[tilespmem:$0x1D600] =	vst v63  }
0x61: {  	s6 =	simm.s32 $0x2C00  }
0x62: {  	[tilespmem:s6], [sflag:$0x1] =	stream.indirect.gather [hbm4b:s2+s5], $0x20, s7, s5, $0xb8;
	[tilespmem:$0x1D600] =	vst v63  }
0x63: {  	s9 =	simm.s32 $0x3C00  }
0x64: {  	[tilespmem:s9], [sflag:$0x1] =	stream.indirect.gather [hbm4b:s3+s5], $0x20, s7, s5, $0xb8;
	[tilespmem:$0x1D600] =	vst v63  }
0x65: {  	s12 =	simm.s32 $0xDC00  }
0x66: {  	[tilespmem:s12], [sflag:$0x1] =	stream.indirect.gather [hbm4b:s28+s5], $0x20, s7, s5, $0xb8;
	[tilespmem:$0x1D600] =	vst v63  }
0x67: {  	s13 =	simm.s32 $0xEC00  }
0x68: {  	[tilespmem:s13], [sflag:$0x1] =	stream.indirect.gather [hbm4b:s31+s5], $0x20, s7, s5, $0xb8;
	[tilespmem:$0x1D600] =	vst v63  }
0x69: {  	s14 =	simm.s32 $0xFC00  }
0x6a: {  	[tilespmem:s14], [sflag:$0x1] =	stream.indirect.gather [hbm4b:s10+s5], $0x20, s7, s5, $0xb8;
	[tilespmem:$0x1D600] =	vst v63  }
0x6b: {  	s15 =	rddreg [dreg:$0xd];
	s16 =	simm.s32 $0x10C00  }
0x6c: {  	[tilespmem:s16], [sflag:$0x1] =	stream.indirect.gather [hbm4b:s15+s5], $0x20, s7, s5, $0xb8;
	[tilespmem:$0x1D600] =	vst v63  }
0x6d: {  	s17 =	rddreg [dreg:$0xf];
	s21 =	simm.s32 $0x11C00  }
0x6e: {  	[tilespmem:s21], [sflag:$0x1] =	stream.indirect.gather [hbm4b:s17+s5], $0x20, s7, s5, $0xb8;
	[tilespmem:$0x1D600] =	vst v63  }
0x6f: {  	s22 =	rddreg [dreg:$0x11];
	s24 =	simm.s32 $0x12C00  }
0x70: {  	[tilespmem:s24], [sflag:$0x1] =	stream.indirect.gather [hbm4b:s22+s5], $0x20, s7, s5, $0xb8;
	[tilespmem:$0x1D600] =	vst v63  }
0x71: {  	s6 =	rddreg [dreg:$0x13];
	s9 =	simm.s32 $0x13C00  }
0x72: {  	[tilespmem:s9], [sflag:$0x1] =	stream.indirect.gather [hbm4b:s6+s5], $0x20, s7, s5, $0xb8;
	[tilespmem:$0x1D600] =	vst v63  }
0x73: {  	s12 =	rddreg [dreg:$0x1a];
	s13 =	simm.s32 $0x14C00  }
0x74: {  	[tilespmem:s13], [sflag:$0x1] =	stream.indirect.gather [hbm4b:s12+s5], $0x20, s7, s5, $0xb8;
	[tilespmem:$0x1D600] =	vst v63  }
0x75: {  	s14 =	simm.s32 $0x15C00  }
0x76: {  	[tilespmem:s14], [sflag:$0x1] =	stream.indirect.gather [hbm4b:s30+s5], $0x20, s7, s5, $0xb8;
	[tilespmem:$0x1D600] =	vst v63  }
0x77: {  	s15 =	rddreg [dreg:$0x9];
	s16 =	simm.s32 $0x16C00  }
0x78: {  	[tilespmem:s16], [sflag:$0x1] =	stream.indirect.gather [hbm4b:s15+s5], $0x40, s8, s5, $0xb8;
	[tilespmem:$0x1D600] =	vst v63  }
0x79: {  	p0 =	por $0x0, $0x0;
	s17 =	rddreg [dreg:$0xa];
	s21 =	simm.s32 $0x18C00  }
0x7a: {  	[tilespmem:s21], [sflag:$0x1] =	stream.indirect.gather [hbm4b:s17+s5], $0x40, s8, s5, $0xb8;
	[tilespmem:$0x1D600] =	vst v63  }
0x7b: {  	s22 =	rddreg [dreg:$0xb];
	s24 =	simm.s32 $0x1AC00;
	s16 =	simm.s32 $0x0  }
0x7c: {  	[tilespmem:s24], [sflag:$0x1] =	stream.indirect.gather [hbm4b:s22+s5], $0x40, s8, s5, $0xb8;
	[tilespmem:$0x1D600] =	vst v63  }
.LBB2_5:
0x7d: {  	s4 =	sshll.u32 s16, $0x6  }
0x7e: {  	p1 =	seq.s32 s16, $0x7;
	s5 =	sand.u32 $0x40, s4  }
0x7f: {  	s5 =	ssub.s32 @!p1 $0x40, s5  }
0x80: {  	s16 =	sadd.s32 $0x1, s16;
	s6 =	sshll.u32 @!p1 s5, $0x5  }
0x81: {  	s8 =	sshll.u32 @!p1 s16, $0x6;
	s9 =	simm.s32 @!p1 $0x40;
	s7 =	sadd.s32 @!p1 $0xC00, s6  }
0x82: {  	[tilespmem:s7], [sflag:$0x1] =	stream.indirect.gather @!p1 [hbm4b:s2+s9], $0x20, s8, s9, $0xb8;
	[tilespmem:$0x1D600] =	vst v63  }
0x83: {  	s7 =	sadd.s32 @!p1 $0x1C00, s6  }
0x84: {  	[tilespmem:s7], [sflag:$0x1] =	stream.indirect.gather @!p1 [hbm4b:s3+s9], $0x20, s8, s9, $0xb8;
	[tilespmem:$0x1D600] =	vst v63  }
0x85: {  	s7 =	sadd.s32 @!p1 $0x4C00, s6  }
0x86: {  	[tilespmem:s7], [sflag:$0x1] =	stream.indirect.gather @!p1 [hbm4b:s25+s9], $0x20, s8, s9, $0xb8;
	[tilespmem:$0x1D600] =	vst v63  }
0x87: {  	s7 =	sadd.s32 @!p1 $0x5C00, s6  }
0x88: {  	[tilespmem:s7], [sflag:$0x1] =	stream.indirect.gather @!p1 [hbm4b:s29+s9], $0x20, s8, s9, $0xb8;
	[tilespmem:$0x1D600] =	vst v63  }
0x89: {  	s7 =	sadd.s32 @!p1 $0x6C00, s6  }
0x8a: {  	[tilespmem:s7], [sflag:$0x1] =	stream.indirect.gather @!p1 [hbm4b:s0+s9], $0x20, s8, s9, $0xb8;
	[tilespmem:$0x1D600] =	vst v63  }
0x8b: {  	s12 =	rddreg [dreg:$0xc];
	s7 =	sadd.s32 @!p1 $0x7C00, s6  }
0x8c: {  	[tilespmem:s7], [sflag:$0x1] =	stream.indirect.gather @!p1 [hbm4b:s12+s9], $0x20, s8, s9, $0xb8;
	[tilespmem:$0x1D600] =	vst v63  }
0x8d: {  	s7 =	sadd.s32 @!p1 $0x8C00, s6;
	s12 =	rddreg [dreg:$0xe]  }
0x8e: {  	[tilespmem:s7], [sflag:$0x1] =	stream.indirect.gather @!p1 [hbm4b:s12+s9], $0x20, s8, s9, $0xb8;
	[tilespmem:$0x1D600] =	vst v63  }
0x8f: {  	s7 =	sadd.s32 @!p1 $0x9C00, s6;
	s12 =	rddreg [dreg:$0x10]  }
0x90: {  	[tilespmem:s7], [sflag:$0x1] =	stream.indirect.gather @!p1 [hbm4b:s12+s9], $0x20, s8, s9, $0xb8;
	[tilespmem:$0x1D600] =	vst v63  }
0x91: {  	s7 =	sadd.s32 @!p1 $0xAC00, s6;
	s12 =	rddreg [dreg:$0x12]  }
0x92: {  	[tilespmem:s7], [sflag:$0x1] =	stream.indirect.gather @!p1 [hbm4b:s12+s9], $0x20, s8, s9, $0xb8;
	[tilespmem:$0x1D600] =	vst v63  }
0x93: {  	s7 =	sadd.s32 @!p1 $0xBC00, s6;
	s12 =	rddreg [dreg:$0x19]  }
0x94: {  	[tilespmem:s7], [sflag:$0x1] =	stream.indirect.gather @!p1 [hbm4b:s12+s9], $0x20, s8, s9, $0xb8;
	[tilespmem:$0x1D600] =	vst v63  }
0x95: {  	s7 =	sadd.s32 @!p1 $0xCC00, s6;
	s12 =	rddreg [dreg:$0x1c]  }
0x96: {  	[tilespmem:s7], [sflag:$0x1] =	stream.indirect.gather @!p1 [hbm4b:s12+s9], $0x20, s8, s9, $0xb8;
	[tilespmem:$0x1D600] =	vst v63  }
0x97: {  	s7 =	sadd.s32 @!p1 $0x2C00, s6;
	s12 =	sadd.s32 @!p1 $0x200, s8  }
0x98: {  	[tilespmem:s7], [sflag:$0x1] =	stream.indirect.gather @!p1 [hbm4b:s2+s9], $0x20, s12, s9, $0xb8;
	[tilespmem:$0x1D600] =	vst v63  }
0x99: {  	s7 =	sadd.s32 @!p1 $0x3C00, s6  }
0x9a: {  	[tilespmem:s7], [sflag:$0x1] =	stream.indirect.gather @!p1 [hbm4b:s3+s9], $0x20, s12, s9, $0xb8;
	[tilespmem:$0x1D600] =	vst v63  }
0x9b: {  	s7 =	sadd.s32 @!p1 $0xDC00, s6  }
0x9c: {  	[tilespmem:s7], [sflag:$0x1] =	stream.indirect.gather @!p1 [hbm4b:s28+s9], $0x20, s12, s9, $0xb8;
	[tilespmem:$0x1D600] =	vst v63  }
0x9d: {  	s7 =	sadd.s32 @!p1 $0xEC00, s6  }
0x9e: {  	[tilespmem:s7], [sflag:$0x1] =	stream.indirect.gather @!p1 [hbm4b:s31+s9], $0x20, s12, s9, $0xb8;
	[tilespmem:$0x1D600] =	vst v63  }
0x9f: {  	s7 =	sadd.s32 @!p1 $0xFC00, s6  }
0xa0: {  	[tilespmem:s7], [sflag:$0x1] =	stream.indirect.gather @!p1 [hbm4b:s10+s9], $0x20, s12, s9, $0xb8;
	[tilespmem:$0x1D600] =	vst v63  }
0xa1: {  	s13 =	rddreg [dreg:$0xd];
	s7 =	sadd.s32 @!p1 $0x10C00, s6  }
0xa2: {  	[tilespmem:s7], [sflag:$0x1] =	stream.indirect.gather @!p1 [hbm4b:s13+s9], $0x20, s12, s9, $0xb8;
	[tilespmem:$0x1D600] =	vst v63  }
0xa3: {  	s7 =	sadd.s32 @!p1 $0x11C00, s6;
	s13 =	rddreg [dreg:$0xf]  }
0xa4: {  	[tilespmem:s7], [sflag:$0x1] =	stream.indirect.gather @!p1 [hbm4b:s13+s9], $0x20, s12, s9, $0xb8;
	[tilespmem:$0x1D600] =	vst v63  }
0xa5: {  	s7 =	sadd.s32 @!p1 $0x12C00, s6;
	s13 =	rddreg [dreg:$0x11]  }
0xa6: {  	[tilespmem:s7], [sflag:$0x1] =	stream.indirect.gather @!p1 [hbm4b:s13+s9], $0x20, s12, s9, $0xb8;
	[tilespmem:$0x1D600] =	vst v63  }
0xa7: {  	s7 =	sadd.s32 @!p1 $0x13C00, s6;
	s13 =	rddreg [dreg:$0x13]  }
0xa8: {  	[tilespmem:s7], [sflag:$0x1] =	stream.indirect.gather @!p1 [hbm4b:s13+s9], $0x20, s12, s9, $0xb8;
	[tilespmem:$0x1D600] =	vst v63  }
0xa9: {  	s7 =	sadd.s32 @!p1 $0x14C00, s6;
	s13 =	rddreg [dreg:$0x1a]  }
0xaa: {  	[tilespmem:s7], [sflag:$0x1] =	stream.indirect.gather @!p1 [hbm4b:s13+s9], $0x20, s12, s9, $0xb8;
	[tilespmem:$0x1D600] =	vst v63  }
0xab: {  	s5 =	sshll.u32 @!p1 s5, $0x6;
	s6 =	sadd.s32 @!p1 $0x15C00, s6  }
0xac: {  	[tilespmem:s6], [sflag:$0x1] =	stream.indirect.gather @!p1 [hbm4b:s30+s9], $0x20, s12, s9, $0xb8;
	[tilespmem:$0x1D600] =	vst v63  }
0xad: {  	s7 =	sadd.s32 @!p1 $0x400, s8;
	s8 =	rddreg [dreg:$0x9];
	s6 =	sadd.s32 @!p1 $0x16C00, s5  }
0xae: {  	[tilespmem:s6], [sflag:$0x1] =	stream.indirect.gather @!p1 [hbm4b:s8+s9], $0x40, s7, s9, $0xb8;
	[tilespmem:$0x1D600] =	vst v63  }
0xaf: {  	s6 =	sadd.s32 @!p1 $0x18C00, s5;
	s8 =	rddreg [dreg:$0xa]  }
0xb0: {  	[tilespmem:s6], [sflag:$0x1] =	stream.indirect.gather @!p1 [hbm4b:s8+s9], $0x40, s7, s9, $0xb8;
	[tilespmem:$0x1D600] =	vst v63  }
0xb1: {  	s5 =	sadd.s32 @!p1 $0x1AC00, s5;
	s6 =	rddreg [dreg:$0xb]  }
0xb2: {  	[tilespmem:s5], [sflag:$0x1] =	stream.indirect.gather @!p1 [hbm4b:s6+s9], $0x40, s7, s9, $0xb8;
	[tilespmem:$0x1D600] =	vst v63  }
0xb3: {  	_ =	swait.ge [sflag:s19], $0x800  }
0xb4: {  	[sflag:s19] =	ssyncset.done $0x0  }
0xb5: {  	[sflag:s19] =	ssyncadd.s32 $0xFFFFF800  }
0xb6: {  	_ =	swait.ge [sflag:s19], $0x800  }
0xb7: {  	[sflag:s19] =	ssyncset.done $0x0  }
0xb8: {  	[sflag:s19] =	ssyncadd.s32 $0xFFFFF800  }
0xb9: {  	_ =	swait.ge [sflag:s19], $0x800  }
0xba: {  	[sflag:s19] =	ssyncset.done $0x0  }
0xbb: {  	[sflag:s19] =	ssyncadd.s32 $0xFFFFF800  }
0xbc: {  	_ =	swait.ge [sflag:s19], $0x800  }
0xbd: {  	[sflag:s19] =	ssyncset.done $0x0  }
0xbe: {  	[sflag:s19] =	ssyncadd.s32 $0xFFFFF800  }
0xbf: {  	_ =	swait.ge [sflag:s19], $0x800  }
0xc0: {  	[sflag:s19] =	ssyncset.done $0x0  }
0xc1: {  	[sflag:s19] =	ssyncadd.s32 $0xFFFFF800  }
0xc2: {  	_ =	swait.ge [sflag:s19], $0x800  }
0xc3: {  	[sflag:s19] =	ssyncset.done $0x0  }
0xc4: {  	[sflag:s19] =	ssyncadd.s32 $0xFFFFF800  }
0xc5: {  	_ =	swait.ge [sflag:s19], $0x800  }
0xc6: {  	[sflag:s19] =	ssyncset.done $0x0  }
0xc7: {  	[sflag:s19] =	ssyncadd.s32 $0xFFFFF800  }
0xc8: {  	_ =	swait.ge [sflag:s19], $0x800  }
0xc9: {  	[sflag:s19] =	ssyncset.done $0x0  }
0xca: {  	[sflag:s19] =	ssyncadd.s32 $0xFFFFF800  }
0xcb: {  	_ =	swait.ge [sflag:s19], $0x800  }
0xcc: {  	[sflag:s19] =	ssyncset.done $0x0  }
0xcd: {  	[sflag:s19] =	ssyncadd.s32 $0xFFFFF800  }
0xce: {  	_ =	swait.ge [sflag:s19], $0x800  }
0xcf: {  	[sflag:s19] =	ssyncset.done $0x0  }
0xd0: {  	[sflag:s19] =	ssyncadd.s32 $0xFFFFF800  }
0xd1: {  	_ =	swait.ge [sflag:s19], $0x800  }
0xd2: {  	[sflag:s19] =	ssyncset.done $0x0  }
0xd3: {  	[sflag:s19] =	ssyncadd.s32 $0xFFFFF800  }
0xd4: {  	_ =	swait.ge [sflag:s19], $0x800  }
0xd5: {  	[sflag:s19] =	ssyncset.done $0x0  }
0xd6: {  	[sflag:s19] =	ssyncadd.s32 $0xFFFFF800  }
0xd7: {  	_ =	swait.ge [sflag:s19], $0x800  }
0xd8: {  	[sflag:s19] =	ssyncset.done $0x0  }
0xd9: {  	[sflag:s19] =	ssyncadd.s32 $0xFFFFF800  }
0xda: {  	_ =	swait.ge [sflag:s19], $0x800  }
0xdb: {  	[sflag:s19] =	ssyncset.done $0x0  }
0xdc: {  	[sflag:s19] =	ssyncadd.s32 $0xFFFFF800  }
0xdd: {  	_ =	swait.ge [sflag:s19], $0x800  }
0xde: {  	[sflag:s19] =	ssyncset.done $0x0  }
0xdf: {  	[sflag:s19] =	ssyncadd.s32 $0xFFFFF800  }
0xe0: {  	_ =	swait.ge [sflag:s19], $0x800  }
0xe1: {  	[sflag:s19] =	ssyncset.done $0x0  }
0xe2: {  	[sflag:s19] =	ssyncadd.s32 $0xFFFFF800  }
0xe3: {  	_ =	swait.ge [sflag:s19], $0x800  }
0xe4: {  	[sflag:s19] =	ssyncset.done $0x0  }
0xe5: {  	[sflag:s19] =	ssyncadd.s32 $0xFFFFF800  }
0xe6: {  	_ =	swait.ge [sflag:s19], $0x800  }
0xe7: {  	[sflag:s19] =	ssyncset.done $0x0  }
0xe8: {  	[sflag:s19] =	ssyncadd.s32 $0xFFFFF800  }
0xe9: {  	_ =	swait.ge [sflag:s19], $0x800  }
0xea: {  	[sflag:s19] =	ssyncset.done $0x0  }
0xeb: {  	[sflag:s19] =	ssyncadd.s32 $0xFFFFF800  }
0xec: {  	s8 =	simm.s32 $0x1;
	_ =	swait.ge [sflag:s19], $0x800  }
0xed: {  	s8 =	simm.s32 @!p0 $0x0;
	[sflag:s19] =	ssyncset.done $0x0  }
0xee: {  	s22 =	sshll.u32 s8, $0xC;
	[sflag:s19] =	ssyncadd.s32 $0xFFFFF800  }
0xef: {  	s8 =	sshll.u32 s8, $0xB;
	s5 =	sor.u32 $0x1AC20, s22;
	_ =	swait.ge [sflag:s19], $0x800  }
0xf0: {  	s6 =	sor.u32 $0x18C20, s22;
	s7 =	sor.u32 $0x16C20, s22;
	[sflag:s19] =	ssyncset.done $0x0  }
0xf1: {  	s9 =	sadd.s32 $0x9C00, s8;
	s12 =	sadd.s32 $0x7C10, s8;
	[sflag:s19] =	ssyncadd.s32 $0xFFFFF800  }
0xf2: {  	s13 =	sadd.s32 $0x8C10, s8;
	s17 =	sadd.s32 $0xCC10, s8;
	_ =	swait.ge [sflag:s19], $0x800  }
0xf3: {  	s14 =	sadd.s32 $0xAC10, s8;
	s15 =	sadd.s32 $0xBC10, s8;
	[sflag:s19] =	ssyncset.done $0x0  }
0xf4: {  	s21 =	sadd.s32 $0xFC10, s8;
	s22 =	sadd.s32 $0x6C00, s8;
	[sflag:s19] =	ssyncadd.s32 $0xFFFFF800  }
0xf5: {  	s24 =	sadd.s32 $0x4C00, s8;
	v2 =	vmov s22;
	s22 =	sadd.s32 $0x5C00, s8;
	_ =	swait.ge [sflag:s19], $0x1000  }
0xf6: {  	v3 =	vmov s24;
	v5 =	vmov s9;
	s9 =	sadd.s32 $0xEC10, s8;
	s24 =	sadd.s32 $0x12C10, s8;
	[sflag:s19] =	ssyncset.done $0x0  }
0xf7: {  	v7 =	vmov s13;
	v8 =	vmov s17;
	s13 =	sadd.s32 $0x10C10, s8;
	s17 =	sadd.s32 $0x11C10, s8;
	[sflag:s19] =	ssyncadd.s32 $0xFFFFF000  }
0xf8: {  	v6 =	vmov s12;
	v11 =	vmov s21;
	s21 =	sadd.s32 $0x15C10, s8;
	s12 =	simm.s32 $0x0;
	_ =	swait.ge [sflag:s19], $0x1000  }
0xf9: {  	v9 =	vmov s14;
	v4 =	vmov s22;
	s22 =	sadd.s32 $0xDC10, s8;
	v14 =	vmov s24;
	s24 =	sadd.s32 $0x14C10, s8;
	[sflag:s19] =	ssyncset.done $0x0  }
0xfa: {  	v10 =	vmov s15;
	v16 =	vmov s17;
	s17 =	sadd.s32 $0xC10, s8;
	v17 =	vmov s21;
	s21 =	sadd.s32 $0x3C10, s8;
	[sflag:s19] =	ssyncadd.s32 $0xFFFFF000  }
0xfb: {  	v13 =	vmov s9;
	v15 =	vmov s13;
	s9 =	simm.s32 $0x1D000;
	v12 =	vmov s22;
	s22 =	sadd.s32 $0x13C10, s8;
	_ =	swait.ge [sflag:s19], $0x1000  }
0xfc: {  	v19 =	vmov s24;
	s24 =	sadd.s32 $0x1C10, s8;
	v20 =	vmov s17;
	v18 =	vmov s22;
	s22 =	sadd.s32 $0x2C10, s8;
	[sflag:s19] =	ssyncset.done $0x0  }
0xfd: {  	v21 =	vmov s21;
	s17 =	smov.u32 s11;
	s8 =	simm.s32 $0x1CC00;
	v23 =	vmov s24;
	v22 =	vmov s22;
	[sflag:s19] =	ssyncadd.s32 $0xFFFFF000  }
.LBB2_6:
0xfe: {  	v25 =	vmov s17;
	_ =	sdelay $0x2  }
0xff: {  	s13 =	sshra.s32 s12, $0x2  }
0x100: {  	v24 =	vld.idx.msk [tilespmem:v3+s13+$0x0 ss:$0x1], $0xffff  }
0x101: {  	v26 =	vld.idx.msk [tilespmem:v25+s20+$0x0], $0xffff;
	_ =	sdelay $0x1  }
0x102: {  	v27 =	vld.idx.msk [tilespmem:v4+s13+$0x0 ss:$0x1], $0xffff;
	_ =	sdelay $0x1  }
0x103: {  	v57 =	vld.idx.msk [tilespmem:v6+s13+$0xFFFFFFF0 ss:$0x1], $0xffff  }
0x104: {  	v28 =	vmul.f32 v24, v26;
	v24 =	vld.idx.msk [tilespmem:v25+s23+$0x0], $0xffff;
	_ =	sdelay $0x1  }
0x105: {  	v30 =	vld.idx.msk [tilespmem:v7+s13+$0xFFFFFFF0 ss:$0x1], $0xffff;
	v27 =	vadd.f32 v27, v28;
	_ =	sdelay $0x1  }
0x106: {  	v29 =	vmul.f32 $3.141592740e+00, v27  }
0x107: {  	v28 =	vmul.f32 v57, v24  }
0x108: {  	v31 =	vmul.f32 $1.591549370e-01, v29  }
0x109: {  	v28 =	vadd.f32 v30, v28  }
0x10a: {  	v32 =	vand.u32 $0x80000000, v31;
	vm0 =	vlt.f32 v31, $0.0e+00;
	vm1 =	vgt.f32 v31, $0.0e+00  }
0x10b: {  	v58 =	vor.u32 v32, v0;
	vm0 =	vmor vm1, vm0  }
0x10c: {  	v59 =	vmul.f32 $3.141592740e+00, v28;
	v30 =	vsel vm0, v58, v31  }
0x10d: {  	v30 =	vmul.f32 $5.000000000e-01, v30  }
0x10e: {  	v33 =	vmul.f32 $1.591549370e-01, v59  }
0x10f: {  	v30 =	vadd.f32 v30, v31  }
0x110: {  	v34 =	vld.idx.msk [tilespmem:v9+s13+$0xFFFFFFF0 ss:$0x1], $0xffff;
	v60 =	vand.u32 $0x80000000, v33;
	vm10 =	vlt.f32 v33, $0.0e+00;
	vm11 =	vgt.f32 v33, $0.0e+00  }
0x111: {  	v25 =	vld.idx.msk [tilespmem:v25+s26+$0x0], $0xffff;
	v31 =	vor.u32 v60, v0;
	vm0 =	vmor vm11, vm10  }
0x112: {  	v30 =	vtrunc.f32 v30;
	v31 =	vsel vm0, v31, v33  }
0x113: {  	v35 =	vld.idx.msk [tilespmem:v10+s13+$0xFFFFFFF0 ss:$0x1], $0xffff;
	v30 =	vcvt.f32.s32 v30;
	v31 =	vmul.f32 $5.000000000e-01, v31;
	_ =	sdelay $0x1  }
0x114: {  	v30 =	vcvt.s32.f32 v30;
	v31 =	vadd.f32 v31, v33  }
0x115: {  	v61 =	vmul.f32 v34, v25  }
0x116: {  	v30 =	vmul.f32 $6.283185480e+00, v30;
	v31 =	vtrunc.f32 v31  }
0x117: {  	v62 =	vcvt.f32.s32 v31;
	v31 =	vadd.f32 v35, v61  }
0x118: {  	v37 =	vsub.f32 v29, v30  }
0x119: {  	v42 =	vcvt.s32.f32 v62;
	v30 =	vmul.f32 $3.141592740e+00, v31  }
0x11a: {  	v63 =	vmul.f32 v37, v37  }
0x11b: {  	v34 =	vmul.f32 $6.283185480e+00, v42;
	v36 =	vmul.f32 $1.591549370e-01, v30  }
0x11c: {  	v43 =	vmul.f32 $1.360122150e-10, v63  }
0x11d: {  	v38 =	vsub.f32 v59, v34;
	v44 =	vand.u32 $0x80000000, v36  }
0x11e: {  	vm12 =	vlt.f32 v36, $0.0e+00;
	vm13 =	vgt.f32 v36, $0.0e+00;
	v35 =	vadd.f32 $-2.472396330e-08, v43  }
0x11f: {  	v40 =	vld.idx.msk [tilespmem:v12+s13+$0xFFFFFFF0 ss:$0x1], $0xffff;
	v34 =	vor.u32 v44, v0;
	vm0 =	vmor vm13, vm12;
	v39 =	vmul.f32 v38, v38  }
0x120: {  	v34 =	vsel vm0, v34, v36;
	v35 =	vmul.f32 v35, v63  }
0x121: {  	v42 =	vld.idx.msk [tilespmem:v13+s13+$0xFFFFFFF0 ss:$0x1], $0xffff;
	v34 =	vmul.f32 $5.000000000e-01, v34;
	v41 =	vmul.f32 $1.360122150e-10, v39  }
0x122: {  	v35 =	vadd.f32 $2.753515900e-06, v35  }
0x123: {  	v34 =	vadd.f32 v34, v36;
	v45 =	vadd.f32 $-2.472396330e-08, v41  }
0x124: {  	v40 =	vmul.f32 v40, v26;
	v35 =	vmul.f32 v35, v63  }
0x125: {  	v34 =	vtrunc.f32 v34;
	v36 =	vmul.f32 v45, v39  }
0x126: {  	v46 =	vcvt.f32.s32 v34;
	v34 =	vadd.f32 v42, v40  }
0x127: {  	v35 =	vadd.f32 $-1.984049160e-04, v35;
	v47 =	vadd.f32 $2.753515900e-06, v36  }
0x128: {  	v41 =	vcvt.s32.f32 v46;
	v36 =	vmul.f32 $3.141592740e+00, v34  }
0x129: {  	v35 =	vmul.f32 v35, v63;
	v40 =	vmul.f32 v47, v39  }
0x12a: {  	v41 =	vmul.f32 $6.283185480e+00, v41;
	v48 =	vmul.f32 $1.591549370e-01, v36  }
0x12b: {  	(erf) = vrcp.f32 v29;
	v35 =	vadd.f32 $8.333319790e-03, v35;
	v40 =	vadd.f32 $-1.984049160e-04, v40  }
0x12c: {  	v41 =	vsub.f32 v30, v41;
	v43 =	vand.u32 $0x80000000, v48;
	vm14 =	vlt.f32 v48, $0.0e+00  }
0x12d: {  	vm15 =	vgt.f32 v48, $0.0e+00;
	v43 =	vor.u32 v43, v0;
	v35 =	vmul.f32 v35, v63  }
0x12e: {  	vm0 =	vmor vm15, vm14;
	v40 =	vmul.f32 v40, v39;
	v44 =	vmul.f32 v41, v41  }
0x12f: {  	v43 =	vsel vm0, v43, v48;
	v35 =	vadd.f32 $-1.666666570e-01, v35  }
0x130: {  	v50 =	vmul.f32 $5.000000000e-01, v43;
	v49 =	vadd.f32 $8.333319790e-03, v40;
	v51 =	vmul.f32 $1.360122150e-10, v44  }
0x131: {  	v55 =	vld.idx.msk [tilespmem:v15+s13+$0xFFFFFFF0 ss:$0x1], $0xffff;
	(erf) = vrcp.f32 v59;
	v33 =	vmul.f32 v35, v63  }
0x132: {  	v52 =	vadd.f32 v50, v48;
	v29 =	vmul.f32 v49, v39;
	v53 =	vadd.f32 $-2.472396330e-08, v51  }
0x133: {  	v33 =	vmul.f32 v33, v37  }
0x134: {  	v60 =	vld.idx.msk [tilespmem:v18+s13+$0xFFFFFFF0 ss:$0x1], $0xffff;
	v32 =	vtrunc.f32 v52;
	v29 =	vadd.f32 $-1.666666570e-01, v29;
	v54 =	vmul.f32 v53, v44  }
0x135: {  	v56 =	vld.idx.msk [tilespmem:v16+s13+$0xFFFFFFF0 ss:$0x1], $0xffff;
	(erf) = vrcp.f32 v30;
	v32 =	vcvt.f32.s32 v32;
	v33 =	vadd.f32 v33, v37  }
0x136: {  	v57 =	vld.idx.msk [tilespmem:v2+s13+$0x0 ss:$0x1], $0xffff;
	v58 =	vpop (erf);
	v59 =	vmul.f32 v55, v24;
	v29 =	vmul.f32 v29, v39;
	v35 =	vadd.f32 $2.753515900e-06, v54  }
0x137: {  	v63 =	vld.idx.msk [tilespmem:v19+s13+$0xFFFFFFF0 ss:$0x1], $0xffff;
	v32 =	vcvt.s32.f32 v32;
	v33 =	vmul.f32 v33, v58  }
0x138: {  	v29 =	vmul.f32 v29, v38;
	v35 =	vmul.f32 v35, v44  }
0x139: {  	vm4 =	veq.f32 v27, $0.0e+00;
	v50 =	vmul.f32 v60, v25;
	v53 =	vld.idx.msk [tilespmem:v3+s13+$0x10 ss:$0x1], $0xffff;
	v32 =	vmul.f32 $6.283185480e+00, v32  }
0x13a: {  	v61 =	vld.idx.msk [tilespmem:v5+s13+$0x0 ss:$0x1], $0xffff;
	v33 =	vsel vm4, $0x3F800000, v33;
	v29 =	vadd.f32 v29, v38;
	v35 =	vadd.f32 $-1.984049160e-04, v35  }
0x13b: {  	v62 =	vpop (erf);
	v46 =	vld.idx.msk [tilespmem:v4+s13+$0x10 ss:$0x1], $0xffff;
	v43 =	vsub.f32 v36, v32;
	v32 =	vadd.f32 v56, v59;
	v27 =	vmul.f32 v33, v57  }
0x13c: {  	v33 =	vadd.f32 v63, v50;
	v29 =	vmul.f32 v29, v62;
	v35 =	vmul.f32 v35, v44  }
0x13d: {  	vm5 =	veq.f32 v28, $0.0e+00;
	v45 =	vmul.f32 v43, v43;
	v37 =	vmul.f32 $3.141592740e+00, v32  }
0x13e: {  	v38 =	vmul.f32 v53, v26;
	v42 =	vmul.f32 $3.141592740e+00, v33;
	v29 =	vsel vm5, $0x3F800000, v29  }
0x13f: {  	v48 =	vadd.f32 $8.333319790e-03, v35;
	v49 =	vmul.f32 $1.360122150e-10, v45;
	v51 =	vmul.f32 $1.591549370e-01, v37  }
0x140: {  	v47 =	vmul.f32 $1.591549370e-01, v42;
	v28 =	vmul.f32 v29, v61;
	v29 =	vadd.f32 v46, v38  }
0x141: {  	v52 =	vmul.f32 v48, v44;
	v35 =	vadd.f32 $-2.472396330e-08, v49;
	v54 =	vand.u32 $0x80000000, v51  }
0x142: {  	vm6 =	vlt.f32 v51, $0.0e+00;
	vm7 =	vgt.f32 v51, $0.0e+00;
	v55 =	vand.u32 $0x80000000, v47  }
0x143: {  	vm8 =	vlt.f32 v47, $0.0e+00;
	v39 =	vor.u32 v54, v0;
	vm0 =	vmor vm7, vm6  }
0x144: {  	vm9 =	vgt.f32 v47, $0.0e+00;
	v35 =	vmul.f32 v35, v45;
	v39 =	vsel vm0, v39, v51  }
0x145: {  	v48 =	vld.idx.msk [tilespmem:v6+s13+$0x0 ss:$0x1], $0xffff;
	v56 =	vor.u32 v55, v0;
	vm0 =	vmor vm9, vm8;
	v39 =	vmul.f32 $5.000000000e-01, v39  }
0x146: {  	v40 =	vadd.f32 $-1.666666570e-01, v52;
	v38 =	vsel vm0, v56, v47;
	v35 =	vadd.f32 $2.753515900e-06, v35  }
0x147: {  	(erf) = vrcp.f32 v36;
	v49 =	vld.idx.msk [tilespmem:v7+s13+$0x0 ss:$0x1], $0xffff;
	v38 =	vmul.f32 $5.000000000e-01, v38;
	v39 =	vadd.f32 v39, v51  }
0x148: {  	v40 =	vmul.f32 v40, v44;
	v35 =	vmul.f32 v35, v45  }
0x149: {  	v38 =	vadd.f32 v38, v47;
	v57 =	vtrunc.f32 v39;
	v39 =	vmul.f32 $3.141592740e+00, v29  }
0x14a: {  	v48 =	vmul.f32 v48, v24;
	v35 =	vadd.f32 $-1.984049160e-04, v35;
	v44 =	vcvt.f32.s32 v57  }
0x14b: {  	v38 =	vtrunc.f32 v38;
	v58 =	vmul.f32 $1.591549370e-01, v39  }
0x14c: {  	v30 =	vadd.f32 v49, v48;
	v35 =	vmul.f32 v35, v45;
	v44 =	vcvt.s32.f32 v44  }
0x14d: {  	v59 =	vand.u32 $0x80000000, v58;
	vm10 =	vlt.f32 v58, $0.0e+00;
	vm11 =	vgt.f32 v58, $0.0e+00  }
0x14e: {  	v38 =	vcvt.f32.s32 v38;
	v47 =	vor.u32 v59, v0;
	vm0 =	vmor vm11, vm10  }
0x14f: {  	v44 =	vmul.f32 $6.283185480e+00, v44;
	v35 =	vadd.f32 $8.333319790e-03, v35;
	v47 =	vsel vm0, v47, v58  }
0x150: {  	v38 =	vcvt.s32.f32 v38;
	v47 =	vmul.f32 $5.000000000e-01, v47  }
0x151: {  	v44 =	vsub.f32 v37, v44;
	v50 =	vmul.f32 v35, v45;
	v35 =	vmul.f32 $3.141592740e+00, v30  }
0x152: {  	v40 =	vmul.f32 v40, v41;
	v38 =	vmul.f32 $6.283185480e+00, v38;
	v60 =	vadd.f32 v47, v58  }
0x153: {  	v46 =	vmul.f32 v44, v44;
	v63 =	vmul.f32 $1.591549370e-01, v35  }
0x154: {  	v49 =	vsub.f32 v42, v38;
	v50 =	vadd.f32 $-1.666666570e-01, v50;
	v47 =	vtrunc.f32 v60  }
0x155: {  	v61 =	vmul.f32 $1.360122150e-10, v46;
	v53 =	vand.u32 $0x80000000, v63;
	vm12 =	vlt.f32 v63, $0.0e+00  }
0x156: {  	vm13 =	vgt.f32 v63, $0.0e+00;
	v62 =	vcvt.f32.s32 v47;
	v47 =	vmul.f32 v49, v49  }
0x157: {  	v48 =	vor.u32 v53, v0;
	vm0 =	vmor vm13, vm12;
	v52 =	vadd.f32 $-2.472396330e-08, v61  }
0x158: {  	v48 =	vsel vm0, v48, v63;
	v38 =	vcvt.s32.f32 v62;
	v51 =	vmul.f32 $1.360122150e-10, v47  }
0x159: {  	v40 =	vadd.f32 v40, v41;
	v48 =	vmul.f32 $5.000000000e-01, v48;
	v41 =	vmul.f32 v52, v46  }
0x15a: {  	v54 =	vmul.f32 v50, v45;
	v38 =	vmul.f32 $6.283185480e+00, v38;
	v51 =	vadd.f32 $-2.472396330e-08, v51  }
0x15b: {  	v36 =	vadd.f32 v48, v63;
	v52 =	vpop (erf);
	v41 =	vadd.f32 $2.753515900e-06, v41;
	(erf) = vrcp.f32 v37  }
0x15c: {  	v40 =	vmul.f32 v40, v52;
	v52 =	vsub.f32 v39, v38;
	v55 =	vmul.f32 v51, v47  }
0x15d: {  	vm14 =	veq.f32 v31, $0.0e+00;
	v36 =	vtrunc.f32 v36;
	v41 =	vmul.f32 v41, v46  }
0x15e: {  	vm15 =	veq.f32 v34, $0.0e+00;
	v48 =	vld.idx.msk [tilespmem:v8+s13+$0xFFFFFFF0 ss:$0x1], $0xffff;
	v36 =	vcvt.f32.s32 v36;
	v45 =	vmul.f32 v52, v52  }
0x15f: {  	v38 =	vmul.f32 v54, v43;
	v60 =	vpop (erf);
	(erf) = vrcp.f32 v42;
	v31 =	vadd.f32 $2.753515900e-06, v55  }
0x160: {  	v62 =	vld.idx.msk [tilespmem:v9+s13+$0x0 ss:$0x1], $0xffff;
	v41 =	vadd.f32 $-1.984049160e-04, v41;
	v36 =	vcvt.s32.f32 v36;
	v56 =	vmul.f32 $1.360122150e-10, v45  }
0x161: {  	v57 =	vld.idx.msk [tilespmem:v11+s13+$0xFFFFFFF0 ss:$0x1], $0xffff;
	v58 =	vadd.f32 v38, v43;
	v40 =	vsel vm14, $0x3F800000, v40;
	v31 =	vmul.f32 v31, v47  }
0x162: {  	v53 =	vld.idx.msk [tilespmem:v10+s13+$0x0 ss:$0x1], $0xffff;
	v59 =	vmul.f32 v41, v46;
	v36 =	vmul.f32 $6.283185480e+00, v36;
	v61 =	vadd.f32 $-2.472396330e-08, v56  }
0x163: {  	v38 =	vmul.f32 v40, v48;
	v34 =	vmul.f32 v58, v60;
	v31 =	vadd.f32 $-1.984049160e-04, v31  }
0x164: {  	v63 =	vadd.f32 $8.333319790e-03, v59;
	v36 =	vsub.f32 v35, v36;
	v43 =	vmul.f32 v61, v45  }
0x165: {  	v34 =	vsel vm15, $0x3F800000, v34;
	v56 =	vmul.f32 v62, v25;
	v31 =	vmul.f32 v31, v47  }
0x166: {  	v41 =	vmul.f32 v63, v46;
	v50 =	vmul.f32 v36, v36;
	v43 =	vadd.f32 $2.753515900e-06, v43  }
0x167: {  	v40 =	vmul.f32 v34, v57;
	v57 =	vadd.f32 $8.333319790e-03, v31;
	v31 =	vadd.f32 v53, v56  }
0x168: {  	v55 =	vadd.f32 $-1.666666570e-01, v41;
	v60 =	vmul.f32 $1.360122150e-10, v50;
	v43 =	vmul.f32 v43, v45  }
0x169: {  	v58 =	vmul.f32 v57, v47;
	v34 =	vmul.f32 $3.141592740e+00, v31  }
0x16a: {  	v56 =	vpop (erf);
	(erf) = vrcp.f32 v39;
	v46 =	vmul.f32 v55, v46;
	v61 =	vadd.f32 $-2.472396330e-08, v60  }
0x16b: {  	v59 =	vadd.f32 $-1.984049160e-04, v43;
	v37 =	vadd.f32 $-1.666666570e-01, v58;
	v63 =	vmul.f32 $1.591549370e-01, v34  }
0x16c: {  	vm6 =	veq.f32 v32, $0.0e+00;
	v62 =	vmul.f32 v46, v44;
	v42 =	vmul.f32 v61, v50  }
0x16d: {  	v55 =	vld.idx.msk [tilespmem:v12+s13+$0x0 ss:$0x1], $0xffff;
	v41 =	vmul.f32 v59, v45;
	v37 =	vmul.f32 v37, v47;
	v53 =	vand.u32 $0x80000000, v63  }
0x16e: {  	v48 =	vld.idx.msk [tilespmem:v14+s13+$0xFFFFFFF0 ss:$0x1], $0xffff;
	vm4 =	vlt.f32 v63, $0.0e+00;
	vm5 =	vgt.f32 v63, $0.0e+00;
	v58 =	vpop (erf);
	(erf) = vrcp.f32 v35  }
0x16f: {  	v59 =	vld.idx.msk [tilespmem:v13+s13+$0x0 ss:$0x1], $0xffff;
	v42 =	vadd.f32 $2.753515900e-06, v42;
	v47 =	vor.u32 v53, v0;
	vm0 =	vmor vm5, vm4  }
0x170: {  	v43 =	vadd.f32 v62, v44;
	v62 =	vld.idx.msk [tilespmem:v15+s13+$0x0 ss:$0x1], $0xffff;
	v37 =	vmul.f32 v37, v49;
	v47 =	vsel vm0, v47, v63  }
0x171: {  	v41 =	vadd.f32 $8.333319790e-03, v41;
	v42 =	vmul.f32 v42, v50;
	v54 =	vmul.f32 $5.000000000e-01, v47  }
0x172: {  	v51 =	vld.idx.msk [tilespmem:v20+s13+$0xFFFFFFF0 ss:$0x1], $0xffff;
	v26 =	vmul.f32 v55, v26;
	v43 =	vmul.f32 v43, v56;
	v37 =	vadd.f32 v37, v49  }
0x173: {  	v55 =	vld.idx.msk [tilespmem:v18+s13+$0x0 ss:$0x1], $0xffff;
	v41 =	vmul.f32 v41, v45;
	v42 =	vadd.f32 $-1.984049160e-04, v42;
	v44 =	vadd.f32 v54, v63  }
0x174: {  	v57 =	vld [tilespmem:s7+$0xFFFFFFE0];
	v43 =	vsel vm6, $0x3F800000, v43;
	v26 =	vadd.f32 v59, v26;
	v60 =	vmul.f32 v37, v58  }
0x175: {  	v63 =	vld.idx.msk [tilespmem:v17+s13+$0xFFFFFFF0 ss:$0x1], $0xffff;
	v41 =	vadd.f32 $-1.666666570e-01, v41;
	v43 =	vmul.f32 v43, v48;
	v24 =	vmul.f32 v62, v24  }
0x176: {  	v53 =	vld.idx.msk [tilespmem:v16+s13+$0x0 ss:$0x1], $0xffff;
	v42 =	vmul.f32 v42, v50;
	v44 =	vtrunc.f32 v44  }
0x177: {  	vm7 =	veq.f32 v33, $0.0e+00;
	v46 =	vmul.f32 $3.141592740e+00, v26;
	v61 =	vmul.f32 v41, v45  }
0x178: {  	v25 =	vmul.f32 v55, v25;
	v49 =	vcvt.f32.s32 v44;
	v32 =	vsel vm7, $0x3F800000, v60  }
0x179: {  	v42 =	vadd.f32 $8.333319790e-03, v42;
	v58 =	vmul.f32 $1.591549370e-01, v46;
	v37 =	vmul.f32 v61, v52  }
0x17a: {  	v39 =	vadd.f32 v57, v51;
	v57 =	vld.idx.msk [tilespmem:v19+s13+$0x0 ss:$0x1], $0xffff;
	v33 =	vcvt.s32.f32 v49;
	v45 =	vmul.f32 v32, v63  }
0x17b: {  	v32 =	vadd.f32 v53, v24;
	v42 =	vmul.f32 v42, v50;
	v59 =	vand.u32 $0x80000000, v58  }
0x17c: {  	v54 =	vld.idx.msk [tilespmem:v21+s13+$0xFFFFFFF0 ss:$0x1], $0xffff;
	vm8 =	vlt.f32 v58, $0.0e+00;
	vm9 =	vgt.f32 v58, $0.0e+00;
	v37 =	vadd.f32 v37, v52  }
0x17d: {  	v33 =	vmul.f32 $6.283185480e+00, v33;
	v61 =	vor.u32 v59, v0;
	vm0 =	vmor vm9, vm8  }
0x17e: {  	v56 =	vpop (erf);
	v47 =	vmul.f32 $3.141592740e+00, v32;
	v42 =	vadd.f32 $-1.666666570e-01, v42;
	v63 =	vsel vm0, v61, v58  }
0x17f: {  	v37 =	vmul.f32 v37, v56;
	v44 =	vsub.f32 v34, v33;
	v33 =	vadd.f32 v57, v25  }
0x180: {  	v60 =	vmul.f32 $1.591549370e-01, v47;
	v25 =	vmul.f32 $5.000000000e-01, v63  }
0x181: {  	v39 =	vsub.f32 v39, v54;
	v42 =	vmul.f32 v42, v50;
	v51 =	vmul.f32 $3.141592740e+00, v33  }
0x182: {  	v54 =	vand.u32 $0x80000000, v60;
	vm10 =	vlt.f32 v60, $0.0e+00;
	vm11 =	vgt.f32 v60, $0.0e+00  }
0x183: {  	v50 =	vor.u32 v54, v0;
	vm0 =	vmor vm11, vm10;
	v56 =	vmul.f32 $1.591549370e-01, v51  }
0x184: {  	v49 =	vmul.f32 v44, v44;
	v25 =	vadd.f32 v25, v58;
	v55 =	vsel vm0, v50, v60  }
0x185: {  	v57 =	vand.u32 $0x80000000, v56;
	vm12 =	vlt.f32 v56, $0.0e+00;
	vm13 =	vgt.f32 v56, $0.0e+00  }
0x186: {  	v35 =	vmul.f32 $5.000000000e-01, v55;
	vm0 =	vmor vm13, vm12;
	v48 =	vor.u32 v57, v0  }
0x187: {  	(erf) = vrcp.f32 v34;
	v62 =	vmul.f32 $1.360122150e-10, v49;
	v58 =	vsel vm0, v48, v56  }
0x188: {  	v25 =	vtrunc.f32 v25;
	v41 =	vadd.f32 v35, v60;
	v59 =	vmul.f32 $5.000000000e-01, v58  }
0x189: {  	v27 =	vadd.f32 v28, v27;
	(erf) = vrcp.f32 v46;
	v25 =	vcvt.f32.s32 v25  }
0x18a: {  	v24 =	vadd.f32 $-2.472396330e-08, v62;
	v61 =	vtrunc.f32 v41;
	v28 =	vadd.f32 v59, v56  }
0x18b: {  	vm14 =	veq.f32 v29, $0.0e+00;
	v63 =	vld.idx.msk [tilespmem:v2+s13+$0x10 ss:$0x1], $0xffff;
	v25 =	vcvt.s32.f32 v25;
	v62 =	vcvt.f32.s32 v61  }
0x18c: {  	vm15 =	veq.f32 v30, $0.0e+00;
	v24 =	vmul.f32 v24, v49;
	v28 =	vtrunc.f32 v28  }
0x18d: {  	v52 =	vadd.f32 v43, v40;
	v53 =	vcvt.s32.f32 v62;
	v28 =	vcvt.f32.s32 v28  }
0x18e: {  	(erf) = vrcp.f32 v47;
	v37 =	vsel vm14, $0x3F800000, v37;
	v25 =	vmul.f32 $6.283185480e+00, v25  }
0x18f: {  	v60 =	vadd.f32 $2.753515900e-06, v24;
	v54 =	vmul.f32 $6.283185480e+00, v53;
	v28 =	vcvt.s32.f32 v28  }
0x190: {  	v24 =	vadd.f32 v38, v27;
	v27 =	vmul.f32 v37, v63;
	v37 =	vsub.f32 v46, v25  }
0x191: {  	v35 =	vmul.f32 $8.377580640e+00, v39;
	v29 =	vsub.f32 v47, v54;
	v28 =	vmul.f32 $6.283185480e+00, v28  }
0x192: {  	vm8 =	veq.f32 v31, $0.0e+00;
	v42 =	vmul.f32 v42, v36;
	v57 =	vmul.f32 v37, v37  }
0x193: {  	v41 =	vmul.f32 $1.591549370e-01, v35;
	v58 =	vmul.f32 v29, v29;
	v28 =	vsub.f32 v51, v28  }
0x194: {  	vm9 =	veq.f32 v26, $0.0e+00;
	v50 =	vmul.f32 v60, v49;
	v59 =	vmul.f32 $1.360122150e-10, v57  }
0x195: {  	v36 =	vadd.f32 v42, v36;
	v60 =	vmul.f32 $1.360122150e-10, v58;
	v61 =	vmul.f32 v28, v28  }
0x196: {  	vm10 =	veq.f32 v32, $0.0e+00;
	v25 =	vadd.f32 v45, v52;
	v30 =	vadd.f32 $-2.472396330e-08, v59  }
0x197: {  	v55 =	vld.idx.msk [tilespmem:v5+s13+$0x10 ss:$0x1], $0xffff;
	vm4 =	vlt.f32 v41, $0.0e+00;
	v39 =	vadd.f32 $-2.472396330e-08, v60;
	v63 =	vmul.f32 $1.360122150e-10, v61  }
0x198: {  	v56 =	vpop (erf);
	vm5 =	vgt.f32 v41, $0.0e+00;
	(erf) = vrcp.f32 v51;
	v30 =	vmul.f32 v30, v57  }
0x199: {  	v36 =	vmul.f32 v36, v56;
	v39 =	vmul.f32 v39, v58;
	v52 =	vadd.f32 $-2.472396330e-08, v63  }
0x19a: {  	v62 =	vld [tilespmem:s7+$0x0];
	vm0 =	vmor vm5, vm4;
	v38 =	vadd.f32 $-1.984049160e-04, v50;
	v30 =	vadd.f32 $2.753515900e-06, v30  }
0x19b: {  	v36 =	vsel vm15, $0x3F800000, v36;
	v39 =	vadd.f32 $2.753515900e-06, v39;
	v34 =	vmul.f32 v52, v61  }
0x19c: {  	v53 =	vand.u32 $0x80000000, v41;
	v36 =	vmul.f32 v36, v55;
	v30 =	vmul.f32 v30, v57  }
0x19d: {  	v48 =	vor.u32 v53, v0;
	v39 =	vmul.f32 v39, v58;
	v34 =	vadd.f32 $2.753515900e-06, v34  }
0x19e: {  	v38 =	vmul.f32 v38, v49;
	v48 =	vsel vm0, v48, v41;
	v30 =	vadd.f32 $-1.984049160e-04, v30  }
0x19f: {  	v40 =	vadd.f32 v24, v62;
	v39 =	vadd.f32 $-1.984049160e-04, v39;
	v34 =	vmul.f32 v34, v61  }
0x1a0: {  	v48 =	vmul.f32 $5.000000000e-01, v48;
	v38 =	vadd.f32 $8.333319790e-03, v38;
	v30 =	vmul.f32 v30, v57  }
0x1a1: {  	v40 =	vsub.f32 v40, v25;
	v39 =	vmul.f32 v39, v58;
	v34 =	vadd.f32 $-1.984049160e-04, v34  }
0x1a2: {  	v41 =	vadd.f32 v48, v41;
	v38 =	vmul.f32 v38, v49;
	v30 =	vadd.f32 $8.333319790e-03, v30  }
0x1a3: {  	v40 =	vmul.f32 $8.377580640e+00, v40;
	v39 =	vadd.f32 $8.333319790e-03, v39;
	v34 =	vmul.f32 v34, v61  }
0x1a4: {  	v27 =	vadd.f32 v36, v27;
	v41 =	vtrunc.f32 v41;
	v30 =	vmul.f32 v30, v57  }
0x1a5: {  	v38 =	vadd.f32 $-1.666666570e-01, v38;
	v39 =	vmul.f32 v39, v58;
	v34 =	vadd.f32 $8.333319790e-03, v34  }
0x1a6: {  	v41 =	vcvt.f32.s32 v41;
	v46 =	vmul.f32 $1.591549370e-01, v40;
	v30 =	vadd.f32 $-1.666666570e-01, v30  }
0x1a7: {  	v38 =	vmul.f32 v38, v49;
	v39 =	vadd.f32 $-1.666666570e-01, v39;
	v34 =	vmul.f32 v34, v61  }
0x1a8: {  	v41 =	vcvt.s32.f32 v41;
	vm6 =	vlt.f32 v46, $0.0e+00;
	v30 =	vmul.f32 v30, v57  }
0x1a9: {  	v56 =	vld.idx.msk [tilespmem:v11+s13+$0x0 ss:$0x1], $0xffff;
	v38 =	vmul.f32 v38, v44;
	v39 =	vmul.f32 v39, v58;
	v34 =	vadd.f32 $-1.666666570e-01, v34  }
0x1aa: {  	v55 =	vld.idx.msk [tilespmem:v8+s13+$0x0 ss:$0x1], $0xffff;
	vm7 =	vgt.f32 v46, $0.0e+00;
	v60 =	vand.u32 $0x80000000, v46;
	v30 =	vmul.f32 v30, v37  }
0x1ab: {  	v38 =	vadd.f32 v38, v44;
	v58 =	vld.idx.msk [tilespmem:v20+s13+$0x0 ss:$0x1], $0xffff;
	v39 =	vmul.f32 v39, v29;
	v34 =	vmul.f32 v34, v61  }
0x1ac: {  	v54 =	vpop (erf);
	vm0 =	vmor vm7, vm6;
	v44 =	vor.u32 v60, v0;
	v30 =	vadd.f32 v30, v37;
	v61 =	vld [tilespmem:s7+$0xFFFFFFF0]  }
0x1ad: {  	v59 =	vpop (erf);
	v63 =	vld.idx.msk [tilespmem:v14+s13+$0x0 ss:$0x1], $0xffff;
	v38 =	vmul.f32 v38, v54;
	v29 =	vadd.f32 v39, v29;
	v34 =	vmul.f32 v34, v28  }
0x1ae: {  	v47 =	vld.idx.msk [tilespmem:v21+s13+$0x0 ss:$0x1], $0xffff;
	v62 =	vpop (erf);
	v41 =	vmul.f32 $6.283185480e+00, v41;
	v45 =	vsel vm0, v44, v46;
	v30 =	vmul.f32 v30, v59  }
0x1af: {  	v49 =	vld.idx.msk [tilespmem:v17+s13+$0x0 ss:$0x1], $0xffff;
	v57 =	vsel vm8, $0x3F800000, v38;
	v29 =	vmul.f32 v29, v62;
	v48 =	vadd.f32 v34, v28  }
0x1b0: {  	v51 =	vpop (erf);
	v50 =	vmul.f32 $5.000000000e-01, v45;
	v36 =	vmul.f32 v57, v55;
	v30 =	vsel vm9, $0x3F800000, v30  }
0x1b1: {  	v53 =	vld [tilespmem:s7+$0x10];
	v29 =	vsel vm10, $0x3F800000, v29;
	v52 =	vadd.f32 v61, v58;
	v26 =	vmul.f32 v48, v51  }
0x1b2: {  	vm11 =	veq.f32 v33, $0.0e+00;
	v30 =	vmul.f32 v30, v56;
	v29 =	vmul.f32 v29, v63  }
0x1b3: {  	v54 =	vadd.f32 v50, v46;
	v32 =	vsub.f32 v52, v47;
	v33 =	vsel vm11, $0x3F800000, v26  }
0x1b4: {  	v55 =	vadd.f32 v29, v30;
	v26 =	vadd.f32 v36, v27;
	v28 =	vmul.f32 v33, v49  }
0x1b5: {  	v56 =	vtrunc.f32 v54;
	v29 =	vsub.f32 v35, v41;
	v57 =	vmul.f32 $8.377580640e+00, v32  }
0x1b6: {  	v30 =	vcvt.f32.s32 v56;
	v58 =	vadd.f32 v26, v53;
	v27 =	vadd.f32 v28, v55  }
0x1b7: {  	v32 =	vmul.f32 $1.591549370e-01, v57  }
0x1b8: {  	v59 =	vmul.f32 v29, v29;
	v30 =	vcvt.s32.f32 v30;
	v28 =	vsub.f32 v58, v27  }
0x1b9: {  	v60 =	vand.u32 $0x80000000, v32;
	vm12 =	vlt.f32 v32, $0.0e+00;
	vm13 =	vgt.f32 v32, $0.0e+00  }
0x1ba: {  	v30 =	vmul.f32 $6.283185480e+00, v30;
	v34 =	vor.u32 v60, v0;
	vm0 =	vmor vm13, vm12  }
0x1bb: {  	v28 =	vmul.f32 $8.377580640e+00, v28;
	v34 =	vsel vm0, v34, v32  }
0x1bc: {  	v61 =	vmul.f32 $1.360122150e-10, v59;
	v30 =	vsub.f32 v40, v30;
	v34 =	vmul.f32 $5.000000000e-01, v34  }
0x1bd: {  	v62 =	vmul.f32 $1.591549370e-01, v28  }
0x1be: {  	v35 =	vadd.f32 $-2.472396330e-08, v61;
	v63 =	vmul.f32 v30, v30;
	v32 =	vadd.f32 v34, v32  }
0x1bf: {  	v43 =	vand.u32 $0x80000000, v62;
	vm14 =	vlt.f32 v62, $0.0e+00;
	vm15 =	vgt.f32 v62, $0.0e+00  }
0x1c0: {  	v44 =	vmul.f32 $1.360122150e-10, v63;
	v34 =	vor.u32 v43, v0;
	vm0 =	vmor vm15, vm14  }
0x1c1: {  	v35 =	vmul.f32 v35, v59;
	v32 =	vtrunc.f32 v32;
	v34 =	vsel vm0, v34, v62  }
0x1c2: {  	v38 =	vadd.f32 $-2.472396330e-08, v44;
	v32 =	vcvt.f32.s32 v32;
	v34 =	vmul.f32 $5.000000000e-01, v34  }
0x1c3: {  	v35 =	vadd.f32 $2.753515900e-06, v35  }
0x1c4: {  	v45 =	vmul.f32 v38, v63;
	v32 =	vcvt.s32.f32 v32;
	v34 =	vadd.f32 v34, v62  }
0x1c5: {  	v35 =	vmul.f32 v35, v59  }
0x1c6: {  	v36 =	vadd.f32 $2.753515900e-06, v45;
	v32 =	vmul.f32 $6.283185480e+00, v32;
	v34 =	vtrunc.f32 v34  }
0x1c7: {  	v35 =	vadd.f32 $-1.984049160e-04, v35;
	v34 =	vcvt.f32.s32 v34  }
0x1c8: {  	v46 =	vmul.f32 v36, v63;
	v31 =	vsub.f32 v57, v32  }
0x1c9: {  	v35 =	vmul.f32 v35, v59;
	v34 =	vcvt.s32.f32 v34  }
0x1ca: {  	v32 =	vadd.f32 $-1.984049160e-04, v46;
	v36 =	vmul.f32 v31, v31  }
0x1cb: {  	v35 =	vadd.f32 $8.333319790e-03, v35;
	v34 =	vmul.f32 $6.283185480e+00, v34  }
0x1cc: {  	v50 =	vld [tilespmem:s6+$0xFFFFFFE0];
	v32 =	vmul.f32 v32, v63;
	v47 =	vmul.f32 $1.360122150e-10, v36  }
0x1cd: {  	v51 =	vld [tilespmem:s5+$0xFFFFFFE0];
	v48 =	vmul.f32 v35, v59;
	v28 =	vsub.f32 v28, v34  }
0x1ce: {  	v54 =	vld [tilespmem:s6+$0x0];
	v32 =	vadd.f32 $8.333319790e-03, v32;
	v49 =	vadd.f32 $-2.472396330e-08, v47  }
0x1cf: {  	v57 =	vld [tilespmem:s5+$0x0];
	v34 =	vadd.f32 $-1.666666570e-01, v48;
	v39 =	vmul.f32 v28, v28  }
0x1d0: {  	v45 =	vld [tilespmem:s5+$0xFFFFFFF0];
	v32 =	vmul.f32 v32, v63;
	v35 =	vmul.f32 v49, v36  }
0x1d1: {  	v38 =	vand.u32 $0x7FFFFFFF, v50;
	v33 =	vmul.f32 v34, v59;
	v52 =	vmul.f32 $1.360122150e-10, v39  }
0x1d2: {  	v58 =	vmin.f32 v51, $1.000000000e+00;
	v56 =	vsub.f32 $0.0e+00, v38;
	v32 =	vadd.f32 $-1.666666570e-01, v32  }
0x1d3: {  	v53 =	vadd.f32 $2.753515900e-06, v35;
	v33 =	vmul.f32 v33, v29;
	v41 =	vadd.f32 $-2.472396330e-08, v52  }
0x1d4: {  	v32 =	vmul.f32 v32, v63;
	v35 =	vand.u32 $0x7FFFFFFF, v54;
	v63 =	vmin.f32 v57, $1.000000000e+00  }
0x1d5: {  	v62 =	vld [tilespmem:s6+$0xFFFFFFF0];
	v57 =	vmin.f32 v45, $1.000000000e+00;
	v34 =	vmul.f32 v53, v36;
	v41 =	vmul.f32 v41, v39  }
0x1d6: {  	v55 =	vld.idx.msk [tilespmem:v22+s13+$0xFFFFFFF0 ss:$0x1], $0xffff;
	v61 =	vsub.f32 $0.0e+00, v35;
	v29 =	vadd.f32 v33, v29;
	v32 =	vmul.f32 v32, v30  }
0x1d7: {  	v59 =	vld.idx.msk [tilespmem:v23+s13+$0xFFFFFFF0 ss:$0x1], $0xffff;
	v33 =	vmax.f32 v58, v56;
	v34 =	vadd.f32 $-1.984049160e-04, v34;
	v60 =	vadd.f32 $2.753515900e-06, v41  }
0x1d8: {  	v47 =	vld [tilespmem:s6+$0x10];
	v38 =	vadd.f32 v33, v38;
	v33 =	vsub.f32 $1.000000000e+00, v33;
	v46 =	vmax.f32 v63, v61  }
0x1d9: {  	v30 =	vadd.f32 v32, v30;
	v34 =	vmul.f32 v34, v36;
	v37 =	vmul.f32 v60, v39  }
0x1da: {  	v52 =	vand.u32 $0x7FFFFFFF, v62;
	v48 =	vadd.f32 v46, v35;
	v49 =	vsub.f32 $1.000000000e+00, v46  }
0x1db: {  	v50 =	vld [tilespmem:s5+$0x10];
	v38 =	vmul.f32 v38, v55;
	v34 =	vadd.f32 $8.333319790e-03, v34;
	v37 =	vadd.f32 $-1.984049160e-04, v37  }
0x1dc: {  	v33 =	vmul.f32 v33, v59;
	v55 =	vsub.f32 $0.0e+00, v52;
	v24 =	vmul.f32 v24, v48  }
0x1dd: {  	v41 =	vand.u32 $0x7FFFFFFF, v47;
	v34 =	vmul.f32 v34, v36;
	v37 =	vmul.f32 v37, v39  }
0x1de: {  	v25 =	vmul.f32 v25, v49;
	v33 =	vsub.f32 v38, v33;
	v58 =	vsub.f32 $0.0e+00, v41  }
0x1df: {  	v53 =	vld.idx.msk [tilespmem:v22+s13+$0x0 ss:$0x1], $0xffff;
	v29 =	vand.u32 $0x7FFFFFFF, v29;
	v51 =	vadd.f32 $-1.666666570e-01, v34;
	v54 =	vadd.f32 $8.333319790e-03, v37  }
0x1e0: {  	v56 =	vld.idx.msk [tilespmem:v23+s13+$0x0 ss:$0x1], $0xffff;
	v38 =	vmin.f32 v50, $1.000000000e+00;
	v24 =	vsub.f32 v24, v25;
	v33 =	vmul.f32 v33, v33  }
0x1e1: {  	v32 =	vmul.f32 v51, v36;
	v36 =	vmax.f32 v57, v55;
	v35 =	vmul.f32 v54, v39  }
0x1e2: {  	v37 =	vmax.f32 v38, v58;
	v34 =	vadd.f32 v36, v52;
	v36 =	vsub.f32 $1.000000000e+00, v36  }
0x1e3: {  	v24 =	vmul.f32 v24, v24;
	v38 =	vadd.f32 v37, v41;
	v35 =	vadd.f32 $-1.666666570e-01, v35  }
0x1e4: {  	v62 =	vsub.f32 $1.000000000e+00, v37;
	v32 =	vmul.f32 v32, v31;
	v34 =	vmul.f32 v34, v53  }
0x1e5: {  	v30 =	vand.u32 $0x7FFFFFFF, v30;
	v36 =	vmul.f32 v36, v56;
	v60 =	vmul.f32 v35, v39  }
0x1e6: {  	v29 =	vadd.f32 v30, v29;
	v26 =	vmul.f32 v26, v38;
	v27 =	vmul.f32 v27, v62  }
0x1e7: {  	v59 =	vadd.f32 v32, v31;
	v61 =	vsub.f32 v34, v36;
	v31 =	vmul.f32 v60, v28  }
0x1e8: {  	v24 =	vadd.f32 v24, v33;
	v26 =	vsub.f32 v26, v27  }
0x1e9: {  	v25 =	vand.u32 $0x7FFFFFFF, v59;
	v63 =	vmul.f32 v61, v61;
	v28 =	vadd.f32 v31, v28  }
0x1ea: {  	p1 =	seq.s32 s12, $0x1F80;
	v25 =	vadd.f32 v25, v29  }
.Ltmp1:
0x1eb: {  	v26 =	vmul.f32 v26, v26;
	v24 =	vadd.f32 v63, v24;
	v28 =	vand.u32 $0x7FFFFFFF, v28;
	(pc) =	sbr.rel @!p1 .LBB2_6-.Ltmp1, $4  }
0x1ec: {  	v25 =	vadd.f32 v28, v25  }
0x1ed: {  	s17 =	sadd.s32 $0x1, s17;
	v24 =	vadd.f32 v26, v24  }
0x1ee: {  	s12 =	sadd.s32 $0x80, s12;
	s7 =	sadd.s32 $0x40, s7;
	s5 =	sadd.s32 $0x40, s5;
	[tilespmem:s8+$0x0] =	vst v25  }
0x1ef: {  	s6 =	sadd.s32 $0x40, s6;
	s8 =	sadd.s32 $0x10, s8;
	[tilespmem:s9+$0x0] =	vst v24;
	s9 =	sadd.s32 $0x10, s9  }
0x1f0: {  	s5 =	sadd.s32 $0x1D400, s4  }
0x1f1: {  	s4 =	simm.s32 $0x0;
	v2 =	vmov s5;
	s5 =	simm.s32 $0x0  }
.LBB2_8:
0x1f2: {  	s6 =	sshll.u32 s5, $0x4  }
0x1f3: {  	v3 =	vmov s6  }
0x1f4: {  	v3 =	vshll.u32 v3, $0x4  }
0x1f5: {  	v6 =	vor.u32 v1, v3  }
0x1f6: {  	v4 =	vadd.s32 s4, v6;
	_ =	sdelay $0x3  }
0x1f7: {  	s7 =	simm.s32 $0x1  }
0x1f8: {  	v5 =	vadd.s32 s7, v6;
	v7 =	vld.idx.msk [tilespmem:v4+s18+$0x0], $0xffff  }
0x1f9: {  	v4 =	vld.idx.msk [tilespmem:v4+s1+$0x0], $0xffff;
	_ =	sdelay $0x2  }
0x1fa: {  	v3 =	vimm.f32 $0.0e+00  }
0x1fb: {  	s7 =	simm.s32 $0x2;
	v8 =	vld.idx.msk [tilespmem:v5+s18+$0x0], $0xffff;
	v7 =	vadd.f32 v7, v3  }
.LBB2_9:
0x1fc: {  	p1 =	sne.s32 s7, $0xF;
	v3 =	vadd.f32 v4, v3;
	v4 =	vld.idx.msk [tilespmem:v5+s1+$0x0], $0xffff;
	v5 =	vadd.s32 s7, v6;
	s7 =	sadd.s32 $0x1, s7  }
.Ltmp2:
0x1fd: {  	(pc) =	sbr.rel @p1 .LBB2_9-.Ltmp2, $2  }
0x1fe: {  	_ =	sdelay $0x2  }
0x1ff: {  	v7 =	vadd.f32 v8, v7;
	v8 =	vld.idx.msk [tilespmem:v5+s18+$0x0], $0xffff  }
0x200: {  	_ =	sdelay $0x3  }
0x201: {  	v6 =	vadd.f32 v8, v7;
	_ =	sdelay $0x1  }
0x202: {  	v7 =	vshrl.u32 v6, $0x1;
	v8 =	vmul.f32 $5.000000000e-01, v6  }
0x203: {  	v7 =	vsub.s32 $0x5F3759DF, v7  }
0x204: {  	v9 =	vmul.f32 v7, v8;
	_ =	sdelay $0x1  }
0x205: {  	v9 =	vmul.f32 v7, v9;
	_ =	sdelay $0x1  }
0x206: {  	v9 =	vsub.f32 $1.500000000e+00, v9;
	_ =	sdelay $0x1  }
0x207: {  	v7 =	vmul.f32 v7, v9;
	_ =	sdelay $0x1  }
0x208: {  	v9 =	vmul.f32 v7, v8;
	_ =	sdelay $0x1  }
0x209: {  	v9 =	vmul.f32 v9, v7;
	_ =	sdelay $0x1  }
0x20a: {  	v9 =	vsub.f32 $1.500000000e+00, v9;
	_ =	sdelay $0x1  }
0x20b: {  	v7 =	vmul.f32 v9, v7;
	_ =	sdelay $0x1  }
0x20c: {  	v8 =	vmul.f32 v7, v8;
	_ =	sdelay $0x1  }
0x20d: {  	v5 =	vld.idx.msk [tilespmem:v5+s1+$0x0], $0xffff;
	v8 =	vmul.f32 v8, v7;
	_ =	sdelay $0x1  }
0x20e: {  	v8 =	vsub.f32 $1.500000000e+00, v8  }
0x20f: {  	v3 =	vadd.f32 v4, v3  }
0x210: {  	v63 =	vmul.f32 v8, v7  }
0x211: {  	v3 =	vadd.f32 v5, v3  }
0x212: {  	v4 =	vmul.f32 v63, v6  }
0x213: {  	s5 =	sadd.s32 $0x1, s5;
	vm0 =	vgt.f32 v6, $0.0e+00;
	v3 =	vmul.f32 $5.000000000e-01, v3  }
0x214: {  	p1 =	seq.s32 s5, $0x4;
	v4 =	vnsel vm0, $0x0, v4  }
.Ltmp3:
0x215: {  	v3 =	vadd.f32 v4, v3;
	(pc) =	sbr.rel @!p1 .LBB2_8-.Ltmp3, $4  }
0x216: {  	_ = 	snop  }
0x217: {  	v3 =	vsub.f32 $1.200000000e+01, v3  }
0x218: {  	s6 =	sand.u32 $0x3FFFFFF0, s6  }
0x219: {  	[tilespmem:v2+s6+$0x0 ss:$0x1] =	vst.idx.msk $0xffff, v3  }
0x21a: {  	p1 =	seq.s32 s16, $0x8  }
.Ltmp4:
0x21b: {  	_ = 	snop;
	(pc) =	sbr.rel @!p1 .LBB2_5-.Ltmp4, $2  }
0x21c: {  	_ =	sdelay $0x2  }
0x21d: {  	s11 =	sadd.s32 $0x40, s11;
	p0 =	por !p0, !p0  }
0x21e: {  	s13 =	simm.s32 $0x0;
	s4 =	rddreg [dreg:$0x1d];
	s5 =	simm.s32 $0x1D400  }
0x21f: {  	[hbm4b:s4+s13] =	stream.linear.scatter [tilespmem:s5], [sflag:$0x2], $0x200, $0x38;
	[tilespmem:$0x1D600] =	vst v63  }
0x220: {  	s5 =	simm.s32 $0x2  }
0x221: {  	_ =	swait.ge [sflag:s5], $0x200  }
0x222: {  	s6 =	rddreg [dreg:$0x1f]  }
0x223: {  	s24 =	rddreg [dreg:$0x1e];
	s6 =	sadd.s32 $0x1, s6  }
0x224: {  	p0 =	sne.s32 s6, s24  }
.Ltmp5:
0x225: {  	_ = 	snop;
	(pc) =	sbr.rel @p0 .LBB2_1-.Ltmp5, $3  }
0x226: {  	_ =	sdelay $0x1  }
0x227: {  	[sflag:s5] =	ssyncset.done $0x0  }
0x228: {  	s7 =	simm.s32 $0x200;
	s8 =	simm.s32 $0x400;
	[sflag:s5] =	ssyncadd.s32 $0xFFFFFE00  }
0x229: {  	_ =	sfence.sel $0x180000  }
0x22a: {  	[bflag:$0x0] =	sbarrier.arrive $0xFFFF  }
0x22b: {  	_ =	strace $0x90000047  }
0x22c: {  	s0 =	stileid.u32;
	[bflag:$0x2] =	sbarrier.arrive $0xFFFF  }
0x22d: {  	p0 =	sne.s32 s0, $0x0;
	s0 =	rddreg [dreg:$0x8]  }
0x22e: {  	s0 =	sadd.s32 @!p0 $0x100000, s0  }
0x22f: {  	[sflag:s0] =	ssyncadd.tile.s32 @!p0 $0x1;
	_ =	shalt  }
.Lfunc_end2:
_tile_overlayer_lowered:
.L_overlay_start_2:
0x230: {  	(tag) =	ssettag $0x2  }
0x231: {  	s0 =	rddreg [dreg:$0x0];
	s2 =	stileid.u32  }
0x232: {  	s1 =	rddreg [dreg:$0x1];
	p0 =	sne.s32 s2, $0x0  }
0x233: {  	s3 =	rddreg [dreg:$0x2];
	[bflag:$0x3] =	sbarrier.arrive $0xFFFF;
	s2 =	simm.s32 @!p0 $0x1C02  }
0x234: {  	[timem:s3], [sflag:s2] =	dma.local @!p0 [hbm:s0], s1  }
0x235: {  	s0 =	simm.s32 @!p0 $0x2  }
0x236: {  	_ =	swait.ge @!p0 [sflag:s0], s1  }
0x237: {  	s1 =	ssub.s32 @!p0 $0x0, s1;
	[sflag:s0] =	ssyncset.done @!p0 $0x0  }
0x238: {  	[sflag:s0] =	ssyncadd.s32 @!p0 s1  }
0x239: {  	[bflag:$0x3] =	sbarrier.arrive $0xFFFF  }
0x23a: {  	_ =	shalt  }

</sc_bundles>
